<compile_context>
chip_gen: v7x
topology: tpu7x:2x2x1
jax: 0.10.2.dev20260603
libtpu: 0.0.44.dev20260713+nightly
codegen_flags: <defaults>
</compile_context>

<pallas_src>
import jax
import jax.numpy as jnp
from jax import lax
from jax.experimental import pallas as pl
from jax.experimental.pallas import tpu as pltpu
from jax.experimental.pallas import tpu_sc as plsc

N = 131072
C = 190
IGNORE = -1

NC = 2
NS = 16
L = 16
NW = NC * NS
CH = 128
NCH = 16
BPW = CH * NCH
N_SC = NW * BPW

BR = 8192
NB_ALL = N // BR
OFF_B = N_SC // BR
NB_TC = NB_ALL - OFF_B


def _sc_body(logits_hbm, tgt_hbm, sums_hbm, cnts_hbm, tgt_v, buf0, buf1,
             acc_v, cnt_v, sem0, sem1):
    c = lax.axis_index("c")
    s = lax.axis_index("s")
    wid = s * NC + c
    base = wid * BPW

    pltpu.sync_copy(tgt_hbm.at[pl.ds(base, BPW)], tgt_v)

    lanes = lax.iota(jnp.int32, L)
    bufs = (buf0, buf1)
    sems = (sem0, sem1)

    def start(k, buf, sem):
        pltpu.make_async_copy(
            logits_hbm.at[pl.ds(base + k * CH, CH), :], buf, sem).start()

    def drain(buf, sem):
        pltpu.make_async_copy(
            logits_hbm.at[pl.ds(base, CH), :], buf, sem).wait()

    start(0, bufs[0], sems[0])

    zero = jnp.zeros((L,), jnp.float32)
    acc, cnt = zero, zero
    for k in range(NCH):
        b = k & 1
        if k + 1 < NCH:
            start(k + 1, bufs[(k + 1) & 1], sems[(k + 1) & 1])
        drain(bufs[b], sems[b])

        def group(g, carry):
            a, n = carry
            t = tgt_v[pl.ds(k * CH + g * L, L)]
            keep = t != IGNORE
            safe = jnp.where(keep, t, 0)
            rows = g * L + lanes
            x = plsc.load_gather(bufs[b], [rows, safe])
            d = 1.0 - x
            a = a + jnp.where(keep, d * d, 0.0)
            n = n + jnp.where(keep, 1.0, 0.0)
            return a, n

        acc, cnt = lax.fori_loop(0, CH // L, group, (acc, cnt), unroll=4)

    acc_v[...] = acc
    cnt_v[...] = cnt
    pltpu.sync_copy(acc_v, sums_hbm.at[wid])
    pltpu.sync_copy(cnt_v, cnts_hbm.at[wid])


def _tc_body(tgt_ref, logits_ref, out_ref):
    x = logits_ref[...]
    t = tgt_ref[0, 0, :]
    t2 = t.reshape(BR, 1)
    cols = lax.broadcasted_iota(jnp.int32, (BR, C), 1)
    mask = cols == t2
    d = 1.0 - x
    ssum = jnp.sum(jnp.where(mask, d * d, 0.0))
    cnt = jnp.sum((tgt_ref[...] != IGNORE).astype(jnp.float32))
    lane = lax.broadcasted_iota(jnp.int32, (1, 1, 128), 2)
    out_ref[...] = jnp.where(lane == 0, ssum, jnp.where(lane == 1, cnt, 0.0))


@jax.jit
def _ppd_loss(logits, tgt):
    tgt3 = tgt.reshape(NB_ALL, 1, BR)
    tc_out = pl.pallas_call(
        _tc_body,
        grid=(NB_TC,),
        in_specs=[
            pl.BlockSpec((1, 1, BR), lambda b: (b + OFF_B, 0, 0)),
            pl.BlockSpec((BR, C), lambda b: (b + OFF_B, 0)),
        ],
        out_specs=pl.BlockSpec((1, 1, 128), lambda b: (b, 0, 0)),
        out_shape=jax.ShapeDtypeStruct((NB_TC, 1, 128), jnp.float32),
        compiler_params=pltpu.CompilerParams(
            dimension_semantics=("arbitrary",),
        ),
    )(tgt3, logits)

    mesh = plsc.VectorSubcoreMesh(core_axis_name="c", subcore_axis_name="s")
    sc_sums, sc_cnts = pl.kernel(
        _sc_body,
        out_type=[
            jax.ShapeDtypeStruct((NW, L), jnp.float32),
            jax.ShapeDtypeStruct((NW, L), jnp.float32),
        ],
        mesh=mesh,
        compiler_params=pltpu.CompilerParams(needs_layout_passes=False),
        scratch_types=[
            pltpu.VMEM((BPW,), jnp.int32),
            pltpu.VMEM((CH, C), jnp.float32),
            pltpu.VMEM((CH, C), jnp.float32),
            pltpu.VMEM((L,), jnp.float32),
            pltpu.VMEM((L,), jnp.float32),
            pltpu.SemaphoreType.DMA,
            pltpu.SemaphoreType.DMA,
        ],
    )(logits, tgt)

    total = jnp.sum(sc_sums) + jnp.sum(tc_out[:, 0, 0])
    count = jnp.sum(sc_cnts) + jnp.sum(tc_out[:, 0, 1])
    return total / count


def kernel(contrast_logits, contrast_target):
    return _ppd_loss(contrast_logits, contrast_target)

# --- scband reference (transcript-rebuilt; emitter-appended) ---
"""Pipeline reference for scband-ppd-8083128451203 (READ-ONLY COPY).

The authoritative reference and input builder live on the scoring server;
editing this copy changes nothing except your own understanding.
"""

import jax, jax.numpy as jnp
import numpy as np

IGNORE_LABEL = -1

def setup_inputs(seed: int = 0) -> dict:
    key = jax.random.key(seed)
    k1, k2 = jax.random.split(key)
    contrast_logits = jax.random.normal(k1, (131072, 190), dtype=jnp.float32)
    contrast_target = jax.random.randint(k2, (131072,), 0, 190, dtype=jnp.int64 if jax.config.read('jax_enable_x64') else jnp.int32).astype(jnp.int32)
    return {"contrast_logits": contrast_logits, "contrast_target": contrast_target}

def reference(contrast_logits, contrast_target):
    # mask out ignore-label entries (fixed-shape masked equivalent)
    keep = contrast_target != IGNORE_LABEL
    safe_target = jnp.where(keep, contrast_target, 0)
    # torch.gather(contrast_logits, 1, target[:, None]) -> take_along_axis on axis 1
    logits = jnp.take_along_axis(contrast_logits, safe_target[:, None].astype(jnp.int32), axis=1)
    sq_err = (1.0 - logits) ** 2
    keep_f = keep.astype(sq_err.dtype)[:, None]
    loss_ppd = jnp.sum(sq_err * keep_f) / jnp.sum(keep_f)
    return loss_ppd

if __name__ == "__main__":
    import jax
    _d = setup_inputs()
    print(jax.jit(kernel)(*tuple(_d.values())))

</pallas_src>

<mosaic_0001>
#map = affine_map<(d0, d1) -> (0, 0)>
#map1 = affine_map<(d0, d1) -> (0)>
module attributes {stable_mosaic.version = 14 : i64} {
  func.func @_sc_body(%arg0: i32, %arg1: i32, %arg2: memref<131072x190xf32, #tpu.memory_space<hbm>>, %arg3: memref<131072xi32, #tpu.memory_space<hbm>>, %arg4: memref<32x16xf32, #tpu.memory_space<hbm>>, %arg5: memref<32x16xf32, #tpu.memory_space<hbm>>, %arg6: memref<2048xi32, #tpu.memory_space<vmem>>, %arg7: memref<128x190xf32, #tpu.memory_space<vmem>>, %arg8: memref<128x190xf32, #tpu.memory_space<vmem>>, %arg9: memref<16xf32, #tpu.memory_space<vmem>>, %arg10: memref<16xf32, #tpu.memory_space<vmem>>, %arg11: memref<!tpu.dma_semaphore, #tpu.memory_space<semaphore_mem>>, %arg12: memref<!tpu.dma_semaphore, #tpu.memory_space<semaphore_mem>>) attributes {dimension_semantics = [#tpu.dimension_semantics<core_parallel>, #tpu.dimension_semantics<subcore_parallel>], iteration_bounds = array<i64: 2, 16>, scalar_prefetch = 0 : i64, scratch_operands = 7 : i64, tpu.core_type = #tpu.core_type<sc_vector_subcore>, window_params = [{transform_indices = #map}, {transform_indices = #map1}, {transform_indices = #map}, {transform_indices = #map}]} {
    %mul3A = arith.constant 2 : i32
    %mul3A_0 = arith.muli %arg1, %mul3A : i32
    %add3A = arith.addi %mul3A_0, %arg0 : i32
    %mul3A_1 = arith.constant 2048 : i32
    %mul3A_2 = arith.muli %add3A, %mul3A_1 : i32
    "tpu.region"() ({
      %run_scoped3A = tpu.sem_alloc : memref<!tpu.dma_semaphore, #tpu.memory_space<semaphore_mem>>
      %dma_start3A_260 = tpu.memref_slice %arg3[%mul3A_2] : memref<131072xi32, #tpu.memory_space<hbm>> -> memref<2048xi32, #tpu.memory_space<hbm>>
      %dma_start3A_261 = tpu.memref_slice %arg3[%mul3A_2] : memref<131072xi32, #tpu.memory_space<hbm>> -> memref<2048xi32, #tpu.memory_space<hbm>>
      tpu.enqueue_dma source(%dma_start3A_261 : memref<2048xi32, #tpu.memory_space<hbm>>) target(%arg6 : memref<2048xi32, #tpu.memory_space<vmem>>) target_semaphore(%run_scoped3A : memref<!tpu.dma_semaphore, #tpu.memory_space<semaphore_mem>>)
      %dma_wait3A_262 = tpu.memref_slice %arg3[%mul3A_2] : memref<131072xi32, #tpu.memory_space<hbm>> -> memref<2048xi32, #tpu.memory_space<hbm>>
      %dma_wait3A_263 = tpu.memref_slice %arg3[%mul3A_2] : memref<131072xi32, #tpu.memory_space<hbm>> -> memref<2048xi32, #tpu.memory_space<hbm>>
      tpu.wait_dma2 semaphore(%run_scoped3A : memref<!tpu.dma_semaphore, #tpu.memory_space<semaphore_mem>>) src(%dma_wait3A_263 : memref<2048xi32, #tpu.memory_space<hbm>>) dst(%arg6 : memref<2048xi32, #tpu.memory_space<vmem>>)
      tpu.yield
    }) : () -> ()
    %iota3A = tpu.iota {dimensions = array<i32: 0>} : vector<16xi32>
    %add3A_3 = arith.constant 0 : i32
    %add3A_4 = arith.addi %mul3A_2, %add3A_3 : i32
    %dma_start3A = arith.constant 0 : i32
    %dma_start3A_5 = tpu.memref_slice %arg2[%add3A_4, %dma_start3A] : memref<131072x190xf32, #tpu.memory_space<hbm>> -> memref<128x190xf32, #tpu.memory_space<hbm>>
    %dma_start3A_6 = arith.constant 0 : i32
    %dma_start3A_7 = tpu.memref_slice %arg2[%add3A_4, %dma_start3A_6] : memref<131072x190xf32, #tpu.memory_space<hbm>> -> memref<128x190xf32, #tpu.memory_space<hbm>>
    tpu.enqueue_dma source(%dma_start3A_7 : memref<128x190xf32, #tpu.memory_space<hbm>>) target(%arg7 : memref<128x190xf32, #tpu.memory_space<vmem>>) target_semaphore(%arg11 : memref<!tpu.dma_semaphore, #tpu.memory_space<semaphore_mem>>)
    %broadcast_in_dim3A = arith.constant 0.000000e+00 : f32
    %broadcast_in_dim3A_8 = vector.broadcast %broadcast_in_dim3A : f32 to vector<16xf32>
    %add3A_9 = arith.constant 128 : i32
    %add3A_10 = arith.addi %mul3A_2, %add3A_9 : i32
    %dma_start3A_11 = arith.constant 0 : i32
    %dma_start3A_12 = tpu.memref_slice %arg2[%add3A_10, %dma_start3A_11] : memref<131072x190xf32, #tpu.memory_space<hbm>> -> memref<128x190xf32, #tpu.memory_space<hbm>>
    %dma_start3A_13 = arith.constant 0 : i32
    %dma_start3A_14 = tpu.memref_slice %arg2[%add3A_10, %dma_start3A_13] : memref<131072x190xf32, #tpu.memory_space<hbm>> -> memref<128x190xf32, #tpu.memory_space<hbm>>
    tpu.enqueue_dma source(%dma_start3A_14 : memref<128x190xf32, #tpu.memory_space<hbm>>) target(%arg8 : memref<128x190xf32, #tpu.memory_space<vmem>>) target_semaphore(%arg12 : memref<!tpu.dma_semaphore, #tpu.memory_space<semaphore_mem>>)
    %dma_wait3A = arith.constant 0 : i32
    %dma_wait3A_15 = tpu.memref_slice %arg2[%mul3A_2, %dma_wait3A] : memref<131072x190xf32, #tpu.memory_space<hbm>> -> memref<128x190xf32, #tpu.memory_space<hbm>>
    %dma_wait3A_16 = arith.constant 0 : i32
    %dma_wait3A_17 = tpu.memref_slice %arg2[%mul3A_2, %dma_wait3A_16] : memref<131072x190xf32, #tpu.memory_space<hbm>> -> memref<128x190xf32, #tpu.memory_space<hbm>>
    tpu.wait_dma2 semaphore(%arg11 : memref<!tpu.dma_semaphore, #tpu.memory_space<semaphore_mem>>) src(%dma_wait3A_17 : memref<128x190xf32, #tpu.memory_space<hbm>>) dst(%arg7 : memref<128x190xf32, #tpu.memory_space<vmem>>)
    %scan3A = arith.constant 0 : i32
    %scan3A_18 = arith.constant 8 : i32
    %scan3A_19 = arith.addi %scan3A, %scan3A_18 : i32
    %scan3A_20 = arith.constant 4 : i32
    %scan3A_21:2 = scf.for %scan3A_260 = %scan3A to %scan3A_19 step %scan3A_20 iter_args(%scan3A_261 = %broadcast_in_dim3A_8, %scan3A_262 = %broadcast_in_dim3A_8) -> (vector<16xf32>, vector<16xf32>)  : i32 {
      %mul3A_263 = arith.constant 16 : i32
      %mul3A_264 = arith.muli %scan3A_260, %mul3A_263 : i32
      %add3A_265 = arith.constant 0 : i32
      %add3A_266 = arith.addi %add3A_265, %mul3A_264 : i32
      %get3A = arith.index_cast %add3A_266 : i32 to index
      %get3A_267 = tpu.vector_load %arg6[%get3A] {strides = array<i32>} : memref<2048xi32, #tpu.memory_space<vmem>>, vector<16xi32>,
      %ne3A = arith.constant -1 : i32
      %ne3A_268 = vector.broadcast %ne3A : i32 to vector<16xi32>
      %ne3A_269 = arith.cmpi ne, %get3A_267, %ne3A_268 : vector<16xi32>
      %jit3A = arith.constant 0 : i32
      %broadcast_in_dim3A_270 = vector.broadcast %jit3A : i32 to vector<16xi32>
      %select_n3A = arith.select %ne3A_269, %get3A_267, %broadcast_in_dim3A_270 : vector<16xi1>, vector<16xi32>
      %mul3A_271 = arith.constant 16 : i32
      %mul3A_272 = arith.muli %scan3A_260, %mul3A_271 : i32
      %add3A_273 = vector.broadcast %mul3A_272 : i32 to vector<16xi32>
      %add3A_274 = arith.addi %add3A_273, %iota3A : vector<16xi32>
      %gather3A = tpu.vector_load_idx %arg7[%add3A_274, %select_n3A] : memref<128x190xf32, #tpu.memory_space<vmem>>[vector<16xi32>, vector<16xi32>], vector<16xf32>,
      %sub3A = arith.constant 1.000000e+00 : f32
      %sub3A_275 = vector.broadcast %sub3A : f32 to vector<16xf32>
      %sub3A_276 = arith.subf %sub3A_275, %gather3A : vector<16xf32>
      %mul3A_277 = arith.mulf %sub3A_276, %sub3A_276 : vector<16xf32>
      %jit3A_278 = arith.constant 0.000000e+00 : f32
      %broadcast_in_dim3A_279 = vector.broadcast %jit3A_278 : f32 to vector<16xf32>
      %select_n3A_280 = arith.select %ne3A_269, %mul3A_277, %broadcast_in_dim3A_279 : vector<16xi1>, vector<16xf32>
      %add3A_281 = arith.addf %scan3A_261, %select_n3A_280 : vector<16xf32>
      %jit3A_282 = arith.constant 1.000000e+00 : f32
      %jit3A_283 = arith.constant 0.000000e+00 : f32
      %broadcast_in_dim3A_284 = vector.broadcast %jit3A_282 : f32 to vector<16xf32>
      %broadcast_in_dim3A_285 = vector.broadcast %jit3A_283 : f32 to vector<16xf32>
      %select_n3A_286 = arith.select %ne3A_269, %broadcast_in_dim3A_284, %broadcast_in_dim3A_285 : vector<16xi1>, vector<16xf32>
      %add3A_287 = arith.addf %scan3A_262, %select_n3A_286 : vector<16xf32>
      %scan3A_288 = arith.constant 1 : i32
      %scan3A_289 = arith.addi %scan3A_260, %scan3A_288 : i32
      %mul3A_290 = arith.constant 16 : i32
      %mul3A_291 = arith.muli %scan3A_289, %mul3A_290 : i32
      %add3A_292 = arith.constant 0 : i32
      %add3A_293 = arith.addi %add3A_292, %mul3A_291 : i32
      %get3A_294 = arith.index_cast %add3A_293 : i32 to index
      %get3A_295 = tpu.vector_load %arg6[%get3A_294] {strides = array<i32>} : memref<2048xi32, #tpu.memory_space<vmem>>, vector<16xi32>,
      %ne3A_296 = arith.constant -1 : i32
      %ne3A_297 = vector.broadcast %ne3A_296 : i32 to vector<16xi32>
      %ne3A_298 = arith.cmpi ne, %get3A_295, %ne3A_297 : vector<16xi32>
      %jit3A_299 = arith.constant 0 : i32
      %broadcast_in_dim3A_300 = vector.broadcast %jit3A_299 : i32 to vector<16xi32>
      %select_n3A_301 = arith.select %ne3A_298, %get3A_295, %broadcast_in_dim3A_300 : vector<16xi1>, vector<16xi32>
      %mul3A_302 = arith.constant 16 : i32
      %mul3A_303 = arith.muli %scan3A_289, %mul3A_302 : i32
      %add3A_304 = vector.broadcast %mul3A_303 : i32 to vector<16xi32>
      %add3A_305 = arith.addi %add3A_304, %iota3A : vector<16xi32>
      %gather3A_306 = tpu.vector_load_idx %arg7[%add3A_305, %select_n3A_301] : memref<128x190xf32, #tpu.memory_space<vmem>>[vector<16xi32>, vector<16xi32>], vector<16xf32>,
      %sub3A_307 = arith.constant 1.000000e+00 : f32
      %sub3A_308 = vector.broadcast %sub3A_307 : f32 to vector<16xf32>
      %sub3A_309 = arith.subf %sub3A_308, %gather3A_306 : vector<16xf32>
      %mul3A_310 = arith.mulf %sub3A_309, %sub3A_309 : vector<16xf32>
      %jit3A_311 = arith.constant 0.000000e+00 : f32
      %broadcast_in_dim3A_312 = vector.broadcast %jit3A_311 : f32 to vector<16xf32>
      %select_n3A_313 = arith.select %ne3A_298, %mul3A_310, %broadcast_in_dim3A_312 : vector<16xi1>, vector<16xf32>
      %add3A_314 = arith.addf %add3A_281, %select_n3A_313 : vector<16xf32>
      %jit3A_315 = arith.constant 1.000000e+00 : f32
      %jit3A_316 = arith.constant 0.000000e+00 : f32
      %broadcast_in_dim3A_317 = vector.broadcast %jit3A_315 : f32 to vector<16xf32>
      %broadcast_in_dim3A_318 = vector.broadcast %jit3A_316 : f32 to vector<16xf32>
      %select_n3A_319 = arith.select %ne3A_298, %broadcast_in_dim3A_317, %broadcast_in_dim3A_318 : vector<16xi1>, vector<16xf32>
      %add3A_320 = arith.addf %add3A_287, %select_n3A_319 : vector<16xf32>
      %scan3A_321 = arith.constant 2 : i32
      %scan3A_322 = arith.addi %scan3A_260, %scan3A_321 : i32
      %mul3A_323 = arith.constant 16 : i32
      %mul3A_324 = arith.muli %scan3A_322, %mul3A_323 : i32
      %add3A_325 = arith.constant 0 : i32
      %add3A_326 = arith.addi %add3A_325, %mul3A_324 : i32
      %get3A_327 = arith.index_cast %add3A_326 : i32 to index
      %get3A_328 = tpu.vector_load %arg6[%get3A_327] {strides = array<i32>} : memref<2048xi32, #tpu.memory_space<vmem>>, vector<16xi32>,
      %ne3A_329 = arith.constant -1 : i32
      %ne3A_330 = vector.broadcast %ne3A_329 : i32 to vector<16xi32>
      %ne3A_331 = arith.cmpi ne, %get3A_328, %ne3A_330 : vector<16xi32>
      %jit3A_332 = arith.constant 0 : i32
      %broadcast_in_dim3A_333 = vector.broadcast %jit3A_332 : i32 to vector<16xi32>
      %select_n3A_334 = arith.select %ne3A_331, %get3A_328, %broadcast_in_dim3A_333 : vector<16xi1>, vector<16xi32>
      %mul3A_335 = arith.constant 16 : i32
      %mul3A_336 = arith.muli %scan3A_322, %mul3A_335 : i32
      %add3A_337 = vector.broadcast %mul3A_336 : i32 to vector<16xi32>
      %add3A_338 = arith.addi %add3A_337, %iota3A : vector<16xi32>
      %gather3A_339 = tpu.vector_load_idx %arg7[%add3A_338, %select_n3A_334] : memref<128x190xf32, #tpu.memory_space<vmem>>[vector<16xi32>, vector<16xi32>], vector<16xf32>,
      %sub3A_340 = arith.constant 1.000000e+00 : f32
      %sub3A_341 = vector.broadcast %sub3A_340 : f32 to vector<16xf32>
      %sub3A_342 = arith.subf %sub3A_341, %gather3A_339 : vector<16xf32>
      %mul3A_343 = arith.mulf %sub3A_342, %sub3A_342 : vector<16xf32>
      %jit3A_344 = arith.constant 0.000000e+00 : f32
      %broadcast_in_dim3A_345 = vector.broadcast %jit3A_344 : f32 to vector<16xf32>
      %select_n3A_346 = arith.select %ne3A_331, %mul3A_343, %broadcast_in_dim3A_345 : vector<16xi1>, vector<16xf32>
      %add3A_347 = arith.addf %add3A_314, %select_n3A_346 : vector<16xf32>
      %jit3A_348 = arith.constant 1.000000e+00 : f32
      %jit3A_349 = arith.constant 0.000000e+00 : f32
      %broadcast_in_dim3A_350 = vector.broadcast %jit3A_348 : f32 to vector<16xf32>
      %broadcast_in_dim3A_351 = vector.broadcast %jit3A_349 : f32 to vector<16xf32>
      %select_n3A_352 = arith.select %ne3A_331, %broadcast_in_dim3A_350, %broadcast_in_dim3A_351 : vector<16xi1>, vector<16xf32>
      %add3A_353 = arith.addf %add3A_320, %select_n3A_352 : vector<16xf32>
      %scan3A_354 = arith.constant 3 : i32
      %scan3A_355 = arith.addi %scan3A_260, %scan3A_354 : i32
      %mul3A_356 = arith.constant 16 : i32
      %mul3A_357 = arith.muli %scan3A_355, %mul3A_356 : i32
      %add3A_358 = arith.constant 0 : i32
      %add3A_359 = arith.addi %add3A_358, %mul3A_357 : i32
      %get3A_360 = arith.index_cast %add3A_359 : i32 to index
      %get3A_361 = tpu.vector_load %arg6[%get3A_360] {strides = array<i32>} : memref<2048xi32, #tpu.memory_space<vmem>>, vector<16xi32>,
      %ne3A_362 = arith.constant -1 : i32
      %ne3A_363 = vector.broadcast %ne3A_362 : i32 to vector<16xi32>
      %ne3A_364 = arith.cmpi ne, %get3A_361, %ne3A_363 : vector<16xi32>
      %jit3A_365 = arith.constant 0 : i32
      %broadcast_in_dim3A_366 = vector.broadcast %jit3A_365 : i32 to vector<16xi32>
      %select_n3A_367 = arith.select %ne3A_364, %get3A_361, %broadcast_in_dim3A_366 : vector<16xi1>, vector<16xi32>
      %mul3A_368 = arith.constant 16 : i32
      %mul3A_369 = arith.muli %scan3A_355, %mul3A_368 : i32
      %add3A_370 = vector.broadcast %mul3A_369 : i32 to vector<16xi32>
      %add3A_371 = arith.addi %add3A_370, %iota3A : vector<16xi32>
      %gather3A_372 = tpu.vector_load_idx %arg7[%add3A_371, %select_n3A_367] : memref<128x190xf32, #tpu.memory_space<vmem>>[vector<16xi32>, vector<16xi32>], vector<16xf32>,
      %sub3A_373 = arith.constant 1.000000e+00 : f32
      %sub3A_374 = vector.broadcast %sub3A_373 : f32 to vector<16xf32>
      %sub3A_375 = arith.subf %sub3A_374, %gather3A_372 : vector<16xf32>
      %mul3A_376 = arith.mulf %sub3A_375, %sub3A_375 : vector<16xf32>
      %jit3A_377 = arith.constant 0.000000e+00 : f32
      %broadcast_in_dim3A_378 = vector.broadcast %jit3A_377 : f32 to vector<16xf32>
      %select_n3A_379 = arith.select %ne3A_364, %mul3A_376, %broadcast_in_dim3A_378 : vector<16xi1>, vector<16xf32>
      %add3A_380 = arith.addf %add3A_347, %select_n3A_379 : vector<16xf32>
      %jit3A_381 = arith.constant 1.000000e+00 : f32
      %jit3A_382 = arith.constant 0.000000e+00 : f32
      %broadcast_in_dim3A_383 = vector.broadcast %jit3A_381 : f32 to vector<16xf32>
      %broadcast_in_dim3A_384 = vector.broadcast %jit3A_382 : f32 to vector<16xf32>
      %select_n3A_385 = arith.select %ne3A_364, %broadcast_in_dim3A_383, %broadcast_in_dim3A_384 : vector<16xi1>, vector<16xf32>
      %add3A_386 = arith.addf %add3A_353, %select_n3A_385 : vector<16xf32>
      scf.yield %add3A_380, %add3A_386 : vector<16xf32>, vector<16xf32>
    }
    %scan3A_22 = arith.constant 8 : i32
    %add3A_23 = arith.constant 256 : i32
    %add3A_24 = arith.addi %mul3A_2, %add3A_23 : i32
    %dma_start3A_25 = arith.constant 0 : i32
    %dma_start3A_26 = tpu.memref_slice %arg2[%add3A_24, %dma_start3A_25] : memref<131072x190xf32, #tpu.memory_space<hbm>> -> memref<128x190xf32, #tpu.memory_space<hbm>>
    %dma_start3A_27 = arith.constant 0 : i32
    %dma_start3A_28 = tpu.memref_slice %arg2[%add3A_24, %dma_start3A_27] : memref<131072x190xf32, #tpu.memory_space<hbm>> -> memref<128x190xf32, #tpu.memory_space<hbm>>
    tpu.enqueue_dma source(%dma_start3A_28 : memref<128x190xf32, #tpu.memory_space<hbm>>) target(%arg7 : memref<128x190xf32, #tpu.memory_space<vmem>>) target_semaphore(%arg11 : memref<!tpu.dma_semaphore, #tpu.memory_space<semaphore_mem>>)
    %dma_wait3A_29 = arith.constant 0 : i32
    %dma_wait3A_30 = tpu.memref_slice %arg2[%mul3A_2, %dma_wait3A_29] : memref<131072x190xf32, #tpu.memory_space<hbm>> -> memref<128x190xf32, #tpu.memory_space<hbm>>
    %dma_wait3A_31 = arith.constant 0 : i32
    %dma_wait3A_32 = tpu.memref_slice %arg2[%mul3A_2, %dma_wait3A_31] : memref<131072x190xf32, #tpu.memory_space<hbm>> -> memref<128x190xf32, #tpu.memory_space<hbm>>
    tpu.wait_dma2 semaphore(%arg12 : memref<!tpu.dma_semaphore, #tpu.memory_space<semaphore_mem>>) src(%dma_wait3A_32 : memref<128x190xf32, #tpu.memory_space<hbm>>) dst(%arg8 : memref<128x190xf32, #tpu.memory_space<vmem>>)
    %scan3A_33 = arith.constant 0 : i32
    %scan3A_34 = arith.constant 8 : i32
    %scan3A_35 = arith.addi %scan3A_33, %scan3A_34 : i32
    %scan3A_36 = arith.constant 4 : i32
    %scan3A_37:2 = scf.for %scan3A_260 = %scan3A_33 to %scan3A_35 step %scan3A_36 iter_args(%scan3A_261 = %scan3A_21#0, %scan3A_262 = %scan3A_21#1) -> (vector<16xf32>, vector<16xf32>)  : i32 {
      %mul3A_263 = arith.constant 16 : i32
      %mul3A_264 = arith.muli %scan3A_260, %mul3A_263 : i32
      %add3A_265 = arith.constant 128 : i32
      %add3A_266 = arith.addi %add3A_265, %mul3A_264 : i32
      %get3A = arith.index_cast %add3A_266 : i32 to index
      %get3A_267 = tpu.vector_load %arg6[%get3A] {strides = array<i32>} : memref<2048xi32, #tpu.memory_space<vmem>>, vector<16xi32>,
      %ne3A = arith.constant -1 : i32
      %ne3A_268 = vector.broadcast %ne3A : i32 to vector<16xi32>
      %ne3A_269 = arith.cmpi ne, %get3A_267, %ne3A_268 : vector<16xi32>
      %jit3A = arith.constant 0 : i32
      %broadcast_in_dim3A_270 = vector.broadcast %jit3A : i32 to vector<16xi32>
      %select_n3A = arith.select %ne3A_269, %get3A_267, %broadcast_in_dim3A_270 : vector<16xi1>, vector<16xi32>
      %mul3A_271 = arith.constant 16 : i32
      %mul3A_272 = arith.muli %scan3A_260, %mul3A_271 : i32
      %add3A_273 = vector.broadcast %mul3A_272 : i32 to vector<16xi32>
      %add3A_274 = arith.addi %add3A_273, %iota3A : vector<16xi32>
      %gather3A = tpu.vector_load_idx %arg8[%add3A_274, %select_n3A] : memref<128x190xf32, #tpu.memory_space<vmem>>[vector<16xi32>, vector<16xi32>], vector<16xf32>,
      %sub3A = arith.constant 1.000000e+00 : f32
      %sub3A_275 = vector.broadcast %sub3A : f32 to vector<16xf32>
      %sub3A_276 = arith.subf %sub3A_275, %gather3A : vector<16xf32>
      %mul3A_277 = arith.mulf %sub3A_276, %sub3A_276 : vector<16xf32>
      %jit3A_278 = arith.constant 0.000000e+00 : f32
      %broadcast_in_dim3A_279 = vector.broadcast %jit3A_278 : f32 to vector<16xf32>
      %select_n3A_280 = arith.select %ne3A_269, %mul3A_277, %broadcast_in_dim3A_279 : vector<16xi1>, vector<16xf32>
      %add3A_281 = arith.addf %scan3A_261, %select_n3A_280 : vector<16xf32>
      %jit3A_282 = arith.constant 1.000000e+00 : f32
      %jit3A_283 = arith.constant 0.000000e+00 : f32
      %broadcast_in_dim3A_284 = vector.broadcast %jit3A_282 : f32 to vector<16xf32>
      %broadcast_in_dim3A_285 = vector.broadcast %jit3A_283 : f32 to vector<16xf32>
      %select_n3A_286 = arith.select %ne3A_269, %broadcast_in_dim3A_284, %broadcast_in_dim3A_285 : vector<16xi1>, vector<16xf32>
      %add3A_287 = arith.addf %scan3A_262, %select_n3A_286 : vector<16xf32>
      %scan3A_288 = arith.constant 1 : i32
      %scan3A_289 = arith.addi %scan3A_260, %scan3A_288 : i32
      %mul3A_290 = arith.constant 16 : i32
      %mul3A_291 = arith.muli %scan3A_289, %mul3A_290 : i32
      %add3A_292 = arith.constant 128 : i32
      %add3A_293 = arith.addi %add3A_292, %mul3A_291 : i32
      %get3A_294 = arith.index_cast %add3A_293 : i32 to index
      %get3A_295 = tpu.vector_load %arg6[%get3A_294] {strides = array<i32>} : memref<2048xi32, #tpu.memory_space<vmem>>, vector<16xi32>,
      %ne3A_296 = arith.constant -1 : i32
      %ne3A_297 = vector.broadcast %ne3A_296 : i32 to vector<16xi32>
      %ne3A_298 = arith.cmpi ne, %get3A_295, %ne3A_297 : vector<16xi32>
      %jit3A_299 = arith.constant 0 : i32
      %broadcast_in_dim3A_300 = vector.broadcast %jit3A_299 : i32 to vector<16xi32>
      %select_n3A_301 = arith.select %ne3A_298, %get3A_295, %broadcast_in_dim3A_300 : vector<16xi1>, vector<16xi32>
      %mul3A_302 = arith.constant 16 : i32
      %mul3A_303 = arith.muli %scan3A_289, %mul3A_302 : i32
      %add3A_304 = vector.broadcast %mul3A_303 : i32 to vector<16xi32>
      %add3A_305 = arith.addi %add3A_304, %iota3A : vector<16xi32>
      %gather3A_306 = tpu.vector_load_idx %arg8[%add3A_305, %select_n3A_301] : memref<128x190xf32, #tpu.memory_space<vmem>>[vector<16xi32>, vector<16xi32>], vector<16xf32>,
      %sub3A_307 = arith.constant 1.000000e+00 : f32
      %sub3A_308 = vector.broadcast %sub3A_307 : f32 to vector<16xf32>
      %sub3A_309 = arith.subf %sub3A_308, %gather3A_306 : vector<16xf32>
      %mul3A_310 = arith.mulf %sub3A_309, %sub3A_309 : vector<16xf32>
      %jit3A_311 = arith.constant 0.000000e+00 : f32
      %broadcast_in_dim3A_312 = vector.broadcast %jit3A_311 : f32 to vector<16xf32>
      %select_n3A_313 = arith.select %ne3A_298, %mul3A_310, %broadcast_in_dim3A_312 : vector<16xi1>, vector<16xf32>
      %add3A_314 = arith.addf %add3A_281, %select_n3A_313 : vector<16xf32>
      %jit3A_315 = arith.constant 1.000000e+00 : f32
      %jit3A_316 = arith.constant 0.000000e+00 : f32
      %broadcast_in_dim3A_317 = vector.broadcast %jit3A_315 : f32 to vector<16xf32>
      %broadcast_in_dim3A_318 = vector.broadcast %jit3A_316 : f32 to vector<16xf32>
      %select_n3A_319 = arith.select %ne3A_298, %broadcast_in_dim3A_317, %broadcast_in_dim3A_318 : vector<16xi1>, vector<16xf32>
      %add3A_320 = arith.addf %add3A_287, %select_n3A_319 : vector<16xf32>
      %scan3A_321 = arith.constant 2 : i32
      %scan3A_322 = arith.addi %scan3A_260, %scan3A_321 : i32
      %mul3A_323 = arith.constant 16 : i32
      %mul3A_324 = arith.muli %scan3A_322, %mul3A_323 : i32
      %add3A_325 = arith.constant 128 : i32
      %add3A_326 = arith.addi %add3A_325, %mul3A_324 : i32
      %get3A_327 = arith.index_cast %add3A_326 : i32 to index
      %get3A_328 = tpu.vector_load %arg6[%get3A_327] {strides = array<i32>} : memref<2048xi32, #tpu.memory_space<vmem>>, vector<16xi32>,
      %ne3A_329 = arith.constant -1 : i32
      %ne3A_330 = vector.broadcast %ne3A_329 : i32 to vector<16xi32>
      %ne3A_331 = arith.cmpi ne, %get3A_328, %ne3A_330 : vector<16xi32>
      %jit3A_332 = arith.constant 0 : i32
      %broadcast_in_dim3A_333 = vector.broadcast %jit3A_332 : i32 to vector<16xi32>
      %select_n3A_334 = arith.select %ne3A_331, %get3A_328, %broadcast_in_dim3A_333 : vector<16xi1>, vector<16xi32>
      %mul3A_335 = arith.constant 16 : i32
      %mul3A_336 = arith.muli %scan3A_322, %mul3A_335 : i32
      %add3A_337 = vector.broadcast %mul3A_336 : i32 to vector<16xi32>
      %add3A_338 = arith.addi %add3A_337, %iota3A : vector<16xi32>
      %gather3A_339 = tpu.vector_load_idx %arg8[%add3A_338, %select_n3A_334] : memref<128x190xf32, #tpu.memory_space<vmem>>[vector<16xi32>, vector<16xi32>], vector<16xf32>,
      %sub3A_340 = arith.constant 1.000000e+00 : f32
      %sub3A_341 = vector.broadcast %sub3A_340 : f32 to vector<16xf32>
      %sub3A_342 = arith.subf %sub3A_341, %gather3A_339 : vector<16xf32>
      %mul3A_343 = arith.mulf %sub3A_342, %sub3A_342 : vector<16xf32>
      %jit3A_344 = arith.constant 0.000000e+00 : f32
      %broadcast_in_dim3A_345 = vector.broadcast %jit3A_344 : f32 to vector<16xf32>
      %select_n3A_346 = arith.select %ne3A_331, %mul3A_343, %broadcast_in_dim3A_345 : vector<16xi1>, vector<16xf32>
      %add3A_347 = arith.addf %add3A_314, %select_n3A_346 : vector<16xf32>
      %jit3A_348 = arith.constant 1.000000e+00 : f32
      %jit3A_349 = arith.constant 0.000000e+00 : f32
      %broadcast_in_dim3A_350 = vector.broadcast %jit3A_348 : f32 to vector<16xf32>
      %broadcast_in_dim3A_351 = vector.broadcast %jit3A_349 : f32 to vector<16xf32>
      %select_n3A_352 = arith.select %ne3A_331, %broadcast_in_dim3A_350, %broadcast_in_dim3A_351 : vector<16xi1>, vector<16xf32>
      %add3A_353 = arith.addf %add3A_320, %select_n3A_352 : vector<16xf32>
      %scan3A_354 = arith.constant 3 : i32
      %scan3A_355 = arith.addi %scan3A_260, %scan3A_354 : i32
      %mul3A_356 = arith.constant 16 : i32
      %mul3A_357 = arith.muli %scan3A_355, %mul3A_356 : i32
      %add3A_358 = arith.constant 128 : i32
      %add3A_359 = arith.addi %add3A_358, %mul3A_357 : i32
      %get3A_360 = arith.index_cast %add3A_359 : i32 to index
      %get3A_361 = tpu.vector_load %arg6[%get3A_360] {strides = array<i32>} : memref<2048xi32, #tpu.memory_space<vmem>>, vector<16xi32>,
      %ne3A_362 = arith.constant -1 : i32
      %ne3A_363 = vector.broadcast %ne3A_362 : i32 to vector<16xi32>
      %ne3A_364 = arith.cmpi ne, %get3A_361, %ne3A_363 : vector<16xi32>
      %jit3A_365 = arith.constant 0 : i32
      %broadcast_in_dim3A_366 = vector.broadcast %jit3A_365 : i32 to vector<16xi32>
      %select_n3A_367 = arith.select %ne3A_364, %get3A_361, %broadcast_in_dim3A_366 : vector<16xi1>, vector<16xi32>
      %mul3A_368 = arith.constant 16 : i32
      %mul3A_369 = arith.muli %scan3A_355, %mul3A_368 : i32
      %add3A_370 = vector.broadcast %mul3A_369 : i32 to vector<16xi32>
      %add3A_371 = arith.addi %add3A_370, %iota3A : vector<16xi32>
      %gather3A_372 = tpu.vector_load_idx %arg8[%add3A_371, %select_n3A_367] : memref<128x190xf32, #tpu.memory_space<vmem>>[vector<16xi32>, vector<16xi32>], vector<16xf32>,
      %sub3A_373 = arith.constant 1.000000e+00 : f32
      %sub3A_374 = vector.broadcast %sub3A_373 : f32 to vector<16xf32>
      %sub3A_375 = arith.subf %sub3A_374, %gather3A_372 : vector<16xf32>
      %mul3A_376 = arith.mulf %sub3A_375, %sub3A_375 : vector<16xf32>
      %jit3A_377 = arith.constant 0.000000e+00 : f32
      %broadcast_in_dim3A_378 = vector.broadcast %jit3A_377 : f32 to vector<16xf32>
      %select_n3A_379 = arith.select %ne3A_364, %mul3A_376, %broadcast_in_dim3A_378 : vector<16xi1>, vector<16xf32>
      %add3A_380 = arith.addf %add3A_347, %select_n3A_379 : vector<16xf32>
      %jit3A_381 = arith.constant 1.000000e+00 : f32
      %jit3A_382 = arith.constant 0.000000e+00 : f32
      %broadcast_in_dim3A_383 = vector.broadcast %jit3A_381 : f32 to vector<16xf32>
      %broadcast_in_dim3A_384 = vector.broadcast %jit3A_382 : f32 to vector<16xf32>
      %select_n3A_385 = arith.select %ne3A_364, %broadcast_in_dim3A_383, %broadcast_in_dim3A_384 : vector<16xi1>, vector<16xf32>
      %add3A_386 = arith.addf %add3A_353, %select_n3A_385 : vector<16xf32>
      scf.yield %add3A_380, %add3A_386 : vector<16xf32>, vector<16xf32>
    }
    %scan3A_38 = arith.constant 8 : i32
    %add3A_39 = arith.constant 384 : i32
    %add3A_40 = arith.addi %mul3A_2, %add3A_39 : i32
    %dma_start3A_41 = arith.constant 0 : i32
    %dma_start3A_42 = tpu.memref_slice %arg2[%add3A_40, %dma_start3A_41] : memref<131072x190xf32, #tpu.memory_space<hbm>> -> memref<128x190xf32, #tpu.memory_space<hbm>>
    %dma_start3A_43 = arith.constant 0 : i32
    %dma_start3A_44 = tpu.memref_slice %arg2[%add3A_40, %dma_start3A_43] : memref<131072x190xf32, #tpu.memory_space<hbm>> -> memref<128x190xf32, #tpu.memory_space<hbm>>
    tpu.enqueue_dma source(%dma_start3A_44 : memref<128x190xf32, #tpu.memory_space<hbm>>) target(%arg8 : memref<128x190xf32, #tpu.memory_space<vmem>>) target_semaphore(%arg12 : memref<!tpu.dma_semaphore, #tpu.memory_space<semaphore_mem>>)
    %dma_wait3A_45 = arith.constant 0 : i32
    %dma_wait3A_46 = tpu.memref_slice %arg2[%mul3A_2, %dma_wait3A_45] : memref<131072x190xf32, #tpu.memory_space<hbm>> -> memref<128x190xf32, #tpu.memory_space<hbm>>
    %dma_wait3A_47 = arith.constant 0 : i32
    %dma_wait3A_48 = tpu.memref_slice %arg2[%mul3A_2, %dma_wait3A_47] : memref<131072x190xf32, #tpu.memory_space<hbm>> -> memref<128x190xf32, #tpu.memory_space<hbm>>
    tpu.wait_dma2 semaphore(%arg11 : memref<!tpu.dma_semaphore, #tpu.memory_space<semaphore_mem>>) src(%dma_wait3A_48 : memref<128x190xf32, #tpu.memory_space<hbm>>) dst(%arg7 : memref<128x190xf32, #tpu.memory_space<vmem>>)
    %scan3A_49 = arith.constant 0 : i32
    %scan3A_50 = arith.constant 8 : i32
    %scan3A_51 = arith.addi %scan3A_49, %scan3A_50 : i32
    %scan3A_52 = arith.constant 4 : i32
    %scan3A_53:2 = scf.for %scan3A_260 = %scan3A_49 to %scan3A_51 step %scan3A_52 iter_args(%scan3A_261 = %scan3A_37#0, %scan3A_262 = %scan3A_37#1) -> (vector<16xf32>, vector<16xf32>)  : i32 {
      %mul3A_263 = arith.constant 16 : i32
      %mul3A_264 = arith.muli %scan3A_260, %mul3A_263 : i32
      %add3A_265 = arith.constant 256 : i32
      %add3A_266 = arith.addi %add3A_265, %mul3A_264 : i32
      %get3A = arith.index_cast %add3A_266 : i32 to index
      %get3A_267 = tpu.vector_load %arg6[%get3A] {strides = array<i32>} : memref<2048xi32, #tpu.memory_space<vmem>>, vector<16xi32>,
      %ne3A = arith.constant -1 : i32
      %ne3A_268 = vector.broadcast %ne3A : i32 to vector<16xi32>
      %ne3A_269 = arith.cmpi ne, %get3A_267, %ne3A_268 : vector<16xi32>
      %jit3A = arith.constant 0 : i32
      %broadcast_in_dim3A_270 = vector.broadcast %jit3A : i32 to vector<16xi32>
      %select_n3A = arith.select %ne3A_269, %get3A_267, %broadcast_in_dim3A_270 : vector<16xi1>, vector<16xi32>
      %mul3A_271 = arith.constant 16 : i32
      %mul3A_272 = arith.muli %scan3A_260, %mul3A_271 : i32
      %add3A_273 = vector.broadcast %mul3A_272 : i32 to vector<16xi32>
      %add3A_274 = arith.addi %add3A_273, %iota3A : vector<16xi32>
      %gather3A = tpu.vector_load_idx %arg7[%add3A_274, %select_n3A] : memref<128x190xf32, #tpu.memory_space<vmem>>[vector<16xi32>, vector<16xi32>], vector<16xf32>,
      %sub3A = arith.constant 1.000000e+00 : f32
      %sub3A_275 = vector.broadcast %sub3A : f32 to vector<16xf32>
      %sub3A_276 = arith.subf %sub3A_275, %gather3A : vector<16xf32>
      %mul3A_277 = arith.mulf %sub3A_276, %sub3A_276 : vector<16xf32>
      %jit3A_278 = arith.constant 0.000000e+00 : f32
      %broadcast_in_dim3A_279 = vector.broadcast %jit3A_278 : f32 to vector<16xf32>
      %select_n3A_280 = arith.select %ne3A_269, %mul3A_277, %broadcast_in_dim3A_279 : vector<16xi1>, vector<16xf32>
      %add3A_281 = arith.addf %scan3A_261, %select_n3A_280 : vector<16xf32>
      %jit3A_282 = arith.constant 1.000000e+00 : f32
      %jit3A_283 = arith.constant 0.000000e+00 : f32
      %broadcast_in_dim3A_284 = vector.broadcast %jit3A_282 : f32 to vector<16xf32>
      %broadcast_in_dim3A_285 = vector.broadcast %jit3A_283 : f32 to vector<16xf32>
      %select_n3A_286 = arith.select %ne3A_269, %broadcast_in_dim3A_284, %broadcast_in_dim3A_285 : vector<16xi1>, vector<16xf32>
      %add3A_287 = arith.addf %scan3A_262, %select_n3A_286 : vector<16xf32>
      %scan3A_288 = arith.constant 1 : i32
      %scan3A_289 = arith.addi %scan3A_260, %scan3A_288 : i32
      %mul3A_290 = arith.constant 16 : i32
      %mul3A_291 = arith.muli %scan3A_289, %mul3A_290 : i32
      %add3A_292 = arith.constant 256 : i32
      %add3A_293 = arith.addi %add3A_292, %mul3A_291 : i32
      %get3A_294 = arith.index_cast %add3A_293 : i32 to index
      %get3A_295 = tpu.vector_load %arg6[%get3A_294] {strides = array<i32>} : memref<2048xi32, #tpu.memory_space<vmem>>, vector<16xi32>,
      %ne3A_296 = arith.constant -1 : i32
      %ne3A_297 = vector.broadcast %ne3A_296 : i32 to vector<16xi32>
      %ne3A_298 = arith.cmpi ne, %get3A_295, %ne3A_297 : vector<16xi32>
      %jit3A_299 = arith.constant 0 : i32
      %broadcast_in_dim3A_300 = vector.broadcast %jit3A_299 : i32 to vector<16xi32>
      %select_n3A_301 = arith.select %ne3A_298, %get3A_295, %broadcast_in_dim3A_300 : vector<16xi1>, vector<16xi32>
      %mul3A_302 = arith.constant 16 : i32
      %mul3A_303 = arith.muli %scan3A_289, %mul3A_302 : i32
      %add3A_304 = vector.broadcast %mul3A_303 : i32 to vector<16xi32>
      %add3A_305 = arith.addi %add3A_304, %iota3A : vector<16xi32>
      %gather3A_306 = tpu.vector_load_idx %arg7[%add3A_305, %select_n3A_301] : memref<128x190xf32, #tpu.memory_space<vmem>>[vector<16xi32>, vector<16xi32>], vector<16xf32>,
      %sub3A_307 = arith.constant 1.000000e+00 : f32
      %sub3A_308 = vector.broadcast %sub3A_307 : f32 to vector<16xf32>
      %sub3A_309 = arith.subf %sub3A_308, %gather3A_306 : vector<16xf32>
      %mul3A_310 = arith.mulf %sub3A_309, %sub3A_309 : vector<16xf32>
      %jit3A_311 = arith.constant 0.000000e+00 : f32
      %broadcast_in_dim3A_312 = vector.broadcast %jit3A_311 : f32 to vector<16xf32>
      %select_n3A_313 = arith.select %ne3A_298, %mul3A_310, %broadcast_in_dim3A_312 : vector<16xi1>, vector<16xf32>
      %add3A_314 = arith.addf %add3A_281, %select_n3A_313 : vector<16xf32>
      %jit3A_315 = arith.constant 1.000000e+00 : f32
      %jit3A_316 = arith.constant 0.000000e+00 : f32
      %broadcast_in_dim3A_317 = vector.broadcast %jit3A_315 : f32 to vector<16xf32>
      %broadcast_in_dim3A_318 = vector.broadcast %jit3A_316 : f32 to vector<16xf32>
      %select_n3A_319 = arith.select %ne3A_298, %broadcast_in_dim3A_317, %broadcast_in_dim3A_318 : vector<16xi1>, vector<16xf32>
      %add3A_320 = arith.addf %add3A_287, %select_n3A_319 : vector<16xf32>
      %scan3A_321 = arith.constant 2 : i32
      %scan3A_322 = arith.addi %scan3A_260, %scan3A_321 : i32
      %mul3A_323 = arith.constant 16 : i32
      %mul3A_324 = arith.muli %scan3A_322, %mul3A_323 : i32
      %add3A_325 = arith.constant 256 : i32
      %add3A_326 = arith.addi %add3A_325, %mul3A_324 : i32
      %get3A_327 = arith.index_cast %add3A_326 : i32 to index
      %get3A_328 = tpu.vector_load %arg6[%get3A_327] {strides = array<i32>} : memref<2048xi32, #tpu.memory_space<vmem>>, vector<16xi32>,
      %ne3A_329 = arith.constant -1 : i32
      %ne3A_330 = vector.broadcast %ne3A_329 : i32 to vector<16xi32>
      %ne3A_331 = arith.cmpi ne, %get3A_328, %ne3A_330 : vector<16xi32>
      %jit3A_332 = arith.constant 0 : i32
      %broadcast_in_dim3A_333 = vector.broadcast %jit3A_332 : i32 to vector<16xi32>
      %select_n3A_334 = arith.select %ne3A_331, %get3A_328, %broadcast_in_dim3A_333 : vector<16xi1>, vector<16xi32>
      %mul3A_335 = arith.constant 16 : i32
      %mul3A_336 = arith.muli %scan3A_322, %mul3A_335 : i32
      %add3A_337 = vector.broadcast %mul3A_336 : i32 to vector<16xi32>
      %add3A_338 = arith.addi %add3A_337, %iota3A : vector<16xi32>
      %gather3A_339 = tpu.vector_load_idx %arg7[%add3A_338, %select_n3A_334] : memref<128x190xf32, #tpu.memory_space<vmem>>[vector<16xi32>, vector<16xi32>], vector<16xf32>,
      %sub3A_340 = arith.constant 1.000000e+00 : f32
      %sub3A_341 = vector.broadcast %sub3A_340 : f32 to vector<16xf32>
      %sub3A_342 = arith.subf %sub3A_341, %gather3A_339 : vector<16xf32>
      %mul3A_343 = arith.mulf %sub3A_342, %sub3A_342 : vector<16xf32>
      %jit3A_344 = arith.constant 0.000000e+00 : f32
      %broadcast_in_dim3A_345 = vector.broadcast %jit3A_344 : f32 to vector<16xf32>
      %select_n3A_346 = arith.select %ne3A_331, %mul3A_343, %broadcast_in_dim3A_345 : vector<16xi1>, vector<16xf32>
      %add3A_347 = arith.addf %add3A_314, %select_n3A_346 : vector<16xf32>
      %jit3A_348 = arith.constant 1.000000e+00 : f32
      %jit3A_349 = arith.constant 0.000000e+00 : f32
      %broadcast_in_dim3A_350 = vector.broadcast %jit3A_348 : f32 to vector<16xf32>
      %broadcast_in_dim3A_351 = vector.broadcast %jit3A_349 : f32 to vector<16xf32>
      %select_n3A_352 = arith.select %ne3A_331, %broadcast_in_dim3A_350, %broadcast_in_dim3A_351 : vector<16xi1>, vector<16xf32>
      %add3A_353 = arith.addf %add3A_320, %select_n3A_352 : vector<16xf32>
      %scan3A_354 = arith.constant 3 : i32
      %scan3A_355 = arith.addi %scan3A_260, %scan3A_354 : i32
      %mul3A_356 = arith.constant 16 : i32
      %mul3A_357 = arith.muli %scan3A_355, %mul3A_356 : i32
      %add3A_358 = arith.constant 256 : i32
      %add3A_359 = arith.addi %add3A_358, %mul3A_357 : i32
      %get3A_360 = arith.index_cast %add3A_359 : i32 to index
      %get3A_361 = tpu.vector_load %arg6[%get3A_360] {strides = array<i32>} : memref<2048xi32, #tpu.memory_space<vmem>>, vector<16xi32>,
      %ne3A_362 = arith.constant -1 : i32
      %ne3A_363 = vector.broadcast %ne3A_362 : i32 to vector<16xi32>
      %ne3A_364 = arith.cmpi ne, %get3A_361, %ne3A_363 : vector<16xi32>
      %jit3A_365 = arith.constant 0 : i32
      %broadcast_in_dim3A_366 = vector.broadcast %jit3A_365 : i32 to vector<16xi32>
      %select_n3A_367 = arith.select %ne3A_364, %get3A_361, %broadcast_in_dim3A_366 : vector<16xi1>, vector<16xi32>
      %mul3A_368 = arith.constant 16 : i32
      %mul3A_369 = arith.muli %scan3A_355, %mul3A_368 : i32
      %add3A_370 = vector.broadcast %mul3A_369 : i32 to vector<16xi32>
      %add3A_371 = arith.addi %add3A_370, %iota3A : vector<16xi32>
      %gather3A_372 = tpu.vector_load_idx %arg7[%add3A_371, %select_n3A_367] : memref<128x190xf32, #tpu.memory_space<vmem>>[vector<16xi32>, vector<16xi32>], vector<16xf32>,
      %sub3A_373 = arith.constant 1.000000e+00 : f32
      %sub3A_374 = vector.broadcast %sub3A_373 : f32 to vector<16xf32>
      %sub3A_375 = arith.subf %sub3A_374, %gather3A_372 : vector<16xf32>
      %mul3A_376 = arith.mulf %sub3A_375, %sub3A_375 : vector<16xf32>
      %jit3A_377 = arith.constant 0.000000e+00 : f32
      %broadcast_in_dim3A_378 = vector.broadcast %jit3A_377 : f32 to vector<16xf32>
      %select_n3A_379 = arith.select %ne3A_364, %mul3A_376, %broadcast_in_dim3A_378 : vector<16xi1>, vector<16xf32>
      %add3A_380 = arith.addf %add3A_347, %select_n3A_379 : vector<16xf32>
      %jit3A_381 = arith.constant 1.000000e+00 : f32
      %jit3A_382 = arith.constant 0.000000e+00 : f32
      %broadcast_in_dim3A_383 = vector.broadcast %jit3A_381 : f32 to vector<16xf32>
      %broadcast_in_dim3A_384 = vector.broadcast %jit3A_382 : f32 to vector<16xf32>
      %select_n3A_385 = arith.select %ne3A_364, %broadcast_in_dim3A_383, %broadcast_in_dim3A_384 : vector<16xi1>, vector<16xf32>
      %add3A_386 = arith.addf %add3A_353, %select_n3A_385 : vector<16xf32>
      scf.yield %add3A_380, %add3A_386 : vector<16xf32>, vector<16xf32>
    }
    %scan3A_54 = arith.constant 8 : i32
    %add3A_55 = arith.constant 512 : i32
    %add3A_56 = arith.addi %mul3A_2, %add3A_55 : i32
    %dma_start3A_57 = arith.constant 0 : i32
    %dma_start3A_58 = tpu.memref_slice %arg2[%add3A_56, %dma_start3A_57] : memref<131072x190xf32, #tpu.memory_space<hbm>> -> memref<128x190xf32, #tpu.memory_space<hbm>>
    %dma_start3A_59 = arith.constant 0 : i32
    %dma_start3A_60 = tpu.memref_slice %arg2[%add3A_56, %dma_start3A_59] : memref<131072x190xf32, #tpu.memory_space<hbm>> -> memref<128x190xf32, #tpu.memory_space<hbm>>
    tpu.enqueue_dma source(%dma_start3A_60 : memref<128x190xf32, #tpu.memory_space<hbm>>) target(%arg7 : memref<128x190xf32, #tpu.memory_space<vmem>>) target_semaphore(%arg11 : memref<!tpu.dma_semaphore, #tpu.memory_space<semaphore_mem>>)
    %dma_wait3A_61 = arith.constant 0 : i32
    %dma_wait3A_62 = tpu.memref_slice %arg2[%mul3A_2, %dma_wait3A_61] : memref<131072x190xf32, #tpu.memory_space<hbm>> -> memref<128x190xf32, #tpu.memory_space<hbm>>
    %dma_wait3A_63 = arith.constant 0 : i32
    %dma_wait3A_64 = tpu.memref_slice %arg2[%mul3A_2, %dma_wait3A_63] : memref<131072x190xf32, #tpu.memory_space<hbm>> -> memref<128x190xf32, #tpu.memory_space<hbm>>
    tpu.wait_dma2 semaphore(%arg12 : memref<!tpu.dma_semaphore, #tpu.memory_space<semaphore_mem>>) src(%dma_wait3A_64 : memref<128x190xf32, #tpu.memory_space<hbm>>) dst(%arg8 : memref<128x190xf32, #tpu.memory_space<vmem>>)
    %scan3A_65 = arith.constant 0 : i32
    %scan3A_66 = arith.constant 8 : i32
    %scan3A_67 = arith.addi %scan3A_65, %scan3A_66 : i32
    %scan3A_68 = arith.constant 4 : i32
    %scan3A_69:2 = scf.for %scan3A_260 = %scan3A_65 to %scan3A_67 step %scan3A_68 iter_args(%scan3A_261 = %scan3A_53#0, %scan3A_262 = %scan3A_53#1) -> (vector<16xf32>, vector<16xf32>)  : i32 {
      %mul3A_263 = arith.constant 16 : i32
      %mul3A_264 = arith.muli %scan3A_260, %mul3A_263 : i32
      %add3A_265 = arith.constant 384 : i32
      %add3A_266 = arith.addi %add3A_265, %mul3A_264 : i32
      %get3A = arith.index_cast %add3A_266 : i32 to index
      %get3A_267 = tpu.vector_load %arg6[%get3A] {strides = array<i32>} : memref<2048xi32, #tpu.memory_space<vmem>>, vector<16xi32>,
      %ne3A = arith.constant -1 : i32
      %ne3A_268 = vector.broadcast %ne3A : i32 to vector<16xi32>
      %ne3A_269 = arith.cmpi ne, %get3A_267, %ne3A_268 : vector<16xi32>
      %jit3A = arith.constant 0 : i32
      %broadcast_in_dim3A_270 = vector.broadcast %jit3A : i32 to vector<16xi32>
      %select_n3A = arith.select %ne3A_269, %get3A_267, %broadcast_in_dim3A_270 : vector<16xi1>, vector<16xi32>
      %mul3A_271 = arith.constant 16 : i32
      %mul3A_272 = arith.muli %scan3A_260, %mul3A_271 : i32
      %add3A_273 = vector.broadcast %mul3A_272 : i32 to vector<16xi32>
      %add3A_274 = arith.addi %add3A_273, %iota3A : vector<16xi32>
      %gather3A = tpu.vector_load_idx %arg8[%add3A_274, %select_n3A] : memref<128x190xf32, #tpu.memory_space<vmem>>[vector<16xi32>, vector<16xi32>], vector<16xf32>,
      %sub3A = arith.constant 1.000000e+00 : f32
      %sub3A_275 = vector.broadcast %sub3A : f32 to vector<16xf32>
      %sub3A_276 = arith.subf %sub3A_275, %gather3A : vector<16xf32>
      %mul3A_277 = arith.mulf %sub3A_276, %sub3A_276 : vector<16xf32>
      %jit3A_278 = arith.constant 0.000000e+00 : f32
      %broadcast_in_dim3A_279 = vector.broadcast %jit3A_278 : f32 to vector<16xf32>
      %select_n3A_280 = arith.select %ne3A_269, %mul3A_277, %broadcast_in_dim3A_279 : vector<16xi1>, vector<16xf32>
      %add3A_281 = arith.addf %scan3A_261, %select_n3A_280 : vector<16xf32>
      %jit3A_282 = arith.constant 1.000000e+00 : f32
      %jit3A_283 = arith.constant 0.000000e+00 : f32
      %broadcast_in_dim3A_284 = vector.broadcast %jit3A_282 : f32 to vector<16xf32>
      %broadcast_in_dim3A_285 = vector.broadcast %jit3A_283 : f32 to vector<16xf32>
      %select_n3A_286 = arith.select %ne3A_269, %broadcast_in_dim3A_284, %broadcast_in_dim3A_285 : vector<16xi1>, vector<16xf32>
      %add3A_287 = arith.addf %scan3A_262, %select_n3A_286 : vector<16xf32>
      %scan3A_288 = arith.constant 1 : i32
      %scan3A_289 = arith.addi %scan3A_260, %scan3A_288 : i32
      %mul3A_290 = arith.constant 16 : i32
      %mul3A_291 = arith.muli %scan3A_289, %mul3A_290 : i32
      %add3A_292 = arith.constant 384 : i32
      %add3A_293 = arith.addi %add3A_292, %mul3A_291 : i32
      %get3A_294 = arith.index_cast %add3A_293 : i32 to index
      %get3A_295 = tpu.vector_load %arg6[%get3A_294] {strides = array<i32>} : memref<2048xi32, #tpu.memory_space<vmem>>, vector<16xi32>,
      %ne3A_296 = arith.constant -1 : i32
      %ne3A_297 = vector.broadcast %ne3A_296 : i32 to vector<16xi32>
      %ne3A_298 = arith.cmpi ne, %get3A_295, %ne3A_297 : vector<16xi32>
      %jit3A_299 = arith.constant 0 : i32
      %broadcast_in_dim3A_300 = vector.broadcast %jit3A_299 : i32 to vector<16xi32>
      %select_n3A_301 = arith.select %ne3A_298, %get3A_295, %broadcast_in_dim3A_300 : vector<16xi1>, vector<16xi32>
      %mul3A_302 = arith.constant 16 : i32
      %mul3A_303 = arith.muli %scan3A_289, %mul3A_302 : i32
      %add3A_304 = vector.broadcast %mul3A_303 : i32 to vector<16xi32>
      %add3A_305 = arith.addi %add3A_304, %iota3A : vector<16xi32>
      %gather3A_306 = tpu.vector_load_idx %arg8[%add3A_305, %select_n3A_301] : memref<128x190xf32, #tpu.memory_space<vmem>>[vector<16xi32>, vector<16xi32>], vector<16xf32>,
      %sub3A_307 = arith.constant 1.000000e+00 : f32
      %sub3A_308 = vector.broadcast %sub3A_307 : f32 to vector<16xf32>
      %sub3A_309 = arith.subf %sub3A_308, %gather3A_306 : vector<16xf32>
      %mul3A_310 = arith.mulf %sub3A_309, %sub3A_309 : vector<16xf32>
      %jit3A_311 = arith.constant 0.000000e+00 : f32
      %broadcast_in_dim3A_312 = vector.broadcast %jit3A_311 : f32 to vector<16xf32>
      %select_n3A_313 = arith.select %ne3A_298, %mul3A_310, %broadcast_in_dim3A_312 : vector<16xi1>, vector<16xf32>
      %add3A_314 = arith.addf %add3A_281, %select_n3A_313 : vector<16xf32>
      %jit3A_315 = arith.constant 1.000000e+00 : f32
      %jit3A_316 = arith.constant 0.000000e+00 : f32
      %broadcast_in_dim3A_317 = vector.broadcast %jit3A_315 : f32 to vector<16xf32>
      %broadcast_in_dim3A_318 = vector.broadcast %jit3A_316 : f32 to vector<16xf32>
      %select_n3A_319 = arith.select %ne3A_298, %broadcast_in_dim3A_317, %broadcast_in_dim3A_318 : vector<16xi1>, vector<16xf32>
      %add3A_320 = arith.addf %add3A_287, %select_n3A_319 : vector<16xf32>
      %scan3A_321 = arith.constant 2 : i32
      %scan3A_322 = arith.addi %scan3A_260, %scan3A_321 : i32
      %mul3A_323 = arith.constant 16 : i32
      %mul3A_324 = arith.muli %scan3A_322, %mul3A_323 : i32
      %add3A_325 = arith.constant 384 : i32
      %add3A_326 = arith.addi %add3A_325, %mul3A_324 : i32
      %get3A_327 = arith.index_cast %add3A_326 : i32 to index
      %get3A_328 = tpu.vector_load %arg6[%get3A_327] {strides = array<i32>} : memref<2048xi32, #tpu.memory_space<vmem>>, vector<16xi32>,
      %ne3A_329 = arith.constant -1 : i32
      %ne3A_330 = vector.broadcast %ne3A_329 : i32 to vector<16xi32>
      %ne3A_331 = arith.cmpi ne, %get3A_328, %ne3A_330 : vector<16xi32>
      %jit3A_332 = arith.constant 0 : i32
      %broadcast_in_dim3A_333 = vector.broadcast %jit3A_332 : i32 to vector<16xi32>
      %select_n3A_334 = arith.select %ne3A_331, %get3A_328, %broadcast_in_dim3A_333 : vector<16xi1>, vector<16xi32>
      %mul3A_335 = arith.constant 16 : i32
      %mul3A_336 = arith.muli %scan3A_322, %mul3A_335 : i32
      %add3A_337 = vector.broadcast %mul3A_336 : i32 to vector<16xi32>
      %add3A_338 = arith.addi %add3A_337, %iota3A : vector<16xi32>
      %gather3A_339 = tpu.vector_load_idx %arg8[%add3A_338, %select_n3A_334] : memref<128x190xf32, #tpu.memory_space<vmem>>[vector<16xi32>, vector<16xi32>], vector<16xf32>,
      %sub3A_340 = arith.constant 1.000000e+00 : f32
      %sub3A_341 = vector.broadcast %sub3A_340 : f32 to vector<16xf32>
      %sub3A_342 = arith.subf %sub3A_341, %gather3A_339 : vector<16xf32>
      %mul3A_343 = arith.mulf %sub3A_342, %sub3A_342 : vector<16xf32>
      %jit3A_344 = arith.constant 0.000000e+00 : f32
      %broadcast_in_dim3A_345 = vector.broadcast %jit3A_344 : f32 to vector<16xf32>
      %select_n3A_346 = arith.select %ne3A_331, %mul3A_343, %broadcast_in_dim3A_345 : vector<16xi1>, vector<16xf32>
      %add3A_347 = arith.addf %add3A_314, %select_n3A_346 : vector<16xf32>
      %jit3A_348 = arith.constant 1.000000e+00 : f32
      %jit3A_349 = arith.constant 0.000000e+00 : f32
      %broadcast_in_dim3A_350 = vector.broadcast %jit3A_348 : f32 to vector<16xf32>
      %broadcast_in_dim3A_351 = vector.broadcast %jit3A_349 : f32 to vector<16xf32>
      %select_n3A_352 = arith.select %ne3A_331, %broadcast_in_dim3A_350, %broadcast_in_dim3A_351 : vector<16xi1>, vector<16xf32>
      %add3A_353 = arith.addf %add3A_320, %select_n3A_352 : vector<16xf32>
      %scan3A_354 = arith.constant 3 : i32
      %scan3A_355 = arith.addi %scan3A_260, %scan3A_354 : i32
      %mul3A_356 = arith.constant 16 : i32
      %mul3A_357 = arith.muli %scan3A_355, %mul3A_356 : i32
      %add3A_358 = arith.constant 384 : i32
      %add3A_359 = arith.addi %add3A_358, %mul3A_357 : i32
      %get3A_360 = arith.index_cast %add3A_359 : i32 to index
      %get3A_361 = tpu.vector_load %arg6[%get3A_360] {strides = array<i32>} : memref<2048xi32, #tpu.memory_space<vmem>>, vector<16xi32>,
      %ne3A_362 = arith.constant -1 : i32
      %ne3A_363 = vector.broadcast %ne3A_362 : i32 to vector<16xi32>
      %ne3A_364 = arith.cmpi ne, %get3A_361, %ne3A_363 : vector<16xi32>
      %jit3A_365 = arith.constant 0 : i32
      %broadcast_in_dim3A_366 = vector.broadcast %jit3A_365 : i32 to vector<16xi32>
      %select_n3A_367 = arith.select %ne3A_364, %get3A_361, %broadcast_in_dim3A_366 : vector<16xi1>, vector<16xi32>
      %mul3A_368 = arith.constant 16 : i32
      %mul3A_369 = arith.muli %scan3A_355, %mul3A_368 : i32
      %add3A_370 = vector.broadcast %mul3A_369 : i32 to vector<16xi32>
      %add3A_371 = arith.addi %add3A_370, %iota3A : vector<16xi32>
      %gather3A_372 = tpu.vector_load_idx %arg8[%add3A_371, %select_n3A_367] : memref<128x190xf32, #tpu.memory_space<vmem>>[vector<16xi32>, vector<16xi32>], vector<16xf32>,
      %sub3A_373 = arith.constant 1.000000e+00 : f32
      %sub3A_374 = vector.broadcast %sub3A_373 : f32 to vector<16xf32>
      %sub3A_375 = arith.subf %sub3A_374, %gather3A_372 : vector<16xf32>
      %mul3A_376 = arith.mulf %sub3A_375, %sub3A_375 : vector<16xf32>
      %jit3A_377 = arith.constant 0.000000e+00 : f32
      %broadcast_in_dim3A_378 = vector.broadcast %jit3A_377 : f32 to vector<16xf32>
      %select_n3A_379 = arith.select %ne3A_364, %mul3A_376, %broadcast_in_dim3A_378 : vector<16xi1>, vector<16xf32>
      %add3A_380 = arith.addf %add3A_347, %select_n3A_379 : vector<16xf32>
      %jit3A_381 = arith.constant 1.000000e+00 : f32
      %jit3A_382 = arith.constant 0.000000e+00 : f32
      %broadcast_in_dim3A_383 = vector.broadcast %jit3A_381 : f32 to vector<16xf32>
      %broadcast_in_dim3A_384 = vector.broadcast %jit3A_382 : f32 to vector<16xf32>
      %select_n3A_385 = arith.select %ne3A_364, %broadcast_in_dim3A_383, %broadcast_in_dim3A_384 : vector<16xi1>, vector<16xf32>
      %add3A_386 = arith.addf %add3A_353, %select_n3A_385 : vector<16xf32>
      scf.yield %add3A_380, %add3A_386 : vector<16xf32>, vector<16xf32>
    }
    %scan3A_70 = arith.constant 8 : i32
    %add3A_71 = arith.constant 640 : i32
    %add3A_72 = arith.addi %mul3A_2, %add3A_71 : i32
    %dma_start3A_73 = arith.constant 0 : i32
    %dma_start3A_74 = tpu.memref_slice %arg2[%add3A_72, %dma_start3A_73] : memref<131072x190xf32, #tpu.memory_space<hbm>> -> memref<128x190xf32, #tpu.memory_space<hbm>>
    %dma_start3A_75 = arith.constant 0 : i32
    %dma_start3A_76 = tpu.memref_slice %arg2[%add3A_72, %dma_start3A_75] : memref<131072x190xf32, #tpu.memory_space<hbm>> -> memref<128x190xf32, #tpu.memory_space<hbm>>
    tpu.enqueue_dma source(%dma_start3A_76 : memref<128x190xf32, #tpu.memory_space<hbm>>) target(%arg8 : memref<128x190xf32, #tpu.memory_space<vmem>>) target_semaphore(%arg12 : memref<!tpu.dma_semaphore, #tpu.memory_space<semaphore_mem>>)
    %dma_wait3A_77 = arith.constant 0 : i32
    %dma_wait3A_78 = tpu.memref_slice %arg2[%mul3A_2, %dma_wait3A_77] : memref<131072x190xf32, #tpu.memory_space<hbm>> -> memref<128x190xf32, #tpu.memory_space<hbm>>
    %dma_wait3A_79 = arith.constant 0 : i32
    %dma_wait3A_80 = tpu.memref_slice %arg2[%mul3A_2, %dma_wait3A_79] : memref<131072x190xf32, #tpu.memory_space<hbm>> -> memref<128x190xf32, #tpu.memory_space<hbm>>
    tpu.wait_dma2 semaphore(%arg11 : memref<!tpu.dma_semaphore, #tpu.memory_space<semaphore_mem>>) src(%dma_wait3A_80 : memref<128x190xf32, #tpu.memory_space<hbm>>) dst(%arg7 : memref<128x190xf32, #tpu.memory_space<vmem>>)
    %scan3A_81 = arith.constant 0 : i32
    %scan3A_82 = arith.constant 8 : i32
    %scan3A_83 = arith.addi %scan3A_81, %scan3A_82 : i32
    %scan3A_84 = arith.constant 4 : i32
    %scan3A_85:2 = scf.for %scan3A_260 = %scan3A_81 to %scan3A_83 step %scan3A_84 iter_args(%scan3A_261 = %scan3A_69#0, %scan3A_262 = %scan3A_69#1) -> (vector<16xf32>, vector<16xf32>)  : i32 {
      %mul3A_263 = arith.constant 16 : i32
      %mul3A_264 = arith.muli %scan3A_260, %mul3A_263 : i32
      %add3A_265 = arith.constant 512 : i32
      %add3A_266 = arith.addi %add3A_265, %mul3A_264 : i32
      %get3A = arith.index_cast %add3A_266 : i32 to index
      %get3A_267 = tpu.vector_load %arg6[%get3A] {strides = array<i32>} : memref<2048xi32, #tpu.memory_space<vmem>>, vector<16xi32>,
      %ne3A = arith.constant -1 : i32
      %ne3A_268 = vector.broadcast %ne3A : i32 to vector<16xi32>
      %ne3A_269 = arith.cmpi ne, %get3A_267, %ne3A_268 : vector<16xi32>
      %jit3A = arith.constant 0 : i32
      %broadcast_in_dim3A_270 = vector.broadcast %jit3A : i32 to vector<16xi32>
      %select_n3A = arith.select %ne3A_269, %get3A_267, %broadcast_in_dim3A_270 : vector<16xi1>, vector<16xi32>
      %mul3A_271 = arith.constant 16 : i32
      %mul3A_272 = arith.muli %scan3A_260, %mul3A_271 : i32
      %add3A_273 = vector.broadcast %mul3A_272 : i32 to vector<16xi32>
      %add3A_274 = arith.addi %add3A_273, %iota3A : vector<16xi32>
      %gather3A = tpu.vector_load_idx %arg7[%add3A_274, %select_n3A] : memref<128x190xf32, #tpu.memory_space<vmem>>[vector<16xi32>, vector<16xi32>], vector<16xf32>,
      %sub3A = arith.constant 1.000000e+00 : f32
      %sub3A_275 = vector.broadcast %sub3A : f32 to vector<16xf32>
      %sub3A_276 = arith.subf %sub3A_275, %gather3A : vector<16xf32>
      %mul3A_277 = arith.mulf %sub3A_276, %sub3A_276 : vector<16xf32>
      %jit3A_278 = arith.constant 0.000000e+00 : f32
      %broadcast_in_dim3A_279 = vector.broadcast %jit3A_278 : f32 to vector<16xf32>
      %select_n3A_280 = arith.select %ne3A_269, %mul3A_277, %broadcast_in_dim3A_279 : vector<16xi1>, vector<16xf32>
      %add3A_281 = arith.addf %scan3A_261, %select_n3A_280 : vector<16xf32>
      %jit3A_282 = arith.constant 1.000000e+00 : f32
      %jit3A_283 = arith.constant 0.000000e+00 : f32
      %broadcast_in_dim3A_284 = vector.broadcast %jit3A_282 : f32 to vector<16xf32>
      %broadcast_in_dim3A_285 = vector.broadcast %jit3A_283 : f32 to vector<16xf32>
      %select_n3A_286 = arith.select %ne3A_269, %broadcast_in_dim3A_284, %broadcast_in_dim3A_285 : vector<16xi1>, vector<16xf32>
      %add3A_287 = arith.addf %scan3A_262, %select_n3A_286 : vector<16xf32>
      %scan3A_288 = arith.constant 1 : i32
      %scan3A_289 = arith.addi %scan3A_260, %scan3A_288 : i32
      %mul3A_290 = arith.constant 16 : i32
      %mul3A_291 = arith.muli %scan3A_289, %mul3A_290 : i32
      %add3A_292 = arith.constant 512 : i32
      %add3A_293 = arith.addi %add3A_292, %mul3A_291 : i32
      %get3A_294 = arith.index_cast %add3A_293 : i32 to index
      %get3A_295 = tpu.vector_load %arg6[%get3A_294] {strides = array<i32>} : memref<2048xi32, #tpu.memory_space<vmem>>, vector<16xi32>,
      %ne3A_296 = arith.constant -1 : i32
      %ne3A_297 = vector.broadcast %ne3A_296 : i32 to vector<16xi32>
      %ne3A_298 = arith.cmpi ne, %get3A_295, %ne3A_297 : vector<16xi32>
      %jit3A_299 = arith.constant 0 : i32
      %broadcast_in_dim3A_300 = vector.broadcast %jit3A_299 : i32 to vector<16xi32>
      %select_n3A_301 = arith.select %ne3A_298, %get3A_295, %broadcast_in_dim3A_300 : vector<16xi1>, vector<16xi32>
      %mul3A_302 = arith.constant 16 : i32
      %mul3A_303 = arith.muli %scan3A_289, %mul3A_302 : i32
      %add3A_304 = vector.broadcast %mul3A_303 : i32 to vector<16xi32>
      %add3A_305 = arith.addi %add3A_304, %iota3A : vector<16xi32>
      %gather3A_306 = tpu.vector_load_idx %arg7[%add3A_305, %select_n3A_301] : memref<128x190xf32, #tpu.memory_space<vmem>>[vector<16xi32>, vector<16xi32>], vector<16xf32>,
      %sub3A_307 = arith.constant 1.000000e+00 : f32
      %sub3A_308 = vector.broadcast %sub3A_307 : f32 to vector<16xf32>
      %sub3A_309 = arith.subf %sub3A_308, %gather3A_306 : vector<16xf32>
      %mul3A_310 = arith.mulf %sub3A_309, %sub3A_309 : vector<16xf32>
      %jit3A_311 = arith.constant 0.000000e+00 : f32
      %broadcast_in_dim3A_312 = vector.broadcast %jit3A_311 : f32 to vector<16xf32>
      %select_n3A_313 = arith.select %ne3A_298, %mul3A_310, %broadcast_in_dim3A_312 : vector<16xi1>, vector<16xf32>
      %add3A_314 = arith.addf %add3A_281, %select_n3A_313 : vector<16xf32>
      %jit3A_315 = arith.constant 1.000000e+00 : f32
      %jit3A_316 = arith.constant 0.000000e+00 : f32
      %broadcast_in_dim3A_317 = vector.broadcast %jit3A_315 : f32 to vector<16xf32>
      %broadcast_in_dim3A_318 = vector.broadcast %jit3A_316 : f32 to vector<16xf32>
      %select_n3A_319 = arith.select %ne3A_298, %broadcast_in_dim3A_317, %broadcast_in_dim3A_318 : vector<16xi1>, vector<16xf32>
      %add3A_320 = arith.addf %add3A_287, %select_n3A_319 : vector<16xf32>
      %scan3A_321 = arith.constant 2 : i32
      %scan3A_322 = arith.addi %scan3A_260, %scan3A_321 : i32
      %mul3A_323 = arith.constant 16 : i32
      %mul3A_324 = arith.muli %scan3A_322, %mul3A_323 : i32
      %add3A_325 = arith.constant 512 : i32
      %add3A_326 = arith.addi %add3A_325, %mul3A_324 : i32
      %get3A_327 = arith.index_cast %add3A_326 : i32 to index
      %get3A_328 = tpu.vector_load %arg6[%get3A_327] {strides = array<i32>} : memref<2048xi32, #tpu.memory_space<vmem>>, vector<16xi32>,
      %ne3A_329 = arith.constant -1 : i32
      %ne3A_330 = vector.broadcast %ne3A_329 : i32 to vector<16xi32>
      %ne3A_331 = arith.cmpi ne, %get3A_328, %ne3A_330 : vector<16xi32>
      %jit3A_332 = arith.constant 0 : i32
      %broadcast_in_dim3A_333 = vector.broadcast %jit3A_332 : i32 to vector<16xi32>
      %select_n3A_334 = arith.select %ne3A_331, %get3A_328, %broadcast_in_dim3A_333 : vector<16xi1>, vector<16xi32>
      %mul3A_335 = arith.constant 16 : i32
      %mul3A_336 = arith.muli %scan3A_322, %mul3A_335 : i32
      %add3A_337 = vector.broadcast %mul3A_336 : i32 to vector<16xi32>
      %add3A_338 = arith.addi %add3A_337, %iota3A : vector<16xi32>
      %gather3A_339 = tpu.vector_load_idx %arg7[%add3A_338, %select_n3A_334] : memref<128x190xf32, #tpu.memory_space<vmem>>[vector<16xi32>, vector<16xi32>], vector<16xf32>,
      %sub3A_340 = arith.constant 1.000000e+00 : f32
      %sub3A_341 = vector.broadcast %sub3A_340 : f32 to vector<16xf32>
      %sub3A_342 = arith.subf %sub3A_341, %gather3A_339 : vector<16xf32>
      %mul3A_343 = arith.mulf %sub3A_342, %sub3A_342 : vector<16xf32>
      %jit3A_344 = arith.constant 0.000000e+00 : f32
      %broadcast_in_dim3A_345 = vector.broadcast %jit3A_344 : f32 to vector<16xf32>
      %select_n3A_346 = arith.select %ne3A_331, %mul3A_343, %broadcast_in_dim3A_345 : vector<16xi1>, vector<16xf32>
      %add3A_347 = arith.addf %add3A_314, %select_n3A_346 : vector<16xf32>
      %jit3A_348 = arith.constant 1.000000e+00 : f32
      %jit3A_349 = arith.constant 0.000000e+00 : f32
      %broadcast_in_dim3A_350 = vector.broadcast %jit3A_348 : f32 to vector<16xf32>
      %broadcast_in_dim3A_351 = vector.broadcast %jit3A_349 : f32 to vector<16xf32>
      %select_n3A_352 = arith.select %ne3A_331, %broadcast_in_dim3A_350, %broadcast_in_dim3A_351 : vector<16xi1>, vector<16xf32>
      %add3A_353 = arith.addf %add3A_320, %select_n3A_352 : vector<16xf32>
      %scan3A_354 = arith.constant 3 : i32
      %scan3A_355 = arith.addi %scan3A_260, %scan3A_354 : i32
      %mul3A_356 = arith.constant 16 : i32
      %mul3A_357 = arith.muli %scan3A_355, %mul3A_356 : i32
      %add3A_358 = arith.constant 512 : i32
      %add3A_359 = arith.addi %add3A_358, %mul3A_357 : i32
      %get3A_360 = arith.index_cast %add3A_359 : i32 to index
      %get3A_361 = tpu.vector_load %arg6[%get3A_360] {strides = array<i32>} : memref<2048xi32, #tpu.memory_space<vmem>>, vector<16xi32>,
      %ne3A_362 = arith.constant -1 : i32
      %ne3A_363 = vector.broadcast %ne3A_362 : i32 to vector<16xi32>
      %ne3A_364 = arith.cmpi ne, %get3A_361, %ne3A_363 : vector<16xi32>
      %jit3A_365 = arith.constant 0 : i32
      %broadcast_in_dim3A_366 = vector.broadcast %jit3A_365 : i32 to vector<16xi32>
      %select_n3A_367 = arith.select %ne3A_364, %get3A_361, %broadcast_in_dim3A_366 : vector<16xi1>, vector<16xi32>
      %mul3A_368 = arith.constant 16 : i32
      %mul3A_369 = arith.muli %scan3A_355, %mul3A_368 : i32
      %add3A_370 = vector.broadcast %mul3A_369 : i32 to vector<16xi32>
      %add3A_371 = arith.addi %add3A_370, %iota3A : vector<16xi32>
      %gather3A_372 = tpu.vector_load_idx %arg7[%add3A_371, %select_n3A_367] : memref<128x190xf32, #tpu.memory_space<vmem>>[vector<16xi32>, vector<16xi32>], vector<16xf32>,
      %sub3A_373 = arith.constant 1.000000e+00 : f32
      %sub3A_374 = vector.broadcast %sub3A_373 : f32 to vector<16xf32>
      %sub3A_375 = arith.subf %sub3A_374, %gather3A_372 : vector<16xf32>
      %mul3A_376 = arith.mulf %sub3A_375, %sub3A_375 : vector<16xf32>
      %jit3A_377 = arith.constant 0.000000e+00 : f32
      %broadcast_in_dim3A_378 = vector.broadcast %jit3A_377 : f32 to vector<16xf32>
      %select_n3A_379 = arith.select %ne3A_364, %mul3A_376, %broadcast_in_dim3A_378 : vector<16xi1>, vector<16xf32>
      %add3A_380 = arith.addf %add3A_347, %select_n3A_379 : vector<16xf32>
      %jit3A_381 = arith.constant 1.000000e+00 : f32
      %jit3A_382 = arith.constant 0.000000e+00 : f32
      %broadcast_in_dim3A_383 = vector.broadcast %jit3A_381 : f32 to vector<16xf32>
      %broadcast_in_dim3A_384 = vector.broadcast %jit3A_382 : f32 to vector<16xf32>
      %select_n3A_385 = arith.select %ne3A_364, %broadcast_in_dim3A_383, %broadcast_in_dim3A_384 : vector<16xi1>, vector<16xf32>
      %add3A_386 = arith.addf %add3A_353, %select_n3A_385 : vector<16xf32>
      scf.yield %add3A_380, %add3A_386 : vector<16xf32>, vector<16xf32>
    }
    %scan3A_86 = arith.constant 8 : i32
    %add3A_87 = arith.constant 768 : i32
    %add3A_88 = arith.addi %mul3A_2, %add3A_87 : i32
    %dma_start3A_89 = arith.constant 0 : i32
    %dma_start3A_90 = tpu.memref_slice %arg2[%add3A_88, %dma_start3A_89] : memref<131072x190xf32, #tpu.memory_space<hbm>> -> memref<128x190xf32, #tpu.memory_space<hbm>>
    %dma_start3A_91 = arith.constant 0 : i32
    %dma_start3A_92 = tpu.memref_slice %arg2[%add3A_88, %dma_start3A_91] : memref<131072x190xf32, #tpu.memory_space<hbm>> -> memref<128x190xf32, #tpu.memory_space<hbm>>
    tpu.enqueue_dma source(%dma_start3A_92 : memref<128x190xf32, #tpu.memory_space<hbm>>) target(%arg7 : memref<128x190xf32, #tpu.memory_space<vmem>>) target_semaphore(%arg11 : memref<!tpu.dma_semaphore, #tpu.memory_space<semaphore_mem>>)
    %dma_wait3A_93 = arith.constant 0 : i32
    %dma_wait3A_94 = tpu.memref_slice %arg2[%mul3A_2, %dma_wait3A_93] : memref<131072x190xf32, #tpu.memory_space<hbm>> -> memref<128x190xf32, #tpu.memory_space<hbm>>
    %dma_wait3A_95 = arith.constant 0 : i32
    %dma_wait3A_96 = tpu.memref_slice %arg2[%mul3A_2, %dma_wait3A_95] : memref<131072x190xf32, #tpu.memory_space<hbm>> -> memref<128x190xf32, #tpu.memory_space<hbm>>
    tpu.wait_dma2 semaphore(%arg12 : memref<!tpu.dma_semaphore, #tpu.memory_space<semaphore_mem>>) src(%dma_wait3A_96 : memref<128x190xf32, #tpu.memory_space<hbm>>) dst(%arg8 : memref<128x190xf32, #tpu.memory_space<vmem>>)
    %scan3A_97 = arith.constant 0 : i32
    %scan3A_98 = arith.constant 8 : i32
    %scan3A_99 = arith.addi %scan3A_97, %scan3A_98 : i32
    %scan3A_100 = arith.constant 4 : i32
    %scan3A_101:2 = scf.for %scan3A_260 = %scan3A_97 to %scan3A_99 step %scan3A_100 iter_args(%scan3A_261 = %scan3A_85#0, %scan3A_262 = %scan3A_85#1) -> (vector<16xf32>, vector<16xf32>)  : i32 {
      %mul3A_263 = arith.constant 16 : i32
      %mul3A_264 = arith.muli %scan3A_260, %mul3A_263 : i32
      %add3A_265 = arith.constant 640 : i32
      %add3A_266 = arith.addi %add3A_265, %mul3A_264 : i32
      %get3A = arith.index_cast %add3A_266 : i32 to index
      %get3A_267 = tpu.vector_load %arg6[%get3A] {strides = array<i32>} : memref<2048xi32, #tpu.memory_space<vmem>>, vector<16xi32>,
      %ne3A = arith.constant -1 : i32
      %ne3A_268 = vector.broadcast %ne3A : i32 to vector<16xi32>
      %ne3A_269 = arith.cmpi ne, %get3A_267, %ne3A_268 : vector<16xi32>
      %jit3A = arith.constant 0 : i32
      %broadcast_in_dim3A_270 = vector.broadcast %jit3A : i32 to vector<16xi32>
      %select_n3A = arith.select %ne3A_269, %get3A_267, %broadcast_in_dim3A_270 : vector<16xi1>, vector<16xi32>
      %mul3A_271 = arith.constant 16 : i32
      %mul3A_272 = arith.muli %scan3A_260, %mul3A_271 : i32
      %add3A_273 = vector.broadcast %mul3A_272 : i32 to vector<16xi32>
      %add3A_274 = arith.addi %add3A_273, %iota3A : vector<16xi32>
      %gather3A = tpu.vector_load_idx %arg8[%add3A_274, %select_n3A] : memref<128x190xf32, #tpu.memory_space<vmem>>[vector<16xi32>, vector<16xi32>], vector<16xf32>,
      %sub3A = arith.constant 1.000000e+00 : f32
      %sub3A_275 = vector.broadcast %sub3A : f32 to vector<16xf32>
      %sub3A_276 = arith.subf %sub3A_275, %gather3A : vector<16xf32>
      %mul3A_277 = arith.mulf %sub3A_276, %sub3A_276 : vector<16xf32>
      %jit3A_278 = arith.constant 0.000000e+00 : f32
      %broadcast_in_dim3A_279 = vector.broadcast %jit3A_278 : f32 to vector<16xf32>
      %select_n3A_280 = arith.select %ne3A_269, %mul3A_277, %broadcast_in_dim3A_279 : vector<16xi1>, vector<16xf32>
      %add3A_281 = arith.addf %scan3A_261, %select_n3A_280 : vector<16xf32>
      %jit3A_282 = arith.constant 1.000000e+00 : f32
      %jit3A_283 = arith.constant 0.000000e+00 : f32
      %broadcast_in_dim3A_284 = vector.broadcast %jit3A_282 : f32 to vector<16xf32>
      %broadcast_in_dim3A_285 = vector.broadcast %jit3A_283 : f32 to vector<16xf32>
      %select_n3A_286 = arith.select %ne3A_269, %broadcast_in_dim3A_284, %broadcast_in_dim3A_285 : vector<16xi1>, vector<16xf32>
      %add3A_287 = arith.addf %scan3A_262, %select_n3A_286 : vector<16xf32>
      %scan3A_288 = arith.constant 1 : i32
      %scan3A_289 = arith.addi %scan3A_260, %scan3A_288 : i32
      %mul3A_290 = arith.constant 16 : i32
      %mul3A_291 = arith.muli %scan3A_289, %mul3A_290 : i32
      %add3A_292 = arith.constant 640 : i32
      %add3A_293 = arith.addi %add3A_292, %mul3A_291 : i32
      %get3A_294 = arith.index_cast %add3A_293 : i32 to index
      %get3A_295 = tpu.vector_load %arg6[%get3A_294] {strides = array<i32>} : memref<2048xi32, #tpu.memory_space<vmem>>, vector<16xi32>,
      %ne3A_296 = arith.constant -1 : i32
      %ne3A_297 = vector.broadcast %ne3A_296 : i32 to vector<16xi32>
      %ne3A_298 = arith.cmpi ne, %get3A_295, %ne3A_297 : vector<16xi32>
      %jit3A_299 = arith.constant 0 : i32
      %broadcast_in_dim3A_300 = vector.broadcast %jit3A_299 : i32 to vector<16xi32>
      %select_n3A_301 = arith.select %ne3A_298, %get3A_295, %broadcast_in_dim3A_300 : vector<16xi1>, vector<16xi32>
      %mul3A_302 = arith.constant 16 : i32
      %mul3A_303 = arith.muli %scan3A_289, %mul3A_302 : i32
      %add3A_304 = vector.broadcast %mul3A_303 : i32 to vector<16xi32>
      %add3A_305 = arith.addi %add3A_304, %iota3A : vector<16xi32>
      %gather3A_306 = tpu.vector_load_idx %arg8[%add3A_305, %select_n3A_301] : memref<128x190xf32, #tpu.memory_space<vmem>>[vector<16xi32>, vector<16xi32>], vector<16xf32>,
      %sub3A_307 = arith.constant 1.000000e+00 : f32
      %sub3A_308 = vector.broadcast %sub3A_307 : f32 to vector<16xf32>
      %sub3A_309 = arith.subf %sub3A_308, %gather3A_306 : vector<16xf32>
      %mul3A_310 = arith.mulf %sub3A_309, %sub3A_309 : vector<16xf32>
      %jit3A_311 = arith.constant 0.000000e+00 : f32
      %broadcast_in_dim3A_312 = vector.broadcast %jit3A_311 : f32 to vector<16xf32>
      %select_n3A_313 = arith.select %ne3A_298, %mul3A_310, %broadcast_in_dim3A_312 : vector<16xi1>, vector<16xf32>
      %add3A_314 = arith.addf %add3A_281, %select_n3A_313 : vector<16xf32>
      %jit3A_315 = arith.constant 1.000000e+00 : f32
      %jit3A_316 = arith.constant 0.000000e+00 : f32
      %broadcast_in_dim3A_317 = vector.broadcast %jit3A_315 : f32 to vector<16xf32>
      %broadcast_in_dim3A_318 = vector.broadcast %jit3A_316 : f32 to vector<16xf32>
      %select_n3A_319 = arith.select %ne3A_298, %broadcast_in_dim3A_317, %broadcast_in_dim3A_318 : vector<16xi1>, vector<16xf32>
      %add3A_320 = arith.addf %add3A_287, %select_n3A_319 : vector<16xf32>
      %scan3A_321 = arith.constant 2 : i32
      %scan3A_322 = arith.addi %scan3A_260, %scan3A_321 : i32
      %mul3A_323 = arith.constant 16 : i32
      %mul3A_324 = arith.muli %scan3A_322, %mul3A_323 : i32
      %add3A_325 = arith.constant 640 : i32
      %add3A_326 = arith.addi %add3A_325, %mul3A_324 : i32
      %get3A_327 = arith.index_cast %add3A_326 : i32 to index
      %get3A_328 = tpu.vector_load %arg6[%get3A_327] {strides = array<i32>} : memref<2048xi32, #tpu.memory_space<vmem>>, vector<16xi32>,
      %ne3A_329 = arith.constant -1 : i32
      %ne3A_330 = vector.broadcast %ne3A_329 : i32 to vector<16xi32>
      %ne3A_331 = arith.cmpi ne, %get3A_328, %ne3A_330 : vector<16xi32>
      %jit3A_332 = arith.constant 0 : i32
      %broadcast_in_dim3A_333 = vector.broadcast %jit3A_332 : i32 to vector<16xi32>
      %select_n3A_334 = arith.select %ne3A_331, %get3A_328, %broadcast_in_dim3A_333 : vector<16xi1>, vector<16xi32>
      %mul3A_335 = arith.constant 16 : i32
      %mul3A_336 = arith.muli %scan3A_322, %mul3A_335 : i32
      %add3A_337 = vector.broadcast %mul3A_336 : i32 to vector<16xi32>
      %add3A_338 = arith.addi %add3A_337, %iota3A : vector<16xi32>
      %gather3A_339 = tpu.vector_load_idx %arg8[%add3A_338, %select_n3A_334] : memref<128x190xf32, #tpu.memory_space<vmem>>[vector<16xi32>, vector<16xi32>], vector<16xf32>,
      %sub3A_340 = arith.constant 1.000000e+00 : f32
      %sub3A_341 = vector.broadcast %sub3A_340 : f32 to vector<16xf32>
      %sub3A_342 = arith.subf %sub3A_341, %gather3A_339 : vector<16xf32>
      %mul3A_343 = arith.mulf %sub3A_342, %sub3A_342 : vector<16xf32>
      %jit3A_344 = arith.constant 0.000000e+00 : f32
      %broadcast_in_dim3A_345 = vector.broadcast %jit3A_344 : f32 to vector<16xf32>
      %select_n3A_346 = arith.select %ne3A_331, %mul3A_343, %broadcast_in_dim3A_345 : vector<16xi1>, vector<16xf32>
      %add3A_347 = arith.addf %add3A_314, %select_n3A_346 : vector<16xf32>
      %jit3A_348 = arith.constant 1.000000e+00 : f32
      %jit3A_349 = arith.constant 0.000000e+00 : f32
      %broadcast_in_dim3A_350 = vector.broadcast %jit3A_348 : f32 to vector<16xf32>
      %broadcast_in_dim3A_351 = vector.broadcast %jit3A_349 : f32 to vector<16xf32>
      %select_n3A_352 = arith.select %ne3A_331, %broadcast_in_dim3A_350, %broadcast_in_dim3A_351 : vector<16xi1>, vector<16xf32>
      %add3A_353 = arith.addf %add3A_320, %select_n3A_352 : vector<16xf32>
      %scan3A_354 = arith.constant 3 : i32
      %scan3A_355 = arith.addi %scan3A_260, %scan3A_354 : i32
      %mul3A_356 = arith.constant 16 : i32
      %mul3A_357 = arith.muli %scan3A_355, %mul3A_356 : i32
      %add3A_358 = arith.constant 640 : i32
      %add3A_359 = arith.addi %add3A_358, %mul3A_357 : i32
      %get3A_360 = arith.index_cast %add3A_359 : i32 to index
      %get3A_361 = tpu.vector_load %arg6[%get3A_360] {strides = array<i32>} : memref<2048xi32, #tpu.memory_space<vmem>>, vector<16xi32>,
      %ne3A_362 = arith.constant -1 : i32
      %ne3A_363 = vector.broadcast %ne3A_362 : i32 to vector<16xi32>
      %ne3A_364 = arith.cmpi ne, %get3A_361, %ne3A_363 : vector<16xi32>
      %jit3A_365 = arith.constant 0 : i32
      %broadcast_in_dim3A_366 = vector.broadcast %jit3A_365 : i32 to vector<16xi32>
      %select_n3A_367 = arith.select %ne3A_364, %get3A_361, %broadcast_in_dim3A_366 : vector<16xi1>, vector<16xi32>
      %mul3A_368 = arith.constant 16 : i32
      %mul3A_369 = arith.muli %scan3A_355, %mul3A_368 : i32
      %add3A_370 = vector.broadcast %mul3A_369 : i32 to vector<16xi32>
      %add3A_371 = arith.addi %add3A_370, %iota3A : vector<16xi32>
      %gather3A_372 = tpu.vector_load_idx %arg8[%add3A_371, %select_n3A_367] : memref<128x190xf32, #tpu.memory_space<vmem>>[vector<16xi32>, vector<16xi32>], vector<16xf32>,
      %sub3A_373 = arith.constant 1.000000e+00 : f32
      %sub3A_374 = vector.broadcast %sub3A_373 : f32 to vector<16xf32>
      %sub3A_375 = arith.subf %sub3A_374, %gather3A_372 : vector<16xf32>
      %mul3A_376 = arith.mulf %sub3A_375, %sub3A_375 : vector<16xf32>
      %jit3A_377 = arith.constant 0.000000e+00 : f32
      %broadcast_in_dim3A_378 = vector.broadcast %jit3A_377 : f32 to vector<16xf32>
      %select_n3A_379 = arith.select %ne3A_364, %mul3A_376, %broadcast_in_dim3A_378 : vector<16xi1>, vector<16xf32>
      %add3A_380 = arith.addf %add3A_347, %select_n3A_379 : vector<16xf32>
      %jit3A_381 = arith.constant 1.000000e+00 : f32
      %jit3A_382 = arith.constant 0.000000e+00 : f32
      %broadcast_in_dim3A_383 = vector.broadcast %jit3A_381 : f32 to vector<16xf32>
      %broadcast_in_dim3A_384 = vector.broadcast %jit3A_382 : f32 to vector<16xf32>
      %select_n3A_385 = arith.select %ne3A_364, %broadcast_in_dim3A_383, %broadcast_in_dim3A_384 : vector<16xi1>, vector<16xf32>
      %add3A_386 = arith.addf %add3A_353, %select_n3A_385 : vector<16xf32>
      scf.yield %add3A_380, %add3A_386 : vector<16xf32>, vector<16xf32>
    }
    %scan3A_102 = arith.constant 8 : i32
    %add3A_103 = arith.constant 896 : i32
    %add3A_104 = arith.addi %mul3A_2, %add3A_103 : i32
    %dma_start3A_105 = arith.constant 0 : i32
    %dma_start3A_106 = tpu.memref_slice %arg2[%add3A_104, %dma_start3A_105] : memref<131072x190xf32, #tpu.memory_space<hbm>> -> memref<128x190xf32, #tpu.memory_space<hbm>>
    %dma_start3A_107 = arith.constant 0 : i32
    %dma_start3A_108 = tpu.memref_slice %arg2[%add3A_104, %dma_start3A_107] : memref<131072x190xf32, #tpu.memory_space<hbm>> -> memref<128x190xf32, #tpu.memory_space<hbm>>
    tpu.enqueue_dma source(%dma_start3A_108 : memref<128x190xf32, #tpu.memory_space<hbm>>) target(%arg8 : memref<128x190xf32, #tpu.memory_space<vmem>>) target_semaphore(%arg12 : memref<!tpu.dma_semaphore, #tpu.memory_space<semaphore_mem>>)
    %dma_wait3A_109 = arith.constant 0 : i32
    %dma_wait3A_110 = tpu.memref_slice %arg2[%mul3A_2, %dma_wait3A_109] : memref<131072x190xf32, #tpu.memory_space<hbm>> -> memref<128x190xf32, #tpu.memory_space<hbm>>
    %dma_wait3A_111 = arith.constant 0 : i32
    %dma_wait3A_112 = tpu.memref_slice %arg2[%mul3A_2, %dma_wait3A_111] : memref<131072x190xf32, #tpu.memory_space<hbm>> -> memref<128x190xf32, #tpu.memory_space<hbm>>
    tpu.wait_dma2 semaphore(%arg11 : memref<!tpu.dma_semaphore, #tpu.memory_space<semaphore_mem>>) src(%dma_wait3A_112 : memref<128x190xf32, #tpu.memory_space<hbm>>) dst(%arg7 : memref<128x190xf32, #tpu.memory_space<vmem>>)
    %scan3A_113 = arith.constant 0 : i32
    %scan3A_114 = arith.constant 8 : i32
    %scan3A_115 = arith.addi %scan3A_113, %scan3A_114 : i32
    %scan3A_116 = arith.constant 4 : i32
    %scan3A_117:2 = scf.for %scan3A_260 = %scan3A_113 to %scan3A_115 step %scan3A_116 iter_args(%scan3A_261 = %scan3A_101#0, %scan3A_262 = %scan3A_101#1) -> (vector<16xf32>, vector<16xf32>)  : i32 {
      %mul3A_263 = arith.constant 16 : i32
      %mul3A_264 = arith.muli %scan3A_260, %mul3A_263 : i32
      %add3A_265 = arith.constant 768 : i32
      %add3A_266 = arith.addi %add3A_265, %mul3A_264 : i32
      %get3A = arith.index_cast %add3A_266 : i32 to index
      %get3A_267 = tpu.vector_load %arg6[%get3A] {strides = array<i32>} : memref<2048xi32, #tpu.memory_space<vmem>>, vector<16xi32>,
      %ne3A = arith.constant -1 : i32
      %ne3A_268 = vector.broadcast %ne3A : i32 to vector<16xi32>
      %ne3A_269 = arith.cmpi ne, %get3A_267, %ne3A_268 : vector<16xi32>
      %jit3A = arith.constant 0 : i32
      %broadcast_in_dim3A_270 = vector.broadcast %jit3A : i32 to vector<16xi32>
      %select_n3A = arith.select %ne3A_269, %get3A_267, %broadcast_in_dim3A_270 : vector<16xi1>, vector<16xi32>
      %mul3A_271 = arith.constant 16 : i32
      %mul3A_272 = arith.muli %scan3A_260, %mul3A_271 : i32
      %add3A_273 = vector.broadcast %mul3A_272 : i32 to vector<16xi32>
      %add3A_274 = arith.addi %add3A_273, %iota3A : vector<16xi32>
      %gather3A = tpu.vector_load_idx %arg7[%add3A_274, %select_n3A] : memref<128x190xf32, #tpu.memory_space<vmem>>[vector<16xi32>, vector<16xi32>], vector<16xf32>,
      %sub3A = arith.constant 1.000000e+00 : f32
      %sub3A_275 = vector.broadcast %sub3A : f32 to vector<16xf32>
      %sub3A_276 = arith.subf %sub3A_275, %gather3A : vector<16xf32>
      %mul3A_277 = arith.mulf %sub3A_276, %sub3A_276 : vector<16xf32>
      %jit3A_278 = arith.constant 0.000000e+00 : f32
      %broadcast_in_dim3A_279 = vector.broadcast %jit3A_278 : f32 to vector<16xf32>
      %select_n3A_280 = arith.select %ne3A_269, %mul3A_277, %broadcast_in_dim3A_279 : vector<16xi1>, vector<16xf32>
      %add3A_281 = arith.addf %scan3A_261, %select_n3A_280 : vector<16xf32>
      %jit3A_282 = arith.constant 1.000000e+00 : f32
      %jit3A_283 = arith.constant 0.000000e+00 : f32
      %broadcast_in_dim3A_284 = vector.broadcast %jit3A_282 : f32 to vector<16xf32>
      %broadcast_in_dim3A_285 = vector.broadcast %jit3A_283 : f32 to vector<16xf32>
      %select_n3A_286 = arith.select %ne3A_269, %broadcast_in_dim3A_284, %broadcast_in_dim3A_285 : vector<16xi1>, vector<16xf32>
      %add3A_287 = arith.addf %scan3A_262, %select_n3A_286 : vector<16xf32>
      %scan3A_288 = arith.constant 1 : i32
      %scan3A_289 = arith.addi %scan3A_260, %scan3A_288 : i32
      %mul3A_290 = arith.constant 16 : i32
      %mul3A_291 = arith.muli %scan3A_289, %mul3A_290 : i32
      %add3A_292 = arith.constant 768 : i32
      %add3A_293 = arith.addi %add3A_292, %mul3A_291 : i32
      %get3A_294 = arith.index_cast %add3A_293 : i32 to index
      %get3A_295 = tpu.vector_load %arg6[%get3A_294] {strides = array<i32>} : memref<2048xi32, #tpu.memory_space<vmem>>, vector<16xi32>,
      %ne3A_296 = arith.constant -1 : i32
      %ne3A_297 = vector.broadcast %ne3A_296 : i32 to vector<16xi32>
      %ne3A_298 = arith.cmpi ne, %get3A_295, %ne3A_297 : vector<16xi32>
      %jit3A_299 = arith.constant 0 : i32
      %broadcast_in_dim3A_300 = vector.broadcast %jit3A_299 : i32 to vector<16xi32>
      %select_n3A_301 = arith.select %ne3A_298, %get3A_295, %broadcast_in_dim3A_300 : vector<16xi1>, vector<16xi32>
      %mul3A_302 = arith.constant 16 : i32
      %mul3A_303 = arith.muli %scan3A_289, %mul3A_302 : i32
      %add3A_304 = vector.broadcast %mul3A_303 : i32 to vector<16xi32>
      %add3A_305 = arith.addi %add3A_304, %iota3A : vector<16xi32>
      %gather3A_306 = tpu.vector_load_idx %arg7[%add3A_305, %select_n3A_301] : memref<128x190xf32, #tpu.memory_space<vmem>>[vector<16xi32>, vector<16xi32>], vector<16xf32>,
      %sub3A_307 = arith.constant 1.000000e+00 : f32
      %sub3A_308 = vector.broadcast %sub3A_307 : f32 to vector<16xf32>
      %sub3A_309 = arith.subf %sub3A_308, %gather3A_306 : vector<16xf32>
      %mul3A_310 = arith.mulf %sub3A_309, %sub3A_309 : vector<16xf32>
      %jit3A_311 = arith.constant 0.000000e+00 : f32
      %broadcast_in_dim3A_312 = vector.broadcast %jit3A_311 : f32 to vector<16xf32>
      %select_n3A_313 = arith.select %ne3A_298, %mul3A_310, %broadcast_in_dim3A_312 : vector<16xi1>, vector<16xf32>
      %add3A_314 = arith.addf %add3A_281, %select_n3A_313 : vector<16xf32>
      %jit3A_315 = arith.constant 1.000000e+00 : f32
      %jit3A_316 = arith.constant 0.000000e+00 : f32
      %broadcast_in_dim3A_317 = vector.broadcast %jit3A_315 : f32 to vector<16xf32>
      %broadcast_in_dim3A_318 = vector.broadcast %jit3A_316 : f32 to vector<16xf32>
      %select_n3A_319 = arith.select %ne3A_298, %broadcast_in_dim3A_317, %broadcast_in_dim3A_318 : vector<16xi1>, vector<16xf32>
      %add3A_320 = arith.addf %add3A_287, %select_n3A_319 : vector<16xf32>
      %scan3A_321 = arith.constant 2 : i32
      %scan3A_322 = arith.addi %scan3A_260, %scan3A_321 : i32
      %mul3A_323 = arith.constant 16 : i32
      %mul3A_324 = arith.muli %scan3A_322, %mul3A_323 : i32
      %add3A_325 = arith.constant 768 : i32
      %add3A_326 = arith.addi %add3A_325, %mul3A_324 : i32
      %get3A_327 = arith.index_cast %add3A_326 : i32 to index
      %get3A_328 = tpu.vector_load %arg6[%get3A_327] {strides = array<i32>} : memref<2048xi32, #tpu.memory_space<vmem>>, vector<16xi32>,
      %ne3A_329 = arith.constant -1 : i32
      %ne3A_330 = vector.broadcast %ne3A_329 : i32 to vector<16xi32>
      %ne3A_331 = arith.cmpi ne, %get3A_328, %ne3A_330 : vector<16xi32>
      %jit3A_332 = arith.constant 0 : i32
      %broadcast_in_dim3A_333 = vector.broadcast %jit3A_332 : i32 to vector<16xi32>
      %select_n3A_334 = arith.select %ne3A_331, %get3A_328, %broadcast_in_dim3A_333 : vector<16xi1>, vector<16xi32>
      %mul3A_335 = arith.constant 16 : i32
      %mul3A_336 = arith.muli %scan3A_322, %mul3A_335 : i32
      %add3A_337 = vector.broadcast %mul3A_336 : i32 to vector<16xi32>
      %add3A_338 = arith.addi %add3A_337, %iota3A : vector<16xi32>
      %gather3A_339 = tpu.vector_load_idx %arg7[%add3A_338, %select_n3A_334] : memref<128x190xf32, #tpu.memory_space<vmem>>[vector<16xi32>, vector<16xi32>], vector<16xf32>,
      %sub3A_340 = arith.constant 1.000000e+00 : f32
      %sub3A_341 = vector.broadcast %sub3A_340 : f32 to vector<16xf32>
      %sub3A_342 = arith.subf %sub3A_341, %gather3A_339 : vector<16xf32>
      %mul3A_343 = arith.mulf %sub3A_342, %sub3A_342 : vector<16xf32>
      %jit3A_344 = arith.constant 0.000000e+00 : f32
      %broadcast_in_dim3A_345 = vector.broadcast %jit3A_344 : f32 to vector<16xf32>
      %select_n3A_346 = arith.select %ne3A_331, %mul3A_343, %broadcast_in_dim3A_345 : vector<16xi1>, vector<16xf32>
      %add3A_347 = arith.addf %add3A_314, %select_n3A_346 : vector<16xf32>
      %jit3A_348 = arith.constant 1.000000e+00 : f32
      %jit3A_349 = arith.constant 0.000000e+00 : f32
      %broadcast_in_dim3A_350 = vector.broadcast %jit3A_348 : f32 to vector<16xf32>
      %broadcast_in_dim3A_351 = vector.broadcast %jit3A_349 : f32 to vector<16xf32>
      %select_n3A_352 = arith.select %ne3A_331, %broadcast_in_dim3A_350, %broadcast_in_dim3A_351 : vector<16xi1>, vector<16xf32>
      %add3A_353 = arith.addf %add3A_320, %select_n3A_352 : vector<16xf32>
      %scan3A_354 = arith.constant 3 : i32
      %scan3A_355 = arith.addi %scan3A_260, %scan3A_354 : i32
      %mul3A_356 = arith.constant 16 : i32
      %mul3A_357 = arith.muli %scan3A_355, %mul3A_356 : i32
      %add3A_358 = arith.constant 768 : i32
      %add3A_359 = arith.addi %add3A_358, %mul3A_357 : i32
      %get3A_360 = arith.index_cast %add3A_359 : i32 to index
      %get3A_361 = tpu.vector_load %arg6[%get3A_360] {strides = array<i32>} : memref<2048xi32, #tpu.memory_space<vmem>>, vector<16xi32>,
      %ne3A_362 = arith.constant -1 : i32
      %ne3A_363 = vector.broadcast %ne3A_362 : i32 to vector<16xi32>
      %ne3A_364 = arith.cmpi ne, %get3A_361, %ne3A_363 : vector<16xi32>
      %jit3A_365 = arith.constant 0 : i32
      %broadcast_in_dim3A_366 = vector.broadcast %jit3A_365 : i32 to vector<16xi32>
      %select_n3A_367 = arith.select %ne3A_364, %get3A_361, %broadcast_in_dim3A_366 : vector<16xi1>, vector<16xi32>
      %mul3A_368 = arith.constant 16 : i32
      %mul3A_369 = arith.muli %scan3A_355, %mul3A_368 : i32
      %add3A_370 = vector.broadcast %mul3A_369 : i32 to vector<16xi32>
      %add3A_371 = arith.addi %add3A_370, %iota3A : vector<16xi32>
      %gather3A_372 = tpu.vector_load_idx %arg7[%add3A_371, %select_n3A_367] : memref<128x190xf32, #tpu.memory_space<vmem>>[vector<16xi32>, vector<16xi32>], vector<16xf32>,
      %sub3A_373 = arith.constant 1.000000e+00 : f32
      %sub3A_374 = vector.broadcast %sub3A_373 : f32 to vector<16xf32>
      %sub3A_375 = arith.subf %sub3A_374, %gather3A_372 : vector<16xf32>
      %mul3A_376 = arith.mulf %sub3A_375, %sub3A_375 : vector<16xf32>
      %jit3A_377 = arith.constant 0.000000e+00 : f32
      %broadcast_in_dim3A_378 = vector.broadcast %jit3A_377 : f32 to vector<16xf32>
      %select_n3A_379 = arith.select %ne3A_364, %mul3A_376, %broadcast_in_dim3A_378 : vector<16xi1>, vector<16xf32>
      %add3A_380 = arith.addf %add3A_347, %select_n3A_379 : vector<16xf32>
      %jit3A_381 = arith.constant 1.000000e+00 : f32
      %jit3A_382 = arith.constant 0.000000e+00 : f32
      %broadcast_in_dim3A_383 = vector.broadcast %jit3A_381 : f32 to vector<16xf32>
      %broadcast_in_dim3A_384 = vector.broadcast %jit3A_382 : f32 to vector<16xf32>
      %select_n3A_385 = arith.select %ne3A_364, %broadcast_in_dim3A_383, %broadcast_in_dim3A_384 : vector<16xi1>, vector<16xf32>
      %add3A_386 = arith.addf %add3A_353, %select_n3A_385 : vector<16xf32>
      scf.yield %add3A_380, %add3A_386 : vector<16xf32>, vector<16xf32>
    }
    %scan3A_118 = arith.constant 8 : i32
    %add3A_119 = arith.constant 1024 : i32
    %add3A_120 = arith.addi %mul3A_2, %add3A_119 : i32
    %dma_start3A_121 = arith.constant 0 : i32
    %dma_start3A_122 = tpu.memref_slice %arg2[%add3A_120, %dma_start3A_121] : memref<131072x190xf32, #tpu.memory_space<hbm>> -> memref<128x190xf32, #tpu.memory_space<hbm>>
    %dma_start3A_123 = arith.constant 0 : i32
    %dma_start3A_124 = tpu.memref_slice %arg2[%add3A_120, %dma_start3A_123] : memref<131072x190xf32, #tpu.memory_space<hbm>> -> memref<128x190xf32, #tpu.memory_space<hbm>>
    tpu.enqueue_dma source(%dma_start3A_124 : memref<128x190xf32, #tpu.memory_space<hbm>>) target(%arg7 : memref<128x190xf32, #tpu.memory_space<vmem>>) target_semaphore(%arg11 : memref<!tpu.dma_semaphore, #tpu.memory_space<semaphore_mem>>)
    %dma_wait3A_125 = arith.constant 0 : i32
    %dma_wait3A_126 = tpu.memref_slice %arg2[%mul3A_2, %dma_wait3A_125] : memref<131072x190xf32, #tpu.memory_space<hbm>> -> memref<128x190xf32, #tpu.memory_space<hbm>>
    %dma_wait3A_127 = arith.constant 0 : i32
    %dma_wait3A_128 = tpu.memref_slice %arg2[%mul3A_2, %dma_wait3A_127] : memref<131072x190xf32, #tpu.memory_space<hbm>> -> memref<128x190xf32, #tpu.memory_space<hbm>>
    tpu.wait_dma2 semaphore(%arg12 : memref<!tpu.dma_semaphore, #tpu.memory_space<semaphore_mem>>) src(%dma_wait3A_128 : memref<128x190xf32, #tpu.memory_space<hbm>>) dst(%arg8 : memref<128x190xf32, #tpu.memory_space<vmem>>)
    %scan3A_129 = arith.constant 0 : i32
    %scan3A_130 = arith.constant 8 : i32
    %scan3A_131 = arith.addi %scan3A_129, %scan3A_130 : i32
    %scan3A_132 = arith.constant 4 : i32
    %scan3A_133:2 = scf.for %scan3A_260 = %scan3A_129 to %scan3A_131 step %scan3A_132 iter_args(%scan3A_261 = %scan3A_117#0, %scan3A_262 = %scan3A_117#1) -> (vector<16xf32>, vector<16xf32>)  : i32 {
      %mul3A_263 = arith.constant 16 : i32
      %mul3A_264 = arith.muli %scan3A_260, %mul3A_263 : i32
      %add3A_265 = arith.constant 896 : i32
      %add3A_266 = arith.addi %add3A_265, %mul3A_264 : i32
      %get3A = arith.index_cast %add3A_266 : i32 to index
      %get3A_267 = tpu.vector_load %arg6[%get3A] {strides = array<i32>} : memref<2048xi32, #tpu.memory_space<vmem>>, vector<16xi32>,
      %ne3A = arith.constant -1 : i32
      %ne3A_268 = vector.broadcast %ne3A : i32 to vector<16xi32>
      %ne3A_269 = arith.cmpi ne, %get3A_267, %ne3A_268 : vector<16xi32>
      %jit3A = arith.constant 0 : i32
      %broadcast_in_dim3A_270 = vector.broadcast %jit3A : i32 to vector<16xi32>
      %select_n3A = arith.select %ne3A_269, %get3A_267, %broadcast_in_dim3A_270 : vector<16xi1>, vector<16xi32>
      %mul3A_271 = arith.constant 16 : i32
      %mul3A_272 = arith.muli %scan3A_260, %mul3A_271 : i32
      %add3A_273 = vector.broadcast %mul3A_272 : i32 to vector<16xi32>
      %add3A_274 = arith.addi %add3A_273, %iota3A : vector<16xi32>
      %gather3A = tpu.vector_load_idx %arg8[%add3A_274, %select_n3A] : memref<128x190xf32, #tpu.memory_space<vmem>>[vector<16xi32>, vector<16xi32>], vector<16xf32>,
      %sub3A = arith.constant 1.000000e+00 : f32
      %sub3A_275 = vector.broadcast %sub3A : f32 to vector<16xf32>
      %sub3A_276 = arith.subf %sub3A_275, %gather3A : vector<16xf32>
      %mul3A_277 = arith.mulf %sub3A_276, %sub3A_276 : vector<16xf32>
      %jit3A_278 = arith.constant 0.000000e+00 : f32
      %broadcast_in_dim3A_279 = vector.broadcast %jit3A_278 : f32 to vector<16xf32>
      %select_n3A_280 = arith.select %ne3A_269, %mul3A_277, %broadcast_in_dim3A_279 : vector<16xi1>, vector<16xf32>
      %add3A_281 = arith.addf %scan3A_261, %select_n3A_280 : vector<16xf32>
      %jit3A_282 = arith.constant 1.000000e+00 : f32
      %jit3A_283 = arith.constant 0.000000e+00 : f32
      %broadcast_in_dim3A_284 = vector.broadcast %jit3A_282 : f32 to vector<16xf32>
      %broadcast_in_dim3A_285 = vector.broadcast %jit3A_283 : f32 to vector<16xf32>
      %select_n3A_286 = arith.select %ne3A_269, %broadcast_in_dim3A_284, %broadcast_in_dim3A_285 : vector<16xi1>, vector<16xf32>
      %add3A_287 = arith.addf %scan3A_262, %select_n3A_286 : vector<16xf32>
      %scan3A_288 = arith.constant 1 : i32
      %scan3A_289 = arith.addi %scan3A_260, %scan3A_288 : i32
      %mul3A_290 = arith.constant 16 : i32
      %mul3A_291 = arith.muli %scan3A_289, %mul3A_290 : i32
      %add3A_292 = arith.constant 896 : i32
      %add3A_293 = arith.addi %add3A_292, %mul3A_291 : i32
      %get3A_294 = arith.index_cast %add3A_293 : i32 to index
      %get3A_295 = tpu.vector_load %arg6[%get3A_294] {strides = array<i32>} : memref<2048xi32, #tpu.memory_space<vmem>>, vector<16xi32>,
      %ne3A_296 = arith.constant -1 : i32
      %ne3A_297 = vector.broadcast %ne3A_296 : i32 to vector<16xi32>
      %ne3A_298 = arith.cmpi ne, %get3A_295, %ne3A_297 : vector<16xi32>
      %jit3A_299 = arith.constant 0 : i32
      %broadcast_in_dim3A_300 = vector.broadcast %jit3A_299 : i32 to vector<16xi32>
      %select_n3A_301 = arith.select %ne3A_298, %get3A_295, %broadcast_in_dim3A_300 : vector<16xi1>, vector<16xi32>
      %mul3A_302 = arith.constant 16 : i32
      %mul3A_303 = arith.muli %scan3A_289, %mul3A_302 : i32
      %add3A_304 = vector.broadcast %mul3A_303 : i32 to vector<16xi32>
      %add3A_305 = arith.addi %add3A_304, %iota3A : vector<16xi32>
      %gather3A_306 = tpu.vector_load_idx %arg8[%add3A_305, %select_n3A_301] : memref<128x190xf32, #tpu.memory_space<vmem>>[vector<16xi32>, vector<16xi32>], vector<16xf32>,
      %sub3A_307 = arith.constant 1.000000e+00 : f32
      %sub3A_308 = vector.broadcast %sub3A_307 : f32 to vector<16xf32>
      %sub3A_309 = arith.subf %sub3A_308, %gather3A_306 : vector<16xf32>
      %mul3A_310 = arith.mulf %sub3A_309, %sub3A_309 : vector<16xf32>
      %jit3A_311 = arith.constant 0.000000e+00 : f32
      %broadcast_in_dim3A_312 = vector.broadcast %jit3A_311 : f32 to vector<16xf32>
      %select_n3A_313 = arith.select %ne3A_298, %mul3A_310, %broadcast_in_dim3A_312 : vector<16xi1>, vector<16xf32>
      %add3A_314 = arith.addf %add3A_281, %select_n3A_313 : vector<16xf32>
      %jit3A_315 = arith.constant 1.000000e+00 : f32
      %jit3A_316 = arith.constant 0.000000e+00 : f32
      %broadcast_in_dim3A_317 = vector.broadcast %jit3A_315 : f32 to vector<16xf32>
      %broadcast_in_dim3A_318 = vector.broadcast %jit3A_316 : f32 to vector<16xf32>
      %select_n3A_319 = arith.select %ne3A_298, %broadcast_in_dim3A_317, %broadcast_in_dim3A_318 : vector<16xi1>, vector<16xf32>
      %add3A_320 = arith.addf %add3A_287, %select_n3A_319 : vector<16xf32>
      %scan3A_321 = arith.constant 2 : i32
      %scan3A_322 = arith.addi %scan3A_260, %scan3A_321 : i32
      %mul3A_323 = arith.constant 16 : i32
      %mul3A_324 = arith.muli %scan3A_322, %mul3A_323 : i32
      %add3A_325 = arith.constant 896 : i32
      %add3A_326 = arith.addi %add3A_325, %mul3A_324 : i32
      %get3A_327 = arith.index_cast %add3A_326 : i32 to index
      %get3A_328 = tpu.vector_load %arg6[%get3A_327] {strides = array<i32>} : memref<2048xi32, #tpu.memory_space<vmem>>, vector<16xi32>,
      %ne3A_329 = arith.constant -1 : i32
      %ne3A_330 = vector.broadcast %ne3A_329 : i32 to vector<16xi32>
      %ne3A_331 = arith.cmpi ne, %get3A_328, %ne3A_330 : vector<16xi32>
      %jit3A_332 = arith.constant 0 : i32
      %broadcast_in_dim3A_333 = vector.broadcast %jit3A_332 : i32 to vector<16xi32>
      %select_n3A_334 = arith.select %ne3A_331, %get3A_328, %broadcast_in_dim3A_333 : vector<16xi1>, vector<16xi32>
      %mul3A_335 = arith.constant 16 : i32
      %mul3A_336 = arith.muli %scan3A_322, %mul3A_335 : i32
      %add3A_337 = vector.broadcast %mul3A_336 : i32 to vector<16xi32>
      %add3A_338 = arith.addi %add3A_337, %iota3A : vector<16xi32>
      %gather3A_339 = tpu.vector_load_idx %arg8[%add3A_338, %select_n3A_334] : memref<128x190xf32, #tpu.memory_space<vmem>>[vector<16xi32>, vector<16xi32>], vector<16xf32>,
      %sub3A_340 = arith.constant 1.000000e+00 : f32
      %sub3A_341 = vector.broadcast %sub3A_340 : f32 to vector<16xf32>
      %sub3A_342 = arith.subf %sub3A_341, %gather3A_339 : vector<16xf32>
      %mul3A_343 = arith.mulf %sub3A_342, %sub3A_342 : vector<16xf32>
      %jit3A_344 = arith.constant 0.000000e+00 : f32
      %broadcast_in_dim3A_345 = vector.broadcast %jit3A_344 : f32 to vector<16xf32>
      %select_n3A_346 = arith.select %ne3A_331, %mul3A_343, %broadcast_in_dim3A_345 : vector<16xi1>, vector<16xf32>
      %add3A_347 = arith.addf %add3A_314, %select_n3A_346 : vector<16xf32>
      %jit3A_348 = arith.constant 1.000000e+00 : f32
      %jit3A_349 = arith.constant 0.000000e+00 : f32
      %broadcast_in_dim3A_350 = vector.broadcast %jit3A_348 : f32 to vector<16xf32>
      %broadcast_in_dim3A_351 = vector.broadcast %jit3A_349 : f32 to vector<16xf32>
      %select_n3A_352 = arith.select %ne3A_331, %broadcast_in_dim3A_350, %broadcast_in_dim3A_351 : vector<16xi1>, vector<16xf32>
      %add3A_353 = arith.addf %add3A_320, %select_n3A_352 : vector<16xf32>
      %scan3A_354 = arith.constant 3 : i32
      %scan3A_355 = arith.addi %scan3A_260, %scan3A_354 : i32
      %mul3A_356 = arith.constant 16 : i32
      %mul3A_357 = arith.muli %scan3A_355, %mul3A_356 : i32
      %add3A_358 = arith.constant 896 : i32
      %add3A_359 = arith.addi %add3A_358, %mul3A_357 : i32
      %get3A_360 = arith.index_cast %add3A_359 : i32 to index
      %get3A_361 = tpu.vector_load %arg6[%get3A_360] {strides = array<i32>} : memref<2048xi32, #tpu.memory_space<vmem>>, vector<16xi32>,
      %ne3A_362 = arith.constant -1 : i32
      %ne3A_363 = vector.broadcast %ne3A_362 : i32 to vector<16xi32>
      %ne3A_364 = arith.cmpi ne, %get3A_361, %ne3A_363 : vector<16xi32>
      %jit3A_365 = arith.constant 0 : i32
      %broadcast_in_dim3A_366 = vector.broadcast %jit3A_365 : i32 to vector<16xi32>
      %select_n3A_367 = arith.select %ne3A_364, %get3A_361, %broadcast_in_dim3A_366 : vector<16xi1>, vector<16xi32>
      %mul3A_368 = arith.constant 16 : i32
      %mul3A_369 = arith.muli %scan3A_355, %mul3A_368 : i32
      %add3A_370 = vector.broadcast %mul3A_369 : i32 to vector<16xi32>
      %add3A_371 = arith.addi %add3A_370, %iota3A : vector<16xi32>
      %gather3A_372 = tpu.vector_load_idx %arg8[%add3A_371, %select_n3A_367] : memref<128x190xf32, #tpu.memory_space<vmem>>[vector<16xi32>, vector<16xi32>], vector<16xf32>,
      %sub3A_373 = arith.constant 1.000000e+00 : f32
      %sub3A_374 = vector.broadcast %sub3A_373 : f32 to vector<16xf32>
      %sub3A_375 = arith.subf %sub3A_374, %gather3A_372 : vector<16xf32>
      %mul3A_376 = arith.mulf %sub3A_375, %sub3A_375 : vector<16xf32>
      %jit3A_377 = arith.constant 0.000000e+00 : f32
      %broadcast_in_dim3A_378 = vector.broadcast %jit3A_377 : f32 to vector<16xf32>
      %select_n3A_379 = arith.select %ne3A_364, %mul3A_376, %broadcast_in_dim3A_378 : vector<16xi1>, vector<16xf32>
      %add3A_380 = arith.addf %add3A_347, %select_n3A_379 : vector<16xf32>
      %jit3A_381 = arith.constant 1.000000e+00 : f32
      %jit3A_382 = arith.constant 0.000000e+00 : f32
      %broadcast_in_dim3A_383 = vector.broadcast %jit3A_381 : f32 to vector<16xf32>
      %broadcast_in_dim3A_384 = vector.broadcast %jit3A_382 : f32 to vector<16xf32>
      %select_n3A_385 = arith.select %ne3A_364, %broadcast_in_dim3A_383, %broadcast_in_dim3A_384 : vector<16xi1>, vector<16xf32>
      %add3A_386 = arith.addf %add3A_353, %select_n3A_385 : vector<16xf32>
      scf.yield %add3A_380, %add3A_386 : vector<16xf32>, vector<16xf32>
    }
    %scan3A_134 = arith.constant 8 : i32
    %add3A_135 = arith.constant 1152 : i32
    %add3A_136 = arith.addi %mul3A_2, %add3A_135 : i32
    %dma_start3A_137 = arith.constant 0 : i32
    %dma_start3A_138 = tpu.memref_slice %arg2[%add3A_136, %dma_start3A_137] : memref<131072x190xf32, #tpu.memory_space<hbm>> -> memref<128x190xf32, #tpu.memory_space<hbm>>
    %dma_start3A_139 = arith.constant 0 : i32
    %dma_start3A_140 = tpu.memref_slice %arg2[%add3A_136, %dma_start3A_139] : memref<131072x190xf32, #tpu.memory_space<hbm>> -> memref<128x190xf32, #tpu.memory_space<hbm>>
    tpu.enqueue_dma source(%dma_start3A_140 : memref<128x190xf32, #tpu.memory_space<hbm>>) target(%arg8 : memref<128x190xf32, #tpu.memory_space<vmem>>) target_semaphore(%arg12 : memref<!tpu.dma_semaphore, #tpu.memory_space<semaphore_mem>>)
    %dma_wait3A_141 = arith.constant 0 : i32
    %dma_wait3A_142 = tpu.memref_slice %arg2[%mul3A_2, %dma_wait3A_141] : memref<131072x190xf32, #tpu.memory_space<hbm>> -> memref<128x190xf32, #tpu.memory_space<hbm>>
    %dma_wait3A_143 = arith.constant 0 : i32
    %dma_wait3A_144 = tpu.memref_slice %arg2[%mul3A_2, %dma_wait3A_143] : memref<131072x190xf32, #tpu.memory_space<hbm>> -> memref<128x190xf32, #tpu.memory_space<hbm>>
    tpu.wait_dma2 semaphore(%arg11 : memref<!tpu.dma_semaphore, #tpu.memory_space<semaphore_mem>>) src(%dma_wait3A_144 : memref<128x190xf32, #tpu.memory_space<hbm>>) dst(%arg7 : memref<128x190xf32, #tpu.memory_space<vmem>>)
    %scan3A_145 = arith.constant 0 : i32
    %scan3A_146 = arith.constant 8 : i32
    %scan3A_147 = arith.addi %scan3A_145, %scan3A_146 : i32
    %scan3A_148 = arith.constant 4 : i32
    %scan3A_149:2 = scf.for %scan3A_260 = %scan3A_145 to %scan3A_147 step %scan3A_148 iter_args(%scan3A_261 = %scan3A_133#0, %scan3A_262 = %scan3A_133#1) -> (vector<16xf32>, vector<16xf32>)  : i32 {
      %mul3A_263 = arith.constant 16 : i32
      %mul3A_264 = arith.muli %scan3A_260, %mul3A_263 : i32
      %add3A_265 = arith.constant 1024 : i32
      %add3A_266 = arith.addi %add3A_265, %mul3A_264 : i32
      %get3A = arith.index_cast %add3A_266 : i32 to index
      %get3A_267 = tpu.vector_load %arg6[%get3A] {strides = array<i32>} : memref<2048xi32, #tpu.memory_space<vmem>>, vector<16xi32>,
      %ne3A = arith.constant -1 : i32
      %ne3A_268 = vector.broadcast %ne3A : i32 to vector<16xi32>
      %ne3A_269 = arith.cmpi ne, %get3A_267, %ne3A_268 : vector<16xi32>
      %jit3A = arith.constant 0 : i32
      %broadcast_in_dim3A_270 = vector.broadcast %jit3A : i32 to vector<16xi32>
      %select_n3A = arith.select %ne3A_269, %get3A_267, %broadcast_in_dim3A_270 : vector<16xi1>, vector<16xi32>
      %mul3A_271 = arith.constant 16 : i32
      %mul3A_272 = arith.muli %scan3A_260, %mul3A_271 : i32
      %add3A_273 = vector.broadcast %mul3A_272 : i32 to vector<16xi32>
      %add3A_274 = arith.addi %add3A_273, %iota3A : vector<16xi32>
      %gather3A = tpu.vector_load_idx %arg7[%add3A_274, %select_n3A] : memref<128x190xf32, #tpu.memory_space<vmem>>[vector<16xi32>, vector<16xi32>], vector<16xf32>,
      %sub3A = arith.constant 1.000000e+00 : f32
      %sub3A_275 = vector.broadcast %sub3A : f32 to vector<16xf32>
      %sub3A_276 = arith.subf %sub3A_275, %gather3A : vector<16xf32>
      %mul3A_277 = arith.mulf %sub3A_276, %sub3A_276 : vector<16xf32>
      %jit3A_278 = arith.constant 0.000000e+00 : f32
      %broadcast_in_dim3A_279 = vector.broadcast %jit3A_278 : f32 to vector<16xf32>
      %select_n3A_280 = arith.select %ne3A_269, %mul3A_277, %broadcast_in_dim3A_279 : vector<16xi1>, vector<16xf32>
      %add3A_281 = arith.addf %scan3A_261, %select_n3A_280 : vector<16xf32>
      %jit3A_282 = arith.constant 1.000000e+00 : f32
      %jit3A_283 = arith.constant 0.000000e+00 : f32
      %broadcast_in_dim3A_284 = vector.broadcast %jit3A_282 : f32 to vector<16xf32>
      %broadcast_in_dim3A_285 = vector.broadcast %jit3A_283 : f32 to vector<16xf32>
      %select_n3A_286 = arith.select %ne3A_269, %broadcast_in_dim3A_284, %broadcast_in_dim3A_285 : vector<16xi1>, vector<16xf32>
      %add3A_287 = arith.addf %scan3A_262, %select_n3A_286 : vector<16xf32>
      %scan3A_288 = arith.constant 1 : i32
      %scan3A_289 = arith.addi %scan3A_260, %scan3A_288 : i32
      %mul3A_290 = arith.constant 16 : i32
      %mul3A_291 = arith.muli %scan3A_289, %mul3A_290 : i32
      %add3A_292 = arith.constant 1024 : i32
      %add3A_293 = arith.addi %add3A_292, %mul3A_291 : i32
      %get3A_294 = arith.index_cast %add3A_293 : i32 to index
      %get3A_295 = tpu.vector_load %arg6[%get3A_294] {strides = array<i32>} : memref<2048xi32, #tpu.memory_space<vmem>>, vector<16xi32>,
      %ne3A_296 = arith.constant -1 : i32
      %ne3A_297 = vector.broadcast %ne3A_296 : i32 to vector<16xi32>
      %ne3A_298 = arith.cmpi ne, %get3A_295, %ne3A_297 : vector<16xi32>
      %jit3A_299 = arith.constant 0 : i32
      %broadcast_in_dim3A_300 = vector.broadcast %jit3A_299 : i32 to vector<16xi32>
      %select_n3A_301 = arith.select %ne3A_298, %get3A_295, %broadcast_in_dim3A_300 : vector<16xi1>, vector<16xi32>
      %mul3A_302 = arith.constant 16 : i32
      %mul3A_303 = arith.muli %scan3A_289, %mul3A_302 : i32
      %add3A_304 = vector.broadcast %mul3A_303 : i32 to vector<16xi32>
      %add3A_305 = arith.addi %add3A_304, %iota3A : vector<16xi32>
      %gather3A_306 = tpu.vector_load_idx %arg7[%add3A_305, %select_n3A_301] : memref<128x190xf32, #tpu.memory_space<vmem>>[vector<16xi32>, vector<16xi32>], vector<16xf32>,
      %sub3A_307 = arith.constant 1.000000e+00 : f32
      %sub3A_308 = vector.broadcast %sub3A_307 : f32 to vector<16xf32>
      %sub3A_309 = arith.subf %sub3A_308, %gather3A_306 : vector<16xf32>
      %mul3A_310 = arith.mulf %sub3A_309, %sub3A_309 : vector<16xf32>
      %jit3A_311 = arith.constant 0.000000e+00 : f32
      %broadcast_in_dim3A_312 = vector.broadcast %jit3A_311 : f32 to vector<16xf32>
      %select_n3A_313 = arith.select %ne3A_298, %mul3A_310, %broadcast_in_dim3A_312 : vector<16xi1>, vector<16xf32>
      %add3A_314 = arith.addf %add3A_281, %select_n3A_313 : vector<16xf32>
      %jit3A_315 = arith.constant 1.000000e+00 : f32
      %jit3A_316 = arith.constant 0.000000e+00 : f32
      %broadcast_in_dim3A_317 = vector.broadcast %jit3A_315 : f32 to vector<16xf32>
      %broadcast_in_dim3A_318 = vector.broadcast %jit3A_316 : f32 to vector<16xf32>
      %select_n3A_319 = arith.select %ne3A_298, %broadcast_in_dim3A_317, %broadcast_in_dim3A_318 : vector<16xi1>, vector<16xf32>
      %add3A_320 = arith.addf %add3A_287, %select_n3A_319 : vector<16xf32>
      %scan3A_321 = arith.constant 2 : i32
      %scan3A_322 = arith.addi %scan3A_260, %scan3A_321 : i32
      %mul3A_323 = arith.constant 16 : i32
      %mul3A_324 = arith.muli %scan3A_322, %mul3A_323 : i32
      %add3A_325 = arith.constant 1024 : i32
      %add3A_326 = arith.addi %add3A_325, %mul3A_324 : i32
      %get3A_327 = arith.index_cast %add3A_326 : i32 to index
      %get3A_328 = tpu.vector_load %arg6[%get3A_327] {strides = array<i32>} : memref<2048xi32, #tpu.memory_space<vmem>>, vector<16xi32>,
      %ne3A_329 = arith.constant -1 : i32
      %ne3A_330 = vector.broadcast %ne3A_329 : i32 to vector<16xi32>
      %ne3A_331 = arith.cmpi ne, %get3A_328, %ne3A_330 : vector<16xi32>
      %jit3A_332 = arith.constant 0 : i32
      %broadcast_in_dim3A_333 = vector.broadcast %jit3A_332 : i32 to vector<16xi32>
      %select_n3A_334 = arith.select %ne3A_331, %get3A_328, %broadcast_in_dim3A_333 : vector<16xi1>, vector<16xi32>
      %mul3A_335 = arith.constant 16 : i32
      %mul3A_336 = arith.muli %scan3A_322, %mul3A_335 : i32
      %add3A_337 = vector.broadcast %mul3A_336 : i32 to vector<16xi32>
      %add3A_338 = arith.addi %add3A_337, %iota3A : vector<16xi32>
      %gather3A_339 = tpu.vector_load_idx %arg7[%add3A_338, %select_n3A_334] : memref<128x190xf32, #tpu.memory_space<vmem>>[vector<16xi32>, vector<16xi32>], vector<16xf32>,
      %sub3A_340 = arith.constant 1.000000e+00 : f32
      %sub3A_341 = vector.broadcast %sub3A_340 : f32 to vector<16xf32>
      %sub3A_342 = arith.subf %sub3A_341, %gather3A_339 : vector<16xf32>
      %mul3A_343 = arith.mulf %sub3A_342, %sub3A_342 : vector<16xf32>
      %jit3A_344 = arith.constant 0.000000e+00 : f32
      %broadcast_in_dim3A_345 = vector.broadcast %jit3A_344 : f32 to vector<16xf32>
      %select_n3A_346 = arith.select %ne3A_331, %mul3A_343, %broadcast_in_dim3A_345 : vector<16xi1>, vector<16xf32>
      %add3A_347 = arith.addf %add3A_314, %select_n3A_346 : vector<16xf32>
      %jit3A_348 = arith.constant 1.000000e+00 : f32
      %jit3A_349 = arith.constant 0.000000e+00 : f32
      %broadcast_in_dim3A_350 = vector.broadcast %jit3A_348 : f32 to vector<16xf32>
      %broadcast_in_dim3A_351 = vector.broadcast %jit3A_349 : f32 to vector<16xf32>
      %select_n3A_352 = arith.select %ne3A_331, %broadcast_in_dim3A_350, %broadcast_in_dim3A_351 : vector<16xi1>, vector<16xf32>
      %add3A_353 = arith.addf %add3A_320, %select_n3A_352 : vector<16xf32>
      %scan3A_354 = arith.constant 3 : i32
      %scan3A_355 = arith.addi %scan3A_260, %scan3A_354 : i32
      %mul3A_356 = arith.constant 16 : i32
      %mul3A_357 = arith.muli %scan3A_355, %mul3A_356 : i32
      %add3A_358 = arith.constant 1024 : i32
      %add3A_359 = arith.addi %add3A_358, %mul3A_357 : i32
      %get3A_360 = arith.index_cast %add3A_359 : i32 to index
      %get3A_361 = tpu.vector_load %arg6[%get3A_360] {strides = array<i32>} : memref<2048xi32, #tpu.memory_space<vmem>>, vector<16xi32>,
      %ne3A_362 = arith.constant -1 : i32
      %ne3A_363 = vector.broadcast %ne3A_362 : i32 to vector<16xi32>
      %ne3A_364 = arith.cmpi ne, %get3A_361, %ne3A_363 : vector<16xi32>
      %jit3A_365 = arith.constant 0 : i32
      %broadcast_in_dim3A_366 = vector.broadcast %jit3A_365 : i32 to vector<16xi32>
      %select_n3A_367 = arith.select %ne3A_364, %get3A_361, %broadcast_in_dim3A_366 : vector<16xi1>, vector<16xi32>
      %mul3A_368 = arith.constant 16 : i32
      %mul3A_369 = arith.muli %scan3A_355, %mul3A_368 : i32
      %add3A_370 = vector.broadcast %mul3A_369 : i32 to vector<16xi32>
      %add3A_371 = arith.addi %add3A_370, %iota3A : vector<16xi32>
      %gather3A_372 = tpu.vector_load_idx %arg7[%add3A_371, %select_n3A_367] : memref<128x190xf32, #tpu.memory_space<vmem>>[vector<16xi32>, vector<16xi32>], vector<16xf32>,
      %sub3A_373 = arith.constant 1.000000e+00 : f32
      %sub3A_374 = vector.broadcast %sub3A_373 : f32 to vector<16xf32>
      %sub3A_375 = arith.subf %sub3A_374, %gather3A_372 : vector<16xf32>
      %mul3A_376 = arith.mulf %sub3A_375, %sub3A_375 : vector<16xf32>
      %jit3A_377 = arith.constant 0.000000e+00 : f32
      %broadcast_in_dim3A_378 = vector.broadcast %jit3A_377 : f32 to vector<16xf32>
      %select_n3A_379 = arith.select %ne3A_364, %mul3A_376, %broadcast_in_dim3A_378 : vector<16xi1>, vector<16xf32>
      %add3A_380 = arith.addf %add3A_347, %select_n3A_379 : vector<16xf32>
      %jit3A_381 = arith.constant 1.000000e+00 : f32
      %jit3A_382 = arith.constant 0.000000e+00 : f32
      %broadcast_in_dim3A_383 = vector.broadcast %jit3A_381 : f32 to vector<16xf32>
      %broadcast_in_dim3A_384 = vector.broadcast %jit3A_382 : f32 to vector<16xf32>
      %select_n3A_385 = arith.select %ne3A_364, %broadcast_in_dim3A_383, %broadcast_in_dim3A_384 : vector<16xi1>, vector<16xf32>
      %add3A_386 = arith.addf %add3A_353, %select_n3A_385 : vector<16xf32>
      scf.yield %add3A_380, %add3A_386 : vector<16xf32>, vector<16xf32>
    }
    %scan3A_150 = arith.constant 8 : i32
    %add3A_151 = arith.constant 1280 : i32
    %add3A_152 = arith.addi %mul3A_2, %add3A_151 : i32
    %dma_start3A_153 = arith.constant 0 : i32
    %dma_start3A_154 = tpu.memref_slice %arg2[%add3A_152, %dma_start3A_153] : memref<131072x190xf32, #tpu.memory_space<hbm>> -> memref<128x190xf32, #tpu.memory_space<hbm>>
    %dma_start3A_155 = arith.constant 0 : i32
    %dma_start3A_156 = tpu.memref_slice %arg2[%add3A_152, %dma_start3A_155] : memref<131072x190xf32, #tpu.memory_space<hbm>> -> memref<128x190xf32, #tpu.memory_space<hbm>>
    tpu.enqueue_dma source(%dma_start3A_156 : memref<128x190xf32, #tpu.memory_space<hbm>>) target(%arg7 : memref<128x190xf32, #tpu.memory_space<vmem>>) target_semaphore(%arg11 : memref<!tpu.dma_semaphore, #tpu.memory_space<semaphore_mem>>)
    %dma_wait3A_157 = arith.constant 0 : i32
    %dma_wait3A_158 = tpu.memref_slice %arg2[%mul3A_2, %dma_wait3A_157] : memref<131072x190xf32, #tpu.memory_space<hbm>> -> memref<128x190xf32, #tpu.memory_space<hbm>>
    %dma_wait3A_159 = arith.constant 0 : i32
    %dma_wait3A_160 = tpu.memref_slice %arg2[%mul3A_2, %dma_wait3A_159] : memref<131072x190xf32, #tpu.memory_space<hbm>> -> memref<128x190xf32, #tpu.memory_space<hbm>>
    tpu.wait_dma2 semaphore(%arg12 : memref<!tpu.dma_semaphore, #tpu.memory_space<semaphore_mem>>) src(%dma_wait3A_160 : memref<128x190xf32, #tpu.memory_space<hbm>>) dst(%arg8 : memref<128x190xf32, #tpu.memory_space<vmem>>)
    %scan3A_161 = arith.constant 0 : i32
    %scan3A_162 = arith.constant 8 : i32
    %scan3A_163 = arith.addi %scan3A_161, %scan3A_162 : i32
    %scan3A_164 = arith.constant 4 : i32
    %scan3A_165:2 = scf.for %scan3A_260 = %scan3A_161 to %scan3A_163 step %scan3A_164 iter_args(%scan3A_261 = %scan3A_149#0, %scan3A_262 = %scan3A_149#1) -> (vector<16xf32>, vector<16xf32>)  : i32 {
      %mul3A_263 = arith.constant 16 : i32
      %mul3A_264 = arith.muli %scan3A_260, %mul3A_263 : i32
      %add3A_265 = arith.constant 1152 : i32
      %add3A_266 = arith.addi %add3A_265, %mul3A_264 : i32
      %get3A = arith.index_cast %add3A_266 : i32 to index
      %get3A_267 = tpu.vector_load %arg6[%get3A] {strides = array<i32>} : memref<2048xi32, #tpu.memory_space<vmem>>, vector<16xi32>,
      %ne3A = arith.constant -1 : i32
      %ne3A_268 = vector.broadcast %ne3A : i32 to vector<16xi32>
      %ne3A_269 = arith.cmpi ne, %get3A_267, %ne3A_268 : vector<16xi32>
      %jit3A = arith.constant 0 : i32
      %broadcast_in_dim3A_270 = vector.broadcast %jit3A : i32 to vector<16xi32>
      %select_n3A = arith.select %ne3A_269, %get3A_267, %broadcast_in_dim3A_270 : vector<16xi1>, vector<16xi32>
      %mul3A_271 = arith.constant 16 : i32
      %mul3A_272 = arith.muli %scan3A_260, %mul3A_271 : i32
      %add3A_273 = vector.broadcast %mul3A_272 : i32 to vector<16xi32>
      %add3A_274 = arith.addi %add3A_273, %iota3A : vector<16xi32>
      %gather3A = tpu.vector_load_idx %arg8[%add3A_274, %select_n3A] : memref<128x190xf32, #tpu.memory_space<vmem>>[vector<16xi32>, vector<16xi32>], vector<16xf32>,
      %sub3A = arith.constant 1.000000e+00 : f32
      %sub3A_275 = vector.broadcast %sub3A : f32 to vector<16xf32>
      %sub3A_276 = arith.subf %sub3A_275, %gather3A : vector<16xf32>
      %mul3A_277 = arith.mulf %sub3A_276, %sub3A_276 : vector<16xf32>
      %jit3A_278 = arith.constant 0.000000e+00 : f32
      %broadcast_in_dim3A_279 = vector.broadcast %jit3A_278 : f32 to vector<16xf32>
      %select_n3A_280 = arith.select %ne3A_269, %mul3A_277, %broadcast_in_dim3A_279 : vector<16xi1>, vector<16xf32>
      %add3A_281 = arith.addf %scan3A_261, %select_n3A_280 : vector<16xf32>
      %jit3A_282 = arith.constant 1.000000e+00 : f32
      %jit3A_283 = arith.constant 0.000000e+00 : f32
      %broadcast_in_dim3A_284 = vector.broadcast %jit3A_282 : f32 to vector<16xf32>
      %broadcast_in_dim3A_285 = vector.broadcast %jit3A_283 : f32 to vector<16xf32>
      %select_n3A_286 = arith.select %ne3A_269, %broadcast_in_dim3A_284, %broadcast_in_dim3A_285 : vector<16xi1>, vector<16xf32>
      %add3A_287 = arith.addf %scan3A_262, %select_n3A_286 : vector<16xf32>
      %scan3A_288 = arith.constant 1 : i32
      %scan3A_289 = arith.addi %scan3A_260, %scan3A_288 : i32
      %mul3A_290 = arith.constant 16 : i32
      %mul3A_291 = arith.muli %scan3A_289, %mul3A_290 : i32
      %add3A_292 = arith.constant 1152 : i32
      %add3A_293 = arith.addi %add3A_292, %mul3A_291 : i32
      %get3A_294 = arith.index_cast %add3A_293 : i32 to index
      %get3A_295 = tpu.vector_load %arg6[%get3A_294] {strides = array<i32>} : memref<2048xi32, #tpu.memory_space<vmem>>, vector<16xi32>,
      %ne3A_296 = arith.constant -1 : i32
      %ne3A_297 = vector.broadcast %ne3A_296 : i32 to vector<16xi32>
      %ne3A_298 = arith.cmpi ne, %get3A_295, %ne3A_297 : vector<16xi32>
      %jit3A_299 = arith.constant 0 : i32
      %broadcast_in_dim3A_300 = vector.broadcast %jit3A_299 : i32 to vector<16xi32>
      %select_n3A_301 = arith.select %ne3A_298, %get3A_295, %broadcast_in_dim3A_300 : vector<16xi1>, vector<16xi32>
      %mul3A_302 = arith.constant 16 : i32
      %mul3A_303 = arith.muli %scan3A_289, %mul3A_302 : i32
      %add3A_304 = vector.broadcast %mul3A_303 : i32 to vector<16xi32>
      %add3A_305 = arith.addi %add3A_304, %iota3A : vector<16xi32>
      %gather3A_306 = tpu.vector_load_idx %arg8[%add3A_305, %select_n3A_301] : memref<128x190xf32, #tpu.memory_space<vmem>>[vector<16xi32>, vector<16xi32>], vector<16xf32>,
      %sub3A_307 = arith.constant 1.000000e+00 : f32
      %sub3A_308 = vector.broadcast %sub3A_307 : f32 to vector<16xf32>
      %sub3A_309 = arith.subf %sub3A_308, %gather3A_306 : vector<16xf32>
      %mul3A_310 = arith.mulf %sub3A_309, %sub3A_309 : vector<16xf32>
      %jit3A_311 = arith.constant 0.000000e+00 : f32
      %broadcast_in_dim3A_312 = vector.broadcast %jit3A_311 : f32 to vector<16xf32>
      %select_n3A_313 = arith.select %ne3A_298, %mul3A_310, %broadcast_in_dim3A_312 : vector<16xi1>, vector<16xf32>
      %add3A_314 = arith.addf %add3A_281, %select_n3A_313 : vector<16xf32>
      %jit3A_315 = arith.constant 1.000000e+00 : f32
      %jit3A_316 = arith.constant 0.000000e+00 : f32
      %broadcast_in_dim3A_317 = vector.broadcast %jit3A_315 : f32 to vector<16xf32>
      %broadcast_in_dim3A_318 = vector.broadcast %jit3A_316 : f32 to vector<16xf32>
      %select_n3A_319 = arith.select %ne3A_298, %broadcast_in_dim3A_317, %broadcast_in_dim3A_318 : vector<16xi1>, vector<16xf32>
      %add3A_320 = arith.addf %add3A_287, %select_n3A_319 : vector<16xf32>
      %scan3A_321 = arith.constant 2 : i32
      %scan3A_322 = arith.addi %scan3A_260, %scan3A_321 : i32
      %mul3A_323 = arith.constant 16 : i32
      %mul3A_324 = arith.muli %scan3A_322, %mul3A_323 : i32
      %add3A_325 = arith.constant 1152 : i32
      %add3A_326 = arith.addi %add3A_325, %mul3A_324 : i32
      %get3A_327 = arith.index_cast %add3A_326 : i32 to index
      %get3A_328 = tpu.vector_load %arg6[%get3A_327] {strides = array<i32>} : memref<2048xi32, #tpu.memory_space<vmem>>, vector<16xi32>,
      %ne3A_329 = arith.constant -1 : i32
      %ne3A_330 = vector.broadcast %ne3A_329 : i32 to vector<16xi32>
      %ne3A_331 = arith.cmpi ne, %get3A_328, %ne3A_330 : vector<16xi32>
      %jit3A_332 = arith.constant 0 : i32
      %broadcast_in_dim3A_333 = vector.broadcast %jit3A_332 : i32 to vector<16xi32>
      %select_n3A_334 = arith.select %ne3A_331, %get3A_328, %broadcast_in_dim3A_333 : vector<16xi1>, vector<16xi32>
      %mul3A_335 = arith.constant 16 : i32
      %mul3A_336 = arith.muli %scan3A_322, %mul3A_335 : i32
      %add3A_337 = vector.broadcast %mul3A_336 : i32 to vector<16xi32>
      %add3A_338 = arith.addi %add3A_337, %iota3A : vector<16xi32>
      %gather3A_339 = tpu.vector_load_idx %arg8[%add3A_338, %select_n3A_334] : memref<128x190xf32, #tpu.memory_space<vmem>>[vector<16xi32>, vector<16xi32>], vector<16xf32>,
      %sub3A_340 = arith.constant 1.000000e+00 : f32
      %sub3A_341 = vector.broadcast %sub3A_340 : f32 to vector<16xf32>
      %sub3A_342 = arith.subf %sub3A_341, %gather3A_339 : vector<16xf32>
      %mul3A_343 = arith.mulf %sub3A_342, %sub3A_342 : vector<16xf32>
      %jit3A_344 = arith.constant 0.000000e+00 : f32
      %broadcast_in_dim3A_345 = vector.broadcast %jit3A_344 : f32 to vector<16xf32>
      %select_n3A_346 = arith.select %ne3A_331, %mul3A_343, %broadcast_in_dim3A_345 : vector<16xi1>, vector<16xf32>
      %add3A_347 = arith.addf %add3A_314, %select_n3A_346 : vector<16xf32>
      %jit3A_348 = arith.constant 1.000000e+00 : f32
      %jit3A_349 = arith.constant 0.000000e+00 : f32
      %broadcast_in_dim3A_350 = vector.broadcast %jit3A_348 : f32 to vector<16xf32>
      %broadcast_in_dim3A_351 = vector.broadcast %jit3A_349 : f32 to vector<16xf32>
      %select_n3A_352 = arith.select %ne3A_331, %broadcast_in_dim3A_350, %broadcast_in_dim3A_351 : vector<16xi1>, vector<16xf32>
      %add3A_353 = arith.addf %add3A_320, %select_n3A_352 : vector<16xf32>
      %scan3A_354 = arith.constant 3 : i32
      %scan3A_355 = arith.addi %scan3A_260, %scan3A_354 : i32
      %mul3A_356 = arith.constant 16 : i32
      %mul3A_357 = arith.muli %scan3A_355, %mul3A_356 : i32
      %add3A_358 = arith.constant 1152 : i32
      %add3A_359 = arith.addi %add3A_358, %mul3A_357 : i32
      %get3A_360 = arith.index_cast %add3A_359 : i32 to index
      %get3A_361 = tpu.vector_load %arg6[%get3A_360] {strides = array<i32>} : memref<2048xi32, #tpu.memory_space<vmem>>, vector<16xi32>,
      %ne3A_362 = arith.constant -1 : i32
      %ne3A_363 = vector.broadcast %ne3A_362 : i32 to vector<16xi32>
      %ne3A_364 = arith.cmpi ne, %get3A_361, %ne3A_363 : vector<16xi32>
      %jit3A_365 = arith.constant 0 : i32
      %broadcast_in_dim3A_366 = vector.broadcast %jit3A_365 : i32 to vector<16xi32>
      %select_n3A_367 = arith.select %ne3A_364, %get3A_361, %broadcast_in_dim3A_366 : vector<16xi1>, vector<16xi32>
      %mul3A_368 = arith.constant 16 : i32
      %mul3A_369 = arith.muli %scan3A_355, %mul3A_368 : i32
      %add3A_370 = vector.broadcast %mul3A_369 : i32 to vector<16xi32>
      %add3A_371 = arith.addi %add3A_370, %iota3A : vector<16xi32>
      %gather3A_372 = tpu.vector_load_idx %arg8[%add3A_371, %select_n3A_367] : memref<128x190xf32, #tpu.memory_space<vmem>>[vector<16xi32>, vector<16xi32>], vector<16xf32>,
      %sub3A_373 = arith.constant 1.000000e+00 : f32
      %sub3A_374 = vector.broadcast %sub3A_373 : f32 to vector<16xf32>
      %sub3A_375 = arith.subf %sub3A_374, %gather3A_372 : vector<16xf32>
      %mul3A_376 = arith.mulf %sub3A_375, %sub3A_375 : vector<16xf32>
      %jit3A_377 = arith.constant 0.000000e+00 : f32
      %broadcast_in_dim3A_378 = vector.broadcast %jit3A_377 : f32 to vector<16xf32>
      %select_n3A_379 = arith.select %ne3A_364, %mul3A_376, %broadcast_in_dim3A_378 : vector<16xi1>, vector<16xf32>
      %add3A_380 = arith.addf %add3A_347, %select_n3A_379 : vector<16xf32>
      %jit3A_381 = arith.constant 1.000000e+00 : f32
      %jit3A_382 = arith.constant 0.000000e+00 : f32
      %broadcast_in_dim3A_383 = vector.broadcast %jit3A_381 : f32 to vector<16xf32>
      %broadcast_in_dim3A_384 = vector.broadcast %jit3A_382 : f32 to vector<16xf32>
      %select_n3A_385 = arith.select %ne3A_364, %broadcast_in_dim3A_383, %broadcast_in_dim3A_384 : vector<16xi1>, vector<16xf32>
      %add3A_386 = arith.addf %add3A_353, %select_n3A_385 : vector<16xf32>
      scf.yield %add3A_380, %add3A_386 : vector<16xf32>, vector<16xf32>
    }
    %scan3A_166 = arith.constant 8 : i32
    %add3A_167 = arith.constant 1408 : i32
    %add3A_168 = arith.addi %mul3A_2, %add3A_167 : i32
    %dma_start3A_169 = arith.constant 0 : i32
    %dma_start3A_170 = tpu.memref_slice %arg2[%add3A_168, %dma_start3A_169] : memref<131072x190xf32, #tpu.memory_space<hbm>> -> memref<128x190xf32, #tpu.memory_space<hbm>>
    %dma_start3A_171 = arith.constant 0 : i32
    %dma_start3A_172 = tpu.memref_slice %arg2[%add3A_168, %dma_start3A_171] : memref<131072x190xf32, #tpu.memory_space<hbm>> -> memref<128x190xf32, #tpu.memory_space<hbm>>
    tpu.enqueue_dma source(%dma_start3A_172 : memref<128x190xf32, #tpu.memory_space<hbm>>) target(%arg8 : memref<128x190xf32, #tpu.memory_space<vmem>>) target_semaphore(%arg12 : memref<!tpu.dma_semaphore, #tpu.memory_space<semaphore_mem>>)
    %dma_wait3A_173 = arith.constant 0 : i32
    %dma_wait3A_174 = tpu.memref_slice %arg2[%mul3A_2, %dma_wait3A_173] : memref<131072x190xf32, #tpu.memory_space<hbm>> -> memref<128x190xf32, #tpu.memory_space<hbm>>
    %dma_wait3A_175 = arith.constant 0 : i32
    %dma_wait3A_176 = tpu.memref_slice %arg2[%mul3A_2, %dma_wait3A_175] : memref<131072x190xf32, #tpu.memory_space<hbm>> -> memref<128x190xf32, #tpu.memory_space<hbm>>
    tpu.wait_dma2 semaphore(%arg11 : memref<!tpu.dma_semaphore, #tpu.memory_space<semaphore_mem>>) src(%dma_wait3A_176 : memref<128x190xf32, #tpu.memory_space<hbm>>) dst(%arg7 : memref<128x190xf32, #tpu.memory_space<vmem>>)
    %scan3A_177 = arith.constant 0 : i32
    %scan3A_178 = arith.constant 8 : i32
    %scan3A_179 = arith.addi %scan3A_177, %scan3A_178 : i32
    %scan3A_180 = arith.constant 4 : i32
    %scan3A_181:2 = scf.for %scan3A_260 = %scan3A_177 to %scan3A_179 step %scan3A_180 iter_args(%scan3A_261 = %scan3A_165#0, %scan3A_262 = %scan3A_165#1) -> (vector<16xf32>, vector<16xf32>)  : i32 {
      %mul3A_263 = arith.constant 16 : i32
      %mul3A_264 = arith.muli %scan3A_260, %mul3A_263 : i32
      %add3A_265 = arith.constant 1280 : i32
      %add3A_266 = arith.addi %add3A_265, %mul3A_264 : i32
      %get3A = arith.index_cast %add3A_266 : i32 to index
      %get3A_267 = tpu.vector_load %arg6[%get3A] {strides = array<i32>} : memref<2048xi32, #tpu.memory_space<vmem>>, vector<16xi32>,
      %ne3A = arith.constant -1 : i32
      %ne3A_268 = vector.broadcast %ne3A : i32 to vector<16xi32>
      %ne3A_269 = arith.cmpi ne, %get3A_267, %ne3A_268 : vector<16xi32>
      %jit3A = arith.constant 0 : i32
      %broadcast_in_dim3A_270 = vector.broadcast %jit3A : i32 to vector<16xi32>
      %select_n3A = arith.select %ne3A_269, %get3A_267, %broadcast_in_dim3A_270 : vector<16xi1>, vector<16xi32>
      %mul3A_271 = arith.constant 16 : i32
      %mul3A_272 = arith.muli %scan3A_260, %mul3A_271 : i32
      %add3A_273 = vector.broadcast %mul3A_272 : i32 to vector<16xi32>
      %add3A_274 = arith.addi %add3A_273, %iota3A : vector<16xi32>
      %gather3A = tpu.vector_load_idx %arg7[%add3A_274, %select_n3A] : memref<128x190xf32, #tpu.memory_space<vmem>>[vector<16xi32>, vector<16xi32>], vector<16xf32>,
      %sub3A = arith.constant 1.000000e+00 : f32
      %sub3A_275 = vector.broadcast %sub3A : f32 to vector<16xf32>
      %sub3A_276 = arith.subf %sub3A_275, %gather3A : vector<16xf32>
      %mul3A_277 = arith.mulf %sub3A_276, %sub3A_276 : vector<16xf32>
      %jit3A_278 = arith.constant 0.000000e+00 : f32
      %broadcast_in_dim3A_279 = vector.broadcast %jit3A_278 : f32 to vector<16xf32>
      %select_n3A_280 = arith.select %ne3A_269, %mul3A_277, %broadcast_in_dim3A_279 : vector<16xi1>, vector<16xf32>
      %add3A_281 = arith.addf %scan3A_261, %select_n3A_280 : vector<16xf32>
      %jit3A_282 = arith.constant 1.000000e+00 : f32
      %jit3A_283 = arith.constant 0.000000e+00 : f32
      %broadcast_in_dim3A_284 = vector.broadcast %jit3A_282 : f32 to vector<16xf32>
      %broadcast_in_dim3A_285 = vector.broadcast %jit3A_283 : f32 to vector<16xf32>
      %select_n3A_286 = arith.select %ne3A_269, %broadcast_in_dim3A_284, %broadcast_in_dim3A_285 : vector<16xi1>, vector<16xf32>
      %add3A_287 = arith.addf %scan3A_262, %select_n3A_286 : vector<16xf32>
      %scan3A_288 = arith.constant 1 : i32
      %scan3A_289 = arith.addi %scan3A_260, %scan3A_288 : i32
      %mul3A_290 = arith.constant 16 : i32
      %mul3A_291 = arith.muli %scan3A_289, %mul3A_290 : i32
      %add3A_292 = arith.constant 1280 : i32
      %add3A_293 = arith.addi %add3A_292, %mul3A_291 : i32
      %get3A_294 = arith.index_cast %add3A_293 : i32 to index
      %get3A_295 = tpu.vector_load %arg6[%get3A_294] {strides = array<i32>} : memref<2048xi32, #tpu.memory_space<vmem>>, vector<16xi32>,
      %ne3A_296 = arith.constant -1 : i32
      %ne3A_297 = vector.broadcast %ne3A_296 : i32 to vector<16xi32>
      %ne3A_298 = arith.cmpi ne, %get3A_295, %ne3A_297 : vector<16xi32>
      %jit3A_299 = arith.constant 0 : i32
      %broadcast_in_dim3A_300 = vector.broadcast %jit3A_299 : i32 to vector<16xi32>
      %select_n3A_301 = arith.select %ne3A_298, %get3A_295, %broadcast_in_dim3A_300 : vector<16xi1>, vector<16xi32>
      %mul3A_302 = arith.constant 16 : i32
      %mul3A_303 = arith.muli %scan3A_289, %mul3A_302 : i32
      %add3A_304 = vector.broadcast %mul3A_303 : i32 to vector<16xi32>
      %add3A_305 = arith.addi %add3A_304, %iota3A : vector<16xi32>
      %gather3A_306 = tpu.vector_load_idx %arg7[%add3A_305, %select_n3A_301] : memref<128x190xf32, #tpu.memory_space<vmem>>[vector<16xi32>, vector<16xi32>], vector<16xf32>,
      %sub3A_307 = arith.constant 1.000000e+00 : f32
      %sub3A_308 = vector.broadcast %sub3A_307 : f32 to vector<16xf32>
      %sub3A_309 = arith.subf %sub3A_308, %gather3A_306 : vector<16xf32>
      %mul3A_310 = arith.mulf %sub3A_309, %sub3A_309 : vector<16xf32>
      %jit3A_311 = arith.constant 0.000000e+00 : f32
      %broadcast_in_dim3A_312 = vector.broadcast %jit3A_311 : f32 to vector<16xf32>
      %select_n3A_313 = arith.select %ne3A_298, %mul3A_310, %broadcast_in_dim3A_312 : vector<16xi1>, vector<16xf32>
      %add3A_314 = arith.addf %add3A_281, %select_n3A_313 : vector<16xf32>
      %jit3A_315 = arith.constant 1.000000e+00 : f32
      %jit3A_316 = arith.constant 0.000000e+00 : f32
      %broadcast_in_dim3A_317 = vector.broadcast %jit3A_315 : f32 to vector<16xf32>
      %broadcast_in_dim3A_318 = vector.broadcast %jit3A_316 : f32 to vector<16xf32>
      %select_n3A_319 = arith.select %ne3A_298, %broadcast_in_dim3A_317, %broadcast_in_dim3A_318 : vector<16xi1>, vector<16xf32>
      %add3A_320 = arith.addf %add3A_287, %select_n3A_319 : vector<16xf32>
      %scan3A_321 = arith.constant 2 : i32
      %scan3A_322 = arith.addi %scan3A_260, %scan3A_321 : i32
      %mul3A_323 = arith.constant 16 : i32
      %mul3A_324 = arith.muli %scan3A_322, %mul3A_323 : i32
      %add3A_325 = arith.constant 1280 : i32
      %add3A_326 = arith.addi %add3A_325, %mul3A_324 : i32
      %get3A_327 = arith.index_cast %add3A_326 : i32 to index
      %get3A_328 = tpu.vector_load %arg6[%get3A_327] {strides = array<i32>} : memref<2048xi32, #tpu.memory_space<vmem>>, vector<16xi32>,
      %ne3A_329 = arith.constant -1 : i32
      %ne3A_330 = vector.broadcast %ne3A_329 : i32 to vector<16xi32>
      %ne3A_331 = arith.cmpi ne, %get3A_328, %ne3A_330 : vector<16xi32>
      %jit3A_332 = arith.constant 0 : i32
      %broadcast_in_dim3A_333 = vector.broadcast %jit3A_332 : i32 to vector<16xi32>
      %select_n3A_334 = arith.select %ne3A_331, %get3A_328, %broadcast_in_dim3A_333 : vector<16xi1>, vector<16xi32>
      %mul3A_335 = arith.constant 16 : i32
      %mul3A_336 = arith.muli %scan3A_322, %mul3A_335 : i32
      %add3A_337 = vector.broadcast %mul3A_336 : i32 to vector<16xi32>
      %add3A_338 = arith.addi %add3A_337, %iota3A : vector<16xi32>
      %gather3A_339 = tpu.vector_load_idx %arg7[%add3A_338, %select_n3A_334] : memref<128x190xf32, #tpu.memory_space<vmem>>[vector<16xi32>, vector<16xi32>], vector<16xf32>,
      %sub3A_340 = arith.constant 1.000000e+00 : f32
      %sub3A_341 = vector.broadcast %sub3A_340 : f32 to vector<16xf32>
      %sub3A_342 = arith.subf %sub3A_341, %gather3A_339 : vector<16xf32>
      %mul3A_343 = arith.mulf %sub3A_342, %sub3A_342 : vector<16xf32>
      %jit3A_344 = arith.constant 0.000000e+00 : f32
      %broadcast_in_dim3A_345 = vector.broadcast %jit3A_344 : f32 to vector<16xf32>
      %select_n3A_346 = arith.select %ne3A_331, %mul3A_343, %broadcast_in_dim3A_345 : vector<16xi1>, vector<16xf32>
      %add3A_347 = arith.addf %add3A_314, %select_n3A_346 : vector<16xf32>
      %jit3A_348 = arith.constant 1.000000e+00 : f32
      %jit3A_349 = arith.constant 0.000000e+00 : f32
      %broadcast_in_dim3A_350 = vector.broadcast %jit3A_348 : f32 to vector<16xf32>
      %broadcast_in_dim3A_351 = vector.broadcast %jit3A_349 : f32 to vector<16xf32>
      %select_n3A_352 = arith.select %ne3A_331, %broadcast_in_dim3A_350, %broadcast_in_dim3A_351 : vector<16xi1>, vector<16xf32>
      %add3A_353 = arith.addf %add3A_320, %select_n3A_352 : vector<16xf32>
      %scan3A_354 = arith.constant 3 : i32
      %scan3A_355 = arith.addi %scan3A_260, %scan3A_354 : i32
      %mul3A_356 = arith.constant 16 : i32
      %mul3A_357 = arith.muli %scan3A_355, %mul3A_356 : i32
      %add3A_358 = arith.constant 1280 : i32
      %add3A_359 = arith.addi %add3A_358, %mul3A_357 : i32
      %get3A_360 = arith.index_cast %add3A_359 : i32 to index
      %get3A_361 = tpu.vector_load %arg6[%get3A_360] {strides = array<i32>} : memref<2048xi32, #tpu.memory_space<vmem>>, vector<16xi32>,
      %ne3A_362 = arith.constant -1 : i32
      %ne3A_363 = vector.broadcast %ne3A_362 : i32 to vector<16xi32>
      %ne3A_364 = arith.cmpi ne, %get3A_361, %ne3A_363 : vector<16xi32>
      %jit3A_365 = arith.constant 0 : i32
      %broadcast_in_dim3A_366 = vector.broadcast %jit3A_365 : i32 to vector<16xi32>
      %select_n3A_367 = arith.select %ne3A_364, %get3A_361, %broadcast_in_dim3A_366 : vector<16xi1>, vector<16xi32>
      %mul3A_368 = arith.constant 16 : i32
      %mul3A_369 = arith.muli %scan3A_355, %mul3A_368 : i32
      %add3A_370 = vector.broadcast %mul3A_369 : i32 to vector<16xi32>
      %add3A_371 = arith.addi %add3A_370, %iota3A : vector<16xi32>
      %gather3A_372 = tpu.vector_load_idx %arg7[%add3A_371, %select_n3A_367] : memref<128x190xf32, #tpu.memory_space<vmem>>[vector<16xi32>, vector<16xi32>], vector<16xf32>,
      %sub3A_373 = arith.constant 1.000000e+00 : f32
      %sub3A_374 = vector.broadcast %sub3A_373 : f32 to vector<16xf32>
      %sub3A_375 = arith.subf %sub3A_374, %gather3A_372 : vector<16xf32>
      %mul3A_376 = arith.mulf %sub3A_375, %sub3A_375 : vector<16xf32>
      %jit3A_377 = arith.constant 0.000000e+00 : f32
      %broadcast_in_dim3A_378 = vector.broadcast %jit3A_377 : f32 to vector<16xf32>
      %select_n3A_379 = arith.select %ne3A_364, %mul3A_376, %broadcast_in_dim3A_378 : vector<16xi1>, vector<16xf32>
      %add3A_380 = arith.addf %add3A_347, %select_n3A_379 : vector<16xf32>
      %jit3A_381 = arith.constant 1.000000e+00 : f32
      %jit3A_382 = arith.constant 0.000000e+00 : f32
      %broadcast_in_dim3A_383 = vector.broadcast %jit3A_381 : f32 to vector<16xf32>
      %broadcast_in_dim3A_384 = vector.broadcast %jit3A_382 : f32 to vector<16xf32>
      %select_n3A_385 = arith.select %ne3A_364, %broadcast_in_dim3A_383, %broadcast_in_dim3A_384 : vector<16xi1>, vector<16xf32>
      %add3A_386 = arith.addf %add3A_353, %select_n3A_385 : vector<16xf32>
      scf.yield %add3A_380, %add3A_386 : vector<16xf32>, vector<16xf32>
    }
    %scan3A_182 = arith.constant 8 : i32
    %add3A_183 = arith.constant 1536 : i32
    %add3A_184 = arith.addi %mul3A_2, %add3A_183 : i32
    %dma_start3A_185 = arith.constant 0 : i32
    %dma_start3A_186 = tpu.memref_slice %arg2[%add3A_184, %dma_start3A_185] : memref<131072x190xf32, #tpu.memory_space<hbm>> -> memref<128x190xf32, #tpu.memory_space<hbm>>
    %dma_start3A_187 = arith.constant 0 : i32
    %dma_start3A_188 = tpu.memref_slice %arg2[%add3A_184, %dma_start3A_187] : memref<131072x190xf32, #tpu.memory_space<hbm>> -> memref<128x190xf32, #tpu.memory_space<hbm>>
    tpu.enqueue_dma source(%dma_start3A_188 : memref<128x190xf32, #tpu.memory_space<hbm>>) target(%arg7 : memref<128x190xf32, #tpu.memory_space<vmem>>) target_semaphore(%arg11 : memref<!tpu.dma_semaphore, #tpu.memory_space<semaphore_mem>>)
    %dma_wait3A_189 = arith.constant 0 : i32
    %dma_wait3A_190 = tpu.memref_slice %arg2[%mul3A_2, %dma_wait3A_189] : memref<131072x190xf32, #tpu.memory_space<hbm>> -> memref<128x190xf32, #tpu.memory_space<hbm>>
    %dma_wait3A_191 = arith.constant 0 : i32
    %dma_wait3A_192 = tpu.memref_slice %arg2[%mul3A_2, %dma_wait3A_191] : memref<131072x190xf32, #tpu.memory_space<hbm>> -> memref<128x190xf32, #tpu.memory_space<hbm>>
    tpu.wait_dma2 semaphore(%arg12 : memref<!tpu.dma_semaphore, #tpu.memory_space<semaphore_mem>>) src(%dma_wait3A_192 : memref<128x190xf32, #tpu.memory_space<hbm>>) dst(%arg8 : memref<128x190xf32, #tpu.memory_space<vmem>>)
    %scan3A_193 = arith.constant 0 : i32
    %scan3A_194 = arith.constant 8 : i32
    %scan3A_195 = arith.addi %scan3A_193, %scan3A_194 : i32
    %scan3A_196 = arith.constant 4 : i32
    %scan3A_197:2 = scf.for %scan3A_260 = %scan3A_193 to %scan3A_195 step %scan3A_196 iter_args(%scan3A_261 = %scan3A_181#0, %scan3A_262 = %scan3A_181#1) -> (vector<16xf32>, vector<16xf32>)  : i32 {
      %mul3A_263 = arith.constant 16 : i32
      %mul3A_264 = arith.muli %scan3A_260, %mul3A_263 : i32
      %add3A_265 = arith.constant 1408 : i32
      %add3A_266 = arith.addi %add3A_265, %mul3A_264 : i32
      %get3A = arith.index_cast %add3A_266 : i32 to index
      %get3A_267 = tpu.vector_load %arg6[%get3A] {strides = array<i32>} : memref<2048xi32, #tpu.memory_space<vmem>>, vector<16xi32>,
      %ne3A = arith.constant -1 : i32
      %ne3A_268 = vector.broadcast %ne3A : i32 to vector<16xi32>
      %ne3A_269 = arith.cmpi ne, %get3A_267, %ne3A_268 : vector<16xi32>
      %jit3A = arith.constant 0 : i32
      %broadcast_in_dim3A_270 = vector.broadcast %jit3A : i32 to vector<16xi32>
      %select_n3A = arith.select %ne3A_269, %get3A_267, %broadcast_in_dim3A_270 : vector<16xi1>, vector<16xi32>
      %mul3A_271 = arith.constant 16 : i32
      %mul3A_272 = arith.muli %scan3A_260, %mul3A_271 : i32
      %add3A_273 = vector.broadcast %mul3A_272 : i32 to vector<16xi32>
      %add3A_274 = arith.addi %add3A_273, %iota3A : vector<16xi32>
      %gather3A = tpu.vector_load_idx %arg8[%add3A_274, %select_n3A] : memref<128x190xf32, #tpu.memory_space<vmem>>[vector<16xi32>, vector<16xi32>], vector<16xf32>,
      %sub3A = arith.constant 1.000000e+00 : f32
      %sub3A_275 = vector.broadcast %sub3A : f32 to vector<16xf32>
      %sub3A_276 = arith.subf %sub3A_275, %gather3A : vector<16xf32>
      %mul3A_277 = arith.mulf %sub3A_276, %sub3A_276 : vector<16xf32>
      %jit3A_278 = arith.constant 0.000000e+00 : f32
      %broadcast_in_dim3A_279 = vector.broadcast %jit3A_278 : f32 to vector<16xf32>
      %select_n3A_280 = arith.select %ne3A_269, %mul3A_277, %broadcast_in_dim3A_279 : vector<16xi1>, vector<16xf32>
      %add3A_281 = arith.addf %scan3A_261, %select_n3A_280 : vector<16xf32>
      %jit3A_282 = arith.constant 1.000000e+00 : f32
      %jit3A_283 = arith.constant 0.000000e+00 : f32
      %broadcast_in_dim3A_284 = vector.broadcast %jit3A_282 : f32 to vector<16xf32>
      %broadcast_in_dim3A_285 = vector.broadcast %jit3A_283 : f32 to vector<16xf32>
      %select_n3A_286 = arith.select %ne3A_269, %broadcast_in_dim3A_284, %broadcast_in_dim3A_285 : vector<16xi1>, vector<16xf32>
      %add3A_287 = arith.addf %scan3A_262, %select_n3A_286 : vector<16xf32>
      %scan3A_288 = arith.constant 1 : i32
      %scan3A_289 = arith.addi %scan3A_260, %scan3A_288 : i32
      %mul3A_290 = arith.constant 16 : i32
      %mul3A_291 = arith.muli %scan3A_289, %mul3A_290 : i32
      %add3A_292 = arith.constant 1408 : i32
      %add3A_293 = arith.addi %add3A_292, %mul3A_291 : i32
      %get3A_294 = arith.index_cast %add3A_293 : i32 to index
      %get3A_295 = tpu.vector_load %arg6[%get3A_294] {strides = array<i32>} : memref<2048xi32, #tpu.memory_space<vmem>>, vector<16xi32>,
      %ne3A_296 = arith.constant -1 : i32
      %ne3A_297 = vector.broadcast %ne3A_296 : i32 to vector<16xi32>
      %ne3A_298 = arith.cmpi ne, %get3A_295, %ne3A_297 : vector<16xi32>
      %jit3A_299 = arith.constant 0 : i32
      %broadcast_in_dim3A_300 = vector.broadcast %jit3A_299 : i32 to vector<16xi32>
      %select_n3A_301 = arith.select %ne3A_298, %get3A_295, %broadcast_in_dim3A_300 : vector<16xi1>, vector<16xi32>
      %mul3A_302 = arith.constant 16 : i32
      %mul3A_303 = arith.muli %scan3A_289, %mul3A_302 : i32
      %add3A_304 = vector.broadcast %mul3A_303 : i32 to vector<16xi32>
      %add3A_305 = arith.addi %add3A_304, %iota3A : vector<16xi32>
      %gather3A_306 = tpu.vector_load_idx %arg8[%add3A_305, %select_n3A_301] : memref<128x190xf32, #tpu.memory_space<vmem>>[vector<16xi32>, vector<16xi32>], vector<16xf32>,
      %sub3A_307 = arith.constant 1.000000e+00 : f32
      %sub3A_308 = vector.broadcast %sub3A_307 : f32 to vector<16xf32>
      %sub3A_309 = arith.subf %sub3A_308, %gather3A_306 : vector<16xf32>
      %mul3A_310 = arith.mulf %sub3A_309, %sub3A_309 : vector<16xf32>
      %jit3A_311 = arith.constant 0.000000e+00 : f32
      %broadcast_in_dim3A_312 = vector.broadcast %jit3A_311 : f32 to vector<16xf32>
      %select_n3A_313 = arith.select %ne3A_298, %mul3A_310, %broadcast_in_dim3A_312 : vector<16xi1>, vector<16xf32>
      %add3A_314 = arith.addf %add3A_281, %select_n3A_313 : vector<16xf32>
      %jit3A_315 = arith.constant 1.000000e+00 : f32
      %jit3A_316 = arith.constant 0.000000e+00 : f32
      %broadcast_in_dim3A_317 = vector.broadcast %jit3A_315 : f32 to vector<16xf32>
      %broadcast_in_dim3A_318 = vector.broadcast %jit3A_316 : f32 to vector<16xf32>
      %select_n3A_319 = arith.select %ne3A_298, %broadcast_in_dim3A_317, %broadcast_in_dim3A_318 : vector<16xi1>, vector<16xf32>
      %add3A_320 = arith.addf %add3A_287, %select_n3A_319 : vector<16xf32>
      %scan3A_321 = arith.constant 2 : i32
      %scan3A_322 = arith.addi %scan3A_260, %scan3A_321 : i32
      %mul3A_323 = arith.constant 16 : i32
      %mul3A_324 = arith.muli %scan3A_322, %mul3A_323 : i32
      %add3A_325 = arith.constant 1408 : i32
      %add3A_326 = arith.addi %add3A_325, %mul3A_324 : i32
      %get3A_327 = arith.index_cast %add3A_326 : i32 to index
      %get3A_328 = tpu.vector_load %arg6[%get3A_327] {strides = array<i32>} : memref<2048xi32, #tpu.memory_space<vmem>>, vector<16xi32>,
      %ne3A_329 = arith.constant -1 : i32
      %ne3A_330 = vector.broadcast %ne3A_329 : i32 to vector<16xi32>
      %ne3A_331 = arith.cmpi ne, %get3A_328, %ne3A_330 : vector<16xi32>
      %jit3A_332 = arith.constant 0 : i32
      %broadcast_in_dim3A_333 = vector.broadcast %jit3A_332 : i32 to vector<16xi32>
      %select_n3A_334 = arith.select %ne3A_331, %get3A_328, %broadcast_in_dim3A_333 : vector<16xi1>, vector<16xi32>
      %mul3A_335 = arith.constant 16 : i32
      %mul3A_336 = arith.muli %scan3A_322, %mul3A_335 : i32
      %add3A_337 = vector.broadcast %mul3A_336 : i32 to vector<16xi32>
      %add3A_338 = arith.addi %add3A_337, %iota3A : vector<16xi32>
      %gather3A_339 = tpu.vector_load_idx %arg8[%add3A_338, %select_n3A_334] : memref<128x190xf32, #tpu.memory_space<vmem>>[vector<16xi32>, vector<16xi32>], vector<16xf32>,
      %sub3A_340 = arith.constant 1.000000e+00 : f32
      %sub3A_341 = vector.broadcast %sub3A_340 : f32 to vector<16xf32>
      %sub3A_342 = arith.subf %sub3A_341, %gather3A_339 : vector<16xf32>
      %mul3A_343 = arith.mulf %sub3A_342, %sub3A_342 : vector<16xf32>
      %jit3A_344 = arith.constant 0.000000e+00 : f32
      %broadcast_in_dim3A_345 = vector.broadcast %jit3A_344 : f32 to vector<16xf32>
      %select_n3A_346 = arith.select %ne3A_331, %mul3A_343, %broadcast_in_dim3A_345 : vector<16xi1>, vector<16xf32>
      %add3A_347 = arith.addf %add3A_314, %select_n3A_346 : vector<16xf32>
      %jit3A_348 = arith.constant 1.000000e+00 : f32
      %jit3A_349 = arith.constant 0.000000e+00 : f32
      %broadcast_in_dim3A_350 = vector.broadcast %jit3A_348 : f32 to vector<16xf32>
      %broadcast_in_dim3A_351 = vector.broadcast %jit3A_349 : f32 to vector<16xf32>
      %select_n3A_352 = arith.select %ne3A_331, %broadcast_in_dim3A_350, %broadcast_in_dim3A_351 : vector<16xi1>, vector<16xf32>
      %add3A_353 = arith.addf %add3A_320, %select_n3A_352 : vector<16xf32>
      %scan3A_354 = arith.constant 3 : i32
      %scan3A_355 = arith.addi %scan3A_260, %scan3A_354 : i32
      %mul3A_356 = arith.constant 16 : i32
      %mul3A_357 = arith.muli %scan3A_355, %mul3A_356 : i32
      %add3A_358 = arith.constant 1408 : i32
      %add3A_359 = arith.addi %add3A_358, %mul3A_357 : i32
      %get3A_360 = arith.index_cast %add3A_359 : i32 to index
      %get3A_361 = tpu.vector_load %arg6[%get3A_360] {strides = array<i32>} : memref<2048xi32, #tpu.memory_space<vmem>>, vector<16xi32>,
      %ne3A_362 = arith.constant -1 : i32
      %ne3A_363 = vector.broadcast %ne3A_362 : i32 to vector<16xi32>
      %ne3A_364 = arith.cmpi ne, %get3A_361, %ne3A_363 : vector<16xi32>
      %jit3A_365 = arith.constant 0 : i32
      %broadcast_in_dim3A_366 = vector.broadcast %jit3A_365 : i32 to vector<16xi32>
      %select_n3A_367 = arith.select %ne3A_364, %get3A_361, %broadcast_in_dim3A_366 : vector<16xi1>, vector<16xi32>
      %mul3A_368 = arith.constant 16 : i32
      %mul3A_369 = arith.muli %scan3A_355, %mul3A_368 : i32
      %add3A_370 = vector.broadcast %mul3A_369 : i32 to vector<16xi32>
      %add3A_371 = arith.addi %add3A_370, %iota3A : vector<16xi32>
      %gather3A_372 = tpu.vector_load_idx %arg8[%add3A_371, %select_n3A_367] : memref<128x190xf32, #tpu.memory_space<vmem>>[vector<16xi32>, vector<16xi32>], vector<16xf32>,
      %sub3A_373 = arith.constant 1.000000e+00 : f32
      %sub3A_374 = vector.broadcast %sub3A_373 : f32 to vector<16xf32>
      %sub3A_375 = arith.subf %sub3A_374, %gather3A_372 : vector<16xf32>
      %mul3A_376 = arith.mulf %sub3A_375, %sub3A_375 : vector<16xf32>
      %jit3A_377 = arith.constant 0.000000e+00 : f32
      %broadcast_in_dim3A_378 = vector.broadcast %jit3A_377 : f32 to vector<16xf32>
      %select_n3A_379 = arith.select %ne3A_364, %mul3A_376, %broadcast_in_dim3A_378 : vector<16xi1>, vector<16xf32>
      %add3A_380 = arith.addf %add3A_347, %select_n3A_379 : vector<16xf32>
      %jit3A_381 = arith.constant 1.000000e+00 : f32
      %jit3A_382 = arith.constant 0.000000e+00 : f32
      %broadcast_in_dim3A_383 = vector.broadcast %jit3A_381 : f32 to vector<16xf32>
      %broadcast_in_dim3A_384 = vector.broadcast %jit3A_382 : f32 to vector<16xf32>
      %select_n3A_385 = arith.select %ne3A_364, %broadcast_in_dim3A_383, %broadcast_in_dim3A_384 : vector<16xi1>, vector<16xf32>
      %add3A_386 = arith.addf %add3A_353, %select_n3A_385 : vector<16xf32>
      scf.yield %add3A_380, %add3A_386 : vector<16xf32>, vector<16xf32>
    }
    %scan3A_198 = arith.constant 8 : i32
    %add3A_199 = arith.constant 1664 : i32
    %add3A_200 = arith.addi %mul3A_2, %add3A_199 : i32
    %dma_start3A_201 = arith.constant 0 : i32
    %dma_start3A_202 = tpu.memref_slice %arg2[%add3A_200, %dma_start3A_201] : memref<131072x190xf32, #tpu.memory_space<hbm>> -> memref<128x190xf32, #tpu.memory_space<hbm>>
    %dma_start3A_203 = arith.constant 0 : i32
    %dma_start3A_204 = tpu.memref_slice %arg2[%add3A_200, %dma_start3A_203] : memref<131072x190xf32, #tpu.memory_space<hbm>> -> memref<128x190xf32, #tpu.memory_space<hbm>>
    tpu.enqueue_dma source(%dma_start3A_204 : memref<128x190xf32, #tpu.memory_space<hbm>>) target(%arg8 : memref<128x190xf32, #tpu.memory_space<vmem>>) target_semaphore(%arg12 : memref<!tpu.dma_semaphore, #tpu.memory_space<semaphore_mem>>)
    %dma_wait3A_205 = arith.constant 0 : i32
    %dma_wait3A_206 = tpu.memref_slice %arg2[%mul3A_2, %dma_wait3A_205] : memref<131072x190xf32, #tpu.memory_space<hbm>> -> memref<128x190xf32, #tpu.memory_space<hbm>>
    %dma_wait3A_207 = arith.constant 0 : i32
    %dma_wait3A_208 = tpu.memref_slice %arg2[%mul3A_2, %dma_wait3A_207] : memref<131072x190xf32, #tpu.memory_space<hbm>> -> memref<128x190xf32, #tpu.memory_space<hbm>>
    tpu.wait_dma2 semaphore(%arg11 : memref<!tpu.dma_semaphore, #tpu.memory_space<semaphore_mem>>) src(%dma_wait3A_208 : memref<128x190xf32, #tpu.memory_space<hbm>>) dst(%arg7 : memref<128x190xf32, #tpu.memory_space<vmem>>)
    %scan3A_209 = arith.constant 0 : i32
    %scan3A_210 = arith.constant 8 : i32
    %scan3A_211 = arith.addi %scan3A_209, %scan3A_210 : i32
    %scan3A_212 = arith.constant 4 : i32
    %scan3A_213:2 = scf.for %scan3A_260 = %scan3A_209 to %scan3A_211 step %scan3A_212 iter_args(%scan3A_261 = %scan3A_197#0, %scan3A_262 = %scan3A_197#1) -> (vector<16xf32>, vector<16xf32>)  : i32 {
      %mul3A_263 = arith.constant 16 : i32
      %mul3A_264 = arith.muli %scan3A_260, %mul3A_263 : i32
      %add3A_265 = arith.constant 1536 : i32
      %add3A_266 = arith.addi %add3A_265, %mul3A_264 : i32
      %get3A = arith.index_cast %add3A_266 : i32 to index
      %get3A_267 = tpu.vector_load %arg6[%get3A] {strides = array<i32>} : memref<2048xi32, #tpu.memory_space<vmem>>, vector<16xi32>,
      %ne3A = arith.constant -1 : i32
      %ne3A_268 = vector.broadcast %ne3A : i32 to vector<16xi32>
      %ne3A_269 = arith.cmpi ne, %get3A_267, %ne3A_268 : vector<16xi32>
      %jit3A = arith.constant 0 : i32
      %broadcast_in_dim3A_270 = vector.broadcast %jit3A : i32 to vector<16xi32>
      %select_n3A = arith.select %ne3A_269, %get3A_267, %broadcast_in_dim3A_270 : vector<16xi1>, vector<16xi32>
      %mul3A_271 = arith.constant 16 : i32
      %mul3A_272 = arith.muli %scan3A_260, %mul3A_271 : i32
      %add3A_273 = vector.broadcast %mul3A_272 : i32 to vector<16xi32>
      %add3A_274 = arith.addi %add3A_273, %iota3A : vector<16xi32>
      %gather3A = tpu.vector_load_idx %arg7[%add3A_274, %select_n3A] : memref<128x190xf32, #tpu.memory_space<vmem>>[vector<16xi32>, vector<16xi32>], vector<16xf32>,
      %sub3A = arith.constant 1.000000e+00 : f32
      %sub3A_275 = vector.broadcast %sub3A : f32 to vector<16xf32>
      %sub3A_276 = arith.subf %sub3A_275, %gather3A : vector<16xf32>
      %mul3A_277 = arith.mulf %sub3A_276, %sub3A_276 : vector<16xf32>
      %jit3A_278 = arith.constant 0.000000e+00 : f32
      %broadcast_in_dim3A_279 = vector.broadcast %jit3A_278 : f32 to vector<16xf32>
      %select_n3A_280 = arith.select %ne3A_269, %mul3A_277, %broadcast_in_dim3A_279 : vector<16xi1>, vector<16xf32>
      %add3A_281 = arith.addf %scan3A_261, %select_n3A_280 : vector<16xf32>
      %jit3A_282 = arith.constant 1.000000e+00 : f32
      %jit3A_283 = arith.constant 0.000000e+00 : f32
      %broadcast_in_dim3A_284 = vector.broadcast %jit3A_282 : f32 to vector<16xf32>
      %broadcast_in_dim3A_285 = vector.broadcast %jit3A_283 : f32 to vector<16xf32>
      %select_n3A_286 = arith.select %ne3A_269, %broadcast_in_dim3A_284, %broadcast_in_dim3A_285 : vector<16xi1>, vector<16xf32>
      %add3A_287 = arith.addf %scan3A_262, %select_n3A_286 : vector<16xf32>
      %scan3A_288 = arith.constant 1 : i32
      %scan3A_289 = arith.addi %scan3A_260, %scan3A_288 : i32
      %mul3A_290 = arith.constant 16 : i32
      %mul3A_291 = arith.muli %scan3A_289, %mul3A_290 : i32
      %add3A_292 = arith.constant 1536 : i32
      %add3A_293 = arith.addi %add3A_292, %mul3A_291 : i32
      %get3A_294 = arith.index_cast %add3A_293 : i32 to index
      %get3A_295 = tpu.vector_load %arg6[%get3A_294] {strides = array<i32>} : memref<2048xi32, #tpu.memory_space<vmem>>, vector<16xi32>,
      %ne3A_296 = arith.constant -1 : i32
      %ne3A_297 = vector.broadcast %ne3A_296 : i32 to vector<16xi32>
      %ne3A_298 = arith.cmpi ne, %get3A_295, %ne3A_297 : vector<16xi32>
      %jit3A_299 = arith.constant 0 : i32
      %broadcast_in_dim3A_300 = vector.broadcast %jit3A_299 : i32 to vector<16xi32>
      %select_n3A_301 = arith.select %ne3A_298, %get3A_295, %broadcast_in_dim3A_300 : vector<16xi1>, vector<16xi32>
      %mul3A_302 = arith.constant 16 : i32
      %mul3A_303 = arith.muli %scan3A_289, %mul3A_302 : i32
      %add3A_304 = vector.broadcast %mul3A_303 : i32 to vector<16xi32>
      %add3A_305 = arith.addi %add3A_304, %iota3A : vector<16xi32>
      %gather3A_306 = tpu.vector_load_idx %arg7[%add3A_305, %select_n3A_301] : memref<128x190xf32, #tpu.memory_space<vmem>>[vector<16xi32>, vector<16xi32>], vector<16xf32>,
      %sub3A_307 = arith.constant 1.000000e+00 : f32
      %sub3A_308 = vector.broadcast %sub3A_307 : f32 to vector<16xf32>
      %sub3A_309 = arith.subf %sub3A_308, %gather3A_306 : vector<16xf32>
      %mul3A_310 = arith.mulf %sub3A_309, %sub3A_309 : vector<16xf32>
      %jit3A_311 = arith.constant 0.000000e+00 : f32
      %broadcast_in_dim3A_312 = vector.broadcast %jit3A_311 : f32 to vector<16xf32>
      %select_n3A_313 = arith.select %ne3A_298, %mul3A_310, %broadcast_in_dim3A_312 : vector<16xi1>, vector<16xf32>
      %add3A_314 = arith.addf %add3A_281, %select_n3A_313 : vector<16xf32>
      %jit3A_315 = arith.constant 1.000000e+00 : f32
      %jit3A_316 = arith.constant 0.000000e+00 : f32
      %broadcast_in_dim3A_317 = vector.broadcast %jit3A_315 : f32 to vector<16xf32>
      %broadcast_in_dim3A_318 = vector.broadcast %jit3A_316 : f32 to vector<16xf32>
      %select_n3A_319 = arith.select %ne3A_298, %broadcast_in_dim3A_317, %broadcast_in_dim3A_318 : vector<16xi1>, vector<16xf32>
      %add3A_320 = arith.addf %add3A_287, %select_n3A_319 : vector<16xf32>
      %scan3A_321 = arith.constant 2 : i32
      %scan3A_322 = arith.addi %scan3A_260, %scan3A_321 : i32
      %mul3A_323 = arith.constant 16 : i32
      %mul3A_324 = arith.muli %scan3A_322, %mul3A_323 : i32
      %add3A_325 = arith.constant 1536 : i32
      %add3A_326 = arith.addi %add3A_325, %mul3A_324 : i32
      %get3A_327 = arith.index_cast %add3A_326 : i32 to index
      %get3A_328 = tpu.vector_load %arg6[%get3A_327] {strides = array<i32>} : memref<2048xi32, #tpu.memory_space<vmem>>, vector<16xi32>,
      %ne3A_329 = arith.constant -1 : i32
      %ne3A_330 = vector.broadcast %ne3A_329 : i32 to vector<16xi32>
      %ne3A_331 = arith.cmpi ne, %get3A_328, %ne3A_330 : vector<16xi32>
      %jit3A_332 = arith.constant 0 : i32
      %broadcast_in_dim3A_333 = vector.broadcast %jit3A_332 : i32 to vector<16xi32>
      %select_n3A_334 = arith.select %ne3A_331, %get3A_328, %broadcast_in_dim3A_333 : vector<16xi1>, vector<16xi32>
      %mul3A_335 = arith.constant 16 : i32
      %mul3A_336 = arith.muli %scan3A_322, %mul3A_335 : i32
      %add3A_337 = vector.broadcast %mul3A_336 : i32 to vector<16xi32>
      %add3A_338 = arith.addi %add3A_337, %iota3A : vector<16xi32>
      %gather3A_339 = tpu.vector_load_idx %arg7[%add3A_338, %select_n3A_334] : memref<128x190xf32, #tpu.memory_space<vmem>>[vector<16xi32>, vector<16xi32>], vector<16xf32>,
      %sub3A_340 = arith.constant 1.000000e+00 : f32
      %sub3A_341 = vector.broadcast %sub3A_340 : f32 to vector<16xf32>
      %sub3A_342 = arith.subf %sub3A_341, %gather3A_339 : vector<16xf32>
      %mul3A_343 = arith.mulf %sub3A_342, %sub3A_342 : vector<16xf32>
      %jit3A_344 = arith.constant 0.000000e+00 : f32
      %broadcast_in_dim3A_345 = vector.broadcast %jit3A_344 : f32 to vector<16xf32>
      %select_n3A_346 = arith.select %ne3A_331, %mul3A_343, %broadcast_in_dim3A_345 : vector<16xi1>, vector<16xf32>
      %add3A_347 = arith.addf %add3A_314, %select_n3A_346 : vector<16xf32>
      %jit3A_348 = arith.constant 1.000000e+00 : f32
      %jit3A_349 = arith.constant 0.000000e+00 : f32
      %broadcast_in_dim3A_350 = vector.broadcast %jit3A_348 : f32 to vector<16xf32>
      %broadcast_in_dim3A_351 = vector.broadcast %jit3A_349 : f32 to vector<16xf32>
      %select_n3A_352 = arith.select %ne3A_331, %broadcast_in_dim3A_350, %broadcast_in_dim3A_351 : vector<16xi1>, vector<16xf32>
      %add3A_353 = arith.addf %add3A_320, %select_n3A_352 : vector<16xf32>
      %scan3A_354 = arith.constant 3 : i32
      %scan3A_355 = arith.addi %scan3A_260, %scan3A_354 : i32
      %mul3A_356 = arith.constant 16 : i32
      %mul3A_357 = arith.muli %scan3A_355, %mul3A_356 : i32
      %add3A_358 = arith.constant 1536 : i32
      %add3A_359 = arith.addi %add3A_358, %mul3A_357 : i32
      %get3A_360 = arith.index_cast %add3A_359 : i32 to index
      %get3A_361 = tpu.vector_load %arg6[%get3A_360] {strides = array<i32>} : memref<2048xi32, #tpu.memory_space<vmem>>, vector<16xi32>,
      %ne3A_362 = arith.constant -1 : i32
      %ne3A_363 = vector.broadcast %ne3A_362 : i32 to vector<16xi32>
      %ne3A_364 = arith.cmpi ne, %get3A_361, %ne3A_363 : vector<16xi32>
      %jit3A_365 = arith.constant 0 : i32
      %broadcast_in_dim3A_366 = vector.broadcast %jit3A_365 : i32 to vector<16xi32>
      %select_n3A_367 = arith.select %ne3A_364, %get3A_361, %broadcast_in_dim3A_366 : vector<16xi1>, vector<16xi32>
      %mul3A_368 = arith.constant 16 : i32
      %mul3A_369 = arith.muli %scan3A_355, %mul3A_368 : i32
      %add3A_370 = vector.broadcast %mul3A_369 : i32 to vector<16xi32>
      %add3A_371 = arith.addi %add3A_370, %iota3A : vector<16xi32>
      %gather3A_372 = tpu.vector_load_idx %arg7[%add3A_371, %select_n3A_367] : memref<128x190xf32, #tpu.memory_space<vmem>>[vector<16xi32>, vector<16xi32>], vector<16xf32>,
      %sub3A_373 = arith.constant 1.000000e+00 : f32
      %sub3A_374 = vector.broadcast %sub3A_373 : f32 to vector<16xf32>
      %sub3A_375 = arith.subf %sub3A_374, %gather3A_372 : vector<16xf32>
      %mul3A_376 = arith.mulf %sub3A_375, %sub3A_375 : vector<16xf32>
      %jit3A_377 = arith.constant 0.000000e+00 : f32
      %broadcast_in_dim3A_378 = vector.broadcast %jit3A_377 : f32 to vector<16xf32>
      %select_n3A_379 = arith.select %ne3A_364, %mul3A_376, %broadcast_in_dim3A_378 : vector<16xi1>, vector<16xf32>
      %add3A_380 = arith.addf %add3A_347, %select_n3A_379 : vector<16xf32>
      %jit3A_381 = arith.constant 1.000000e+00 : f32
      %jit3A_382 = arith.constant 0.000000e+00 : f32
      %broadcast_in_dim3A_383 = vector.broadcast %jit3A_381 : f32 to vector<16xf32>
      %broadcast_in_dim3A_384 = vector.broadcast %jit3A_382 : f32 to vector<16xf32>
      %select_n3A_385 = arith.select %ne3A_364, %broadcast_in_dim3A_383, %broadcast_in_dim3A_384 : vector<16xi1>, vector<16xf32>
      %add3A_386 = arith.addf %add3A_353, %select_n3A_385 : vector<16xf32>
      scf.yield %add3A_380, %add3A_386 : vector<16xf32>, vector<16xf32>
    }
    %scan3A_214 = arith.constant 8 : i32
    %add3A_215 = arith.constant 1792 : i32
    %add3A_216 = arith.addi %mul3A_2, %add3A_215 : i32
    %dma_start3A_217 = arith.constant 0 : i32
    %dma_start3A_218 = tpu.memref_slice %arg2[%add3A_216, %dma_start3A_217] : memref<131072x190xf32, #tpu.memory_space<hbm>> -> memref<128x190xf32, #tpu.memory_space<hbm>>
    %dma_start3A_219 = arith.constant 0 : i32
    %dma_start3A_220 = tpu.memref_slice %arg2[%add3A_216, %dma_start3A_219] : memref<131072x190xf32, #tpu.memory_space<hbm>> -> memref<128x190xf32, #tpu.memory_space<hbm>>
    tpu.enqueue_dma source(%dma_start3A_220 : memref<128x190xf32, #tpu.memory_space<hbm>>) target(%arg7 : memref<128x190xf32, #tpu.memory_space<vmem>>) target_semaphore(%arg11 : memref<!tpu.dma_semaphore, #tpu.memory_space<semaphore_mem>>)
    %dma_wait3A_221 = arith.constant 0 : i32
    %dma_wait3A_222 = tpu.memref_slice %arg2[%mul3A_2, %dma_wait3A_221] : memref<131072x190xf32, #tpu.memory_space<hbm>> -> memref<128x190xf32, #tpu.memory_space<hbm>>
    %dma_wait3A_223 = arith.constant 0 : i32
    %dma_wait3A_224 = tpu.memref_slice %arg2[%mul3A_2, %dma_wait3A_223] : memref<131072x190xf32, #tpu.memory_space<hbm>> -> memref<128x190xf32, #tpu.memory_space<hbm>>
    tpu.wait_dma2 semaphore(%arg12 : memref<!tpu.dma_semaphore, #tpu.memory_space<semaphore_mem>>) src(%dma_wait3A_224 : memref<128x190xf32, #tpu.memory_space<hbm>>) dst(%arg8 : memref<128x190xf32, #tpu.memory_space<vmem>>)
    %scan3A_225 = arith.constant 0 : i32
    %scan3A_226 = arith.constant 8 : i32
    %scan3A_227 = arith.addi %scan3A_225, %scan3A_226 : i32
    %scan3A_228 = arith.constant 4 : i32
    %scan3A_229:2 = scf.for %scan3A_260 = %scan3A_225 to %scan3A_227 step %scan3A_228 iter_args(%scan3A_261 = %scan3A_213#0, %scan3A_262 = %scan3A_213#1) -> (vector<16xf32>, vector<16xf32>)  : i32 {
      %mul3A_263 = arith.constant 16 : i32
      %mul3A_264 = arith.muli %scan3A_260, %mul3A_263 : i32
      %add3A_265 = arith.constant 1664 : i32
      %add3A_266 = arith.addi %add3A_265, %mul3A_264 : i32
      %get3A = arith.index_cast %add3A_266 : i32 to index
      %get3A_267 = tpu.vector_load %arg6[%get3A] {strides = array<i32>} : memref<2048xi32, #tpu.memory_space<vmem>>, vector<16xi32>,
      %ne3A = arith.constant -1 : i32
      %ne3A_268 = vector.broadcast %ne3A : i32 to vector<16xi32>
      %ne3A_269 = arith.cmpi ne, %get3A_267, %ne3A_268 : vector<16xi32>
      %jit3A = arith.constant 0 : i32
      %broadcast_in_dim3A_270 = vector.broadcast %jit3A : i32 to vector<16xi32>
      %select_n3A = arith.select %ne3A_269, %get3A_267, %broadcast_in_dim3A_270 : vector<16xi1>, vector<16xi32>
      %mul3A_271 = arith.constant 16 : i32
      %mul3A_272 = arith.muli %scan3A_260, %mul3A_271 : i32
      %add3A_273 = vector.broadcast %mul3A_272 : i32 to vector<16xi32>
      %add3A_274 = arith.addi %add3A_273, %iota3A : vector<16xi32>
      %gather3A = tpu.vector_load_idx %arg8[%add3A_274, %select_n3A] : memref<128x190xf32, #tpu.memory_space<vmem>>[vector<16xi32>, vector<16xi32>], vector<16xf32>,
      %sub3A = arith.constant 1.000000e+00 : f32
      %sub3A_275 = vector.broadcast %sub3A : f32 to vector<16xf32>
      %sub3A_276 = arith.subf %sub3A_275, %gather3A : vector<16xf32>
      %mul3A_277 = arith.mulf %sub3A_276, %sub3A_276 : vector<16xf32>
      %jit3A_278 = arith.constant 0.000000e+00 : f32
      %broadcast_in_dim3A_279 = vector.broadcast %jit3A_278 : f32 to vector<16xf32>
      %select_n3A_280 = arith.select %ne3A_269, %mul3A_277, %broadcast_in_dim3A_279 : vector<16xi1>, vector<16xf32>
      %add3A_281 = arith.addf %scan3A_261, %select_n3A_280 : vector<16xf32>
      %jit3A_282 = arith.constant 1.000000e+00 : f32
      %jit3A_283 = arith.constant 0.000000e+00 : f32
      %broadcast_in_dim3A_284 = vector.broadcast %jit3A_282 : f32 to vector<16xf32>
      %broadcast_in_dim3A_285 = vector.broadcast %jit3A_283 : f32 to vector<16xf32>
      %select_n3A_286 = arith.select %ne3A_269, %broadcast_in_dim3A_284, %broadcast_in_dim3A_285 : vector<16xi1>, vector<16xf32>
      %add3A_287 = arith.addf %scan3A_262, %select_n3A_286 : vector<16xf32>
      %scan3A_288 = arith.constant 1 : i32
      %scan3A_289 = arith.addi %scan3A_260, %scan3A_288 : i32
      %mul3A_290 = arith.constant 16 : i32
      %mul3A_291 = arith.muli %scan3A_289, %mul3A_290 : i32
      %add3A_292 = arith.constant 1664 : i32
      %add3A_293 = arith.addi %add3A_292, %mul3A_291 : i32
      %get3A_294 = arith.index_cast %add3A_293 : i32 to index
      %get3A_295 = tpu.vector_load %arg6[%get3A_294] {strides = array<i32>} : memref<2048xi32, #tpu.memory_space<vmem>>, vector<16xi32>,
      %ne3A_296 = arith.constant -1 : i32
      %ne3A_297 = vector.broadcast %ne3A_296 : i32 to vector<16xi32>
      %ne3A_298 = arith.cmpi ne, %get3A_295, %ne3A_297 : vector<16xi32>
      %jit3A_299 = arith.constant 0 : i32
      %broadcast_in_dim3A_300 = vector.broadcast %jit3A_299 : i32 to vector<16xi32>
      %select_n3A_301 = arith.select %ne3A_298, %get3A_295, %broadcast_in_dim3A_300 : vector<16xi1>, vector<16xi32>
      %mul3A_302 = arith.constant 16 : i32
      %mul3A_303 = arith.muli %scan3A_289, %mul3A_302 : i32
      %add3A_304 = vector.broadcast %mul3A_303 : i32 to vector<16xi32>
      %add3A_305 = arith.addi %add3A_304, %iota3A : vector<16xi32>
      %gather3A_306 = tpu.vector_load_idx %arg8[%add3A_305, %select_n3A_301] : memref<128x190xf32, #tpu.memory_space<vmem>>[vector<16xi32>, vector<16xi32>], vector<16xf32>,
      %sub3A_307 = arith.constant 1.000000e+00 : f32
      %sub3A_308 = vector.broadcast %sub3A_307 : f32 to vector<16xf32>
      %sub3A_309 = arith.subf %sub3A_308, %gather3A_306 : vector<16xf32>
      %mul3A_310 = arith.mulf %sub3A_309, %sub3A_309 : vector<16xf32>
      %jit3A_311 = arith.constant 0.000000e+00 : f32
      %broadcast_in_dim3A_312 = vector.broadcast %jit3A_311 : f32 to vector<16xf32>
      %select_n3A_313 = arith.select %ne3A_298, %mul3A_310, %broadcast_in_dim3A_312 : vector<16xi1>, vector<16xf32>
      %add3A_314 = arith.addf %add3A_281, %select_n3A_313 : vector<16xf32>
      %jit3A_315 = arith.constant 1.000000e+00 : f32
      %jit3A_316 = arith.constant 0.000000e+00 : f32
      %broadcast_in_dim3A_317 = vector.broadcast %jit3A_315 : f32 to vector<16xf32>
      %broadcast_in_dim3A_318 = vector.broadcast %jit3A_316 : f32 to vector<16xf32>
      %select_n3A_319 = arith.select %ne3A_298, %broadcast_in_dim3A_317, %broadcast_in_dim3A_318 : vector<16xi1>, vector<16xf32>
      %add3A_320 = arith.addf %add3A_287, %select_n3A_319 : vector<16xf32>
      %scan3A_321 = arith.constant 2 : i32
      %scan3A_322 = arith.addi %scan3A_260, %scan3A_321 : i32
      %mul3A_323 = arith.constant 16 : i32
      %mul3A_324 = arith.muli %scan3A_322, %mul3A_323 : i32
      %add3A_325 = arith.constant 1664 : i32
      %add3A_326 = arith.addi %add3A_325, %mul3A_324 : i32
      %get3A_327 = arith.index_cast %add3A_326 : i32 to index
      %get3A_328 = tpu.vector_load %arg6[%get3A_327] {strides = array<i32>} : memref<2048xi32, #tpu.memory_space<vmem>>, vector<16xi32>,
      %ne3A_329 = arith.constant -1 : i32
      %ne3A_330 = vector.broadcast %ne3A_329 : i32 to vector<16xi32>
      %ne3A_331 = arith.cmpi ne, %get3A_328, %ne3A_330 : vector<16xi32>
      %jit3A_332 = arith.constant 0 : i32
      %broadcast_in_dim3A_333 = vector.broadcast %jit3A_332 : i32 to vector<16xi32>
      %select_n3A_334 = arith.select %ne3A_331, %get3A_328, %broadcast_in_dim3A_333 : vector<16xi1>, vector<16xi32>
      %mul3A_335 = arith.constant 16 : i32
      %mul3A_336 = arith.muli %scan3A_322, %mul3A_335 : i32
      %add3A_337 = vector.broadcast %mul3A_336 : i32 to vector<16xi32>
      %add3A_338 = arith.addi %add3A_337, %iota3A : vector<16xi32>
      %gather3A_339 = tpu.vector_load_idx %arg8[%add3A_338, %select_n3A_334] : memref<128x190xf32, #tpu.memory_space<vmem>>[vector<16xi32>, vector<16xi32>], vector<16xf32>,
      %sub3A_340 = arith.constant 1.000000e+00 : f32
      %sub3A_341 = vector.broadcast %sub3A_340 : f32 to vector<16xf32>
      %sub3A_342 = arith.subf %sub3A_341, %gather3A_339 : vector<16xf32>
      %mul3A_343 = arith.mulf %sub3A_342, %sub3A_342 : vector<16xf32>
      %jit3A_344 = arith.constant 0.000000e+00 : f32
      %broadcast_in_dim3A_345 = vector.broadcast %jit3A_344 : f32 to vector<16xf32>
      %select_n3A_346 = arith.select %ne3A_331, %mul3A_343, %broadcast_in_dim3A_345 : vector<16xi1>, vector<16xf32>
      %add3A_347 = arith.addf %add3A_314, %select_n3A_346 : vector<16xf32>
      %jit3A_348 = arith.constant 1.000000e+00 : f32
      %jit3A_349 = arith.constant 0.000000e+00 : f32
      %broadcast_in_dim3A_350 = vector.broadcast %jit3A_348 : f32 to vector<16xf32>
      %broadcast_in_dim3A_351 = vector.broadcast %jit3A_349 : f32 to vector<16xf32>
      %select_n3A_352 = arith.select %ne3A_331, %broadcast_in_dim3A_350, %broadcast_in_dim3A_351 : vector<16xi1>, vector<16xf32>
      %add3A_353 = arith.addf %add3A_320, %select_n3A_352 : vector<16xf32>
      %scan3A_354 = arith.constant 3 : i32
      %scan3A_355 = arith.addi %scan3A_260, %scan3A_354 : i32
      %mul3A_356 = arith.constant 16 : i32
      %mul3A_357 = arith.muli %scan3A_355, %mul3A_356 : i32
      %add3A_358 = arith.constant 1664 : i32
      %add3A_359 = arith.addi %add3A_358, %mul3A_357 : i32
      %get3A_360 = arith.index_cast %add3A_359 : i32 to index
      %get3A_361 = tpu.vector_load %arg6[%get3A_360] {strides = array<i32>} : memref<2048xi32, #tpu.memory_space<vmem>>, vector<16xi32>,
      %ne3A_362 = arith.constant -1 : i32
      %ne3A_363 = vector.broadcast %ne3A_362 : i32 to vector<16xi32>
      %ne3A_364 = arith.cmpi ne, %get3A_361, %ne3A_363 : vector<16xi32>
      %jit3A_365 = arith.constant 0 : i32
      %broadcast_in_dim3A_366 = vector.broadcast %jit3A_365 : i32 to vector<16xi32>
      %select_n3A_367 = arith.select %ne3A_364, %get3A_361, %broadcast_in_dim3A_366 : vector<16xi1>, vector<16xi32>
      %mul3A_368 = arith.constant 16 : i32
      %mul3A_369 = arith.muli %scan3A_355, %mul3A_368 : i32
      %add3A_370 = vector.broadcast %mul3A_369 : i32 to vector<16xi32>
      %add3A_371 = arith.addi %add3A_370, %iota3A : vector<16xi32>
      %gather3A_372 = tpu.vector_load_idx %arg8[%add3A_371, %select_n3A_367] : memref<128x190xf32, #tpu.memory_space<vmem>>[vector<16xi32>, vector<16xi32>], vector<16xf32>,
      %sub3A_373 = arith.constant 1.000000e+00 : f32
      %sub3A_374 = vector.broadcast %sub3A_373 : f32 to vector<16xf32>
      %sub3A_375 = arith.subf %sub3A_374, %gather3A_372 : vector<16xf32>
      %mul3A_376 = arith.mulf %sub3A_375, %sub3A_375 : vector<16xf32>
      %jit3A_377 = arith.constant 0.000000e+00 : f32
      %broadcast_in_dim3A_378 = vector.broadcast %jit3A_377 : f32 to vector<16xf32>
      %select_n3A_379 = arith.select %ne3A_364, %mul3A_376, %broadcast_in_dim3A_378 : vector<16xi1>, vector<16xf32>
      %add3A_380 = arith.addf %add3A_347, %select_n3A_379 : vector<16xf32>
      %jit3A_381 = arith.constant 1.000000e+00 : f32
      %jit3A_382 = arith.constant 0.000000e+00 : f32
      %broadcast_in_dim3A_383 = vector.broadcast %jit3A_381 : f32 to vector<16xf32>
      %broadcast_in_dim3A_384 = vector.broadcast %jit3A_382 : f32 to vector<16xf32>
      %select_n3A_385 = arith.select %ne3A_364, %broadcast_in_dim3A_383, %broadcast_in_dim3A_384 : vector<16xi1>, vector<16xf32>
      %add3A_386 = arith.addf %add3A_353, %select_n3A_385 : vector<16xf32>
      scf.yield %add3A_380, %add3A_386 : vector<16xf32>, vector<16xf32>
    }
    %scan3A_230 = arith.constant 8 : i32
    %add3A_231 = arith.constant 1920 : i32
    %add3A_232 = arith.addi %mul3A_2, %add3A_231 : i32
    %dma_start3A_233 = arith.constant 0 : i32
    %dma_start3A_234 = tpu.memref_slice %arg2[%add3A_232, %dma_start3A_233] : memref<131072x190xf32, #tpu.memory_space<hbm>> -> memref<128x190xf32, #tpu.memory_space<hbm>>
    %dma_start3A_235 = arith.constant 0 : i32
    %dma_start3A_236 = tpu.memref_slice %arg2[%add3A_232, %dma_start3A_235] : memref<131072x190xf32, #tpu.memory_space<hbm>> -> memref<128x190xf32, #tpu.memory_space<hbm>>
    tpu.enqueue_dma source(%dma_start3A_236 : memref<128x190xf32, #tpu.memory_space<hbm>>) target(%arg8 : memref<128x190xf32, #tpu.memory_space<vmem>>) target_semaphore(%arg12 : memref<!tpu.dma_semaphore, #tpu.memory_space<semaphore_mem>>)
    %dma_wait3A_237 = arith.constant 0 : i32
    %dma_wait3A_238 = tpu.memref_slice %arg2[%mul3A_2, %dma_wait3A_237] : memref<131072x190xf32, #tpu.memory_space<hbm>> -> memref<128x190xf32, #tpu.memory_space<hbm>>
    %dma_wait3A_239 = arith.constant 0 : i32
    %dma_wait3A_240 = tpu.memref_slice %arg2[%mul3A_2, %dma_wait3A_239] : memref<131072x190xf32, #tpu.memory_space<hbm>> -> memref<128x190xf32, #tpu.memory_space<hbm>>
    tpu.wait_dma2 semaphore(%arg11 : memref<!tpu.dma_semaphore, #tpu.memory_space<semaphore_mem>>) src(%dma_wait3A_240 : memref<128x190xf32, #tpu.memory_space<hbm>>) dst(%arg7 : memref<128x190xf32, #tpu.memory_space<vmem>>)
    %scan3A_241 = arith.constant 0 : i32
    %scan3A_242 = arith.constant 8 : i32
    %scan3A_243 = arith.addi %scan3A_241, %scan3A_242 : i32
    %scan3A_244 = arith.constant 4 : i32
    %scan3A_245:2 = scf.for %scan3A_260 = %scan3A_241 to %scan3A_243 step %scan3A_244 iter_args(%scan3A_261 = %scan3A_229#0, %scan3A_262 = %scan3A_229#1) -> (vector<16xf32>, vector<16xf32>)  : i32 {
      %mul3A_263 = arith.constant 16 : i32
      %mul3A_264 = arith.muli %scan3A_260, %mul3A_263 : i32
      %add3A_265 = arith.constant 1792 : i32
      %add3A_266 = arith.addi %add3A_265, %mul3A_264 : i32
      %get3A = arith.index_cast %add3A_266 : i32 to index
      %get3A_267 = tpu.vector_load %arg6[%get3A] {strides = array<i32>} : memref<2048xi32, #tpu.memory_space<vmem>>, vector<16xi32>,
      %ne3A = arith.constant -1 : i32
      %ne3A_268 = vector.broadcast %ne3A : i32 to vector<16xi32>
      %ne3A_269 = arith.cmpi ne, %get3A_267, %ne3A_268 : vector<16xi32>
      %jit3A = arith.constant 0 : i32
      %broadcast_in_dim3A_270 = vector.broadcast %jit3A : i32 to vector<16xi32>
      %select_n3A = arith.select %ne3A_269, %get3A_267, %broadcast_in_dim3A_270 : vector<16xi1>, vector<16xi32>
      %mul3A_271 = arith.constant 16 : i32
      %mul3A_272 = arith.muli %scan3A_260, %mul3A_271 : i32
      %add3A_273 = vector.broadcast %mul3A_272 : i32 to vector<16xi32>
      %add3A_274 = arith.addi %add3A_273, %iota3A : vector<16xi32>
      %gather3A = tpu.vector_load_idx %arg7[%add3A_274, %select_n3A] : memref<128x190xf32, #tpu.memory_space<vmem>>[vector<16xi32>, vector<16xi32>], vector<16xf32>,
      %sub3A = arith.constant 1.000000e+00 : f32
      %sub3A_275 = vector.broadcast %sub3A : f32 to vector<16xf32>
      %sub3A_276 = arith.subf %sub3A_275, %gather3A : vector<16xf32>
      %mul3A_277 = arith.mulf %sub3A_276, %sub3A_276 : vector<16xf32>
      %jit3A_278 = arith.constant 0.000000e+00 : f32
      %broadcast_in_dim3A_279 = vector.broadcast %jit3A_278 : f32 to vector<16xf32>
      %select_n3A_280 = arith.select %ne3A_269, %mul3A_277, %broadcast_in_dim3A_279 : vector<16xi1>, vector<16xf32>
      %add3A_281 = arith.addf %scan3A_261, %select_n3A_280 : vector<16xf32>
      %jit3A_282 = arith.constant 1.000000e+00 : f32
      %jit3A_283 = arith.constant 0.000000e+00 : f32
      %broadcast_in_dim3A_284 = vector.broadcast %jit3A_282 : f32 to vector<16xf32>
      %broadcast_in_dim3A_285 = vector.broadcast %jit3A_283 : f32 to vector<16xf32>
      %select_n3A_286 = arith.select %ne3A_269, %broadcast_in_dim3A_284, %broadcast_in_dim3A_285 : vector<16xi1>, vector<16xf32>
      %add3A_287 = arith.addf %scan3A_262, %select_n3A_286 : vector<16xf32>
      %scan3A_288 = arith.constant 1 : i32
      %scan3A_289 = arith.addi %scan3A_260, %scan3A_288 : i32
      %mul3A_290 = arith.constant 16 : i32
      %mul3A_291 = arith.muli %scan3A_289, %mul3A_290 : i32
      %add3A_292 = arith.constant 1792 : i32
      %add3A_293 = arith.addi %add3A_292, %mul3A_291 : i32
      %get3A_294 = arith.index_cast %add3A_293 : i32 to index
      %get3A_295 = tpu.vector_load %arg6[%get3A_294] {strides = array<i32>} : memref<2048xi32, #tpu.memory_space<vmem>>, vector<16xi32>,
      %ne3A_296 = arith.constant -1 : i32
      %ne3A_297 = vector.broadcast %ne3A_296 : i32 to vector<16xi32>
      %ne3A_298 = arith.cmpi ne, %get3A_295, %ne3A_297 : vector<16xi32>
      %jit3A_299 = arith.constant 0 : i32
      %broadcast_in_dim3A_300 = vector.broadcast %jit3A_299 : i32 to vector<16xi32>
      %select_n3A_301 = arith.select %ne3A_298, %get3A_295, %broadcast_in_dim3A_300 : vector<16xi1>, vector<16xi32>
      %mul3A_302 = arith.constant 16 : i32
      %mul3A_303 = arith.muli %scan3A_289, %mul3A_302 : i32
      %add3A_304 = vector.broadcast %mul3A_303 : i32 to vector<16xi32>
      %add3A_305 = arith.addi %add3A_304, %iota3A : vector<16xi32>
      %gather3A_306 = tpu.vector_load_idx %arg7[%add3A_305, %select_n3A_301] : memref<128x190xf32, #tpu.memory_space<vmem>>[vector<16xi32>, vector<16xi32>], vector<16xf32>,
      %sub3A_307 = arith.constant 1.000000e+00 : f32
      %sub3A_308 = vector.broadcast %sub3A_307 : f32 to vector<16xf32>
      %sub3A_309 = arith.subf %sub3A_308, %gather3A_306 : vector<16xf32>
      %mul3A_310 = arith.mulf %sub3A_309, %sub3A_309 : vector<16xf32>
      %jit3A_311 = arith.constant 0.000000e+00 : f32
      %broadcast_in_dim3A_312 = vector.broadcast %jit3A_311 : f32 to vector<16xf32>
      %select_n3A_313 = arith.select %ne3A_298, %mul3A_310, %broadcast_in_dim3A_312 : vector<16xi1>, vector<16xf32>
      %add3A_314 = arith.addf %add3A_281, %select_n3A_313 : vector<16xf32>
      %jit3A_315 = arith.constant 1.000000e+00 : f32
      %jit3A_316 = arith.constant 0.000000e+00 : f32
      %broadcast_in_dim3A_317 = vector.broadcast %jit3A_315 : f32 to vector<16xf32>
      %broadcast_in_dim3A_318 = vector.broadcast %jit3A_316 : f32 to vector<16xf32>
      %select_n3A_319 = arith.select %ne3A_298, %broadcast_in_dim3A_317, %broadcast_in_dim3A_318 : vector<16xi1>, vector<16xf32>
      %add3A_320 = arith.addf %add3A_287, %select_n3A_319 : vector<16xf32>
      %scan3A_321 = arith.constant 2 : i32
      %scan3A_322 = arith.addi %scan3A_260, %scan3A_321 : i32
      %mul3A_323 = arith.constant 16 : i32
      %mul3A_324 = arith.muli %scan3A_322, %mul3A_323 : i32
      %add3A_325 = arith.constant 1792 : i32
      %add3A_326 = arith.addi %add3A_325, %mul3A_324 : i32
      %get3A_327 = arith.index_cast %add3A_326 : i32 to index
      %get3A_328 = tpu.vector_load %arg6[%get3A_327] {strides = array<i32>} : memref<2048xi32, #tpu.memory_space<vmem>>, vector<16xi32>,
      %ne3A_329 = arith.constant -1 : i32
      %ne3A_330 = vector.broadcast %ne3A_329 : i32 to vector<16xi32>
      %ne3A_331 = arith.cmpi ne, %get3A_328, %ne3A_330 : vector<16xi32>
      %jit3A_332 = arith.constant 0 : i32
      %broadcast_in_dim3A_333 = vector.broadcast %jit3A_332 : i32 to vector<16xi32>
      %select_n3A_334 = arith.select %ne3A_331, %get3A_328, %broadcast_in_dim3A_333 : vector<16xi1>, vector<16xi32>
      %mul3A_335 = arith.constant 16 : i32
      %mul3A_336 = arith.muli %scan3A_322, %mul3A_335 : i32
      %add3A_337 = vector.broadcast %mul3A_336 : i32 to vector<16xi32>
      %add3A_338 = arith.addi %add3A_337, %iota3A : vector<16xi32>
      %gather3A_339 = tpu.vector_load_idx %arg7[%add3A_338, %select_n3A_334] : memref<128x190xf32, #tpu.memory_space<vmem>>[vector<16xi32>, vector<16xi32>], vector<16xf32>,
      %sub3A_340 = arith.constant 1.000000e+00 : f32
      %sub3A_341 = vector.broadcast %sub3A_340 : f32 to vector<16xf32>
      %sub3A_342 = arith.subf %sub3A_341, %gather3A_339 : vector<16xf32>
      %mul3A_343 = arith.mulf %sub3A_342, %sub3A_342 : vector<16xf32>
      %jit3A_344 = arith.constant 0.000000e+00 : f32
      %broadcast_in_dim3A_345 = vector.broadcast %jit3A_344 : f32 to vector<16xf32>
      %select_n3A_346 = arith.select %ne3A_331, %mul3A_343, %broadcast_in_dim3A_345 : vector<16xi1>, vector<16xf32>
      %add3A_347 = arith.addf %add3A_314, %select_n3A_346 : vector<16xf32>
      %jit3A_348 = arith.constant 1.000000e+00 : f32
      %jit3A_349 = arith.constant 0.000000e+00 : f32
      %broadcast_in_dim3A_350 = vector.broadcast %jit3A_348 : f32 to vector<16xf32>
      %broadcast_in_dim3A_351 = vector.broadcast %jit3A_349 : f32 to vector<16xf32>
      %select_n3A_352 = arith.select %ne3A_331, %broadcast_in_dim3A_350, %broadcast_in_dim3A_351 : vector<16xi1>, vector<16xf32>
      %add3A_353 = arith.addf %add3A_320, %select_n3A_352 : vector<16xf32>
      %scan3A_354 = arith.constant 3 : i32
      %scan3A_355 = arith.addi %scan3A_260, %scan3A_354 : i32
      %mul3A_356 = arith.constant 16 : i32
      %mul3A_357 = arith.muli %scan3A_355, %mul3A_356 : i32
      %add3A_358 = arith.constant 1792 : i32
      %add3A_359 = arith.addi %add3A_358, %mul3A_357 : i32
      %get3A_360 = arith.index_cast %add3A_359 : i32 to index
      %get3A_361 = tpu.vector_load %arg6[%get3A_360] {strides = array<i32>} : memref<2048xi32, #tpu.memory_space<vmem>>, vector<16xi32>,
      %ne3A_362 = arith.constant -1 : i32
      %ne3A_363 = vector.broadcast %ne3A_362 : i32 to vector<16xi32>
      %ne3A_364 = arith.cmpi ne, %get3A_361, %ne3A_363 : vector<16xi32>
      %jit3A_365 = arith.constant 0 : i32
      %broadcast_in_dim3A_366 = vector.broadcast %jit3A_365 : i32 to vector<16xi32>
      %select_n3A_367 = arith.select %ne3A_364, %get3A_361, %broadcast_in_dim3A_366 : vector<16xi1>, vector<16xi32>
      %mul3A_368 = arith.constant 16 : i32
      %mul3A_369 = arith.muli %scan3A_355, %mul3A_368 : i32
      %add3A_370 = vector.broadcast %mul3A_369 : i32 to vector<16xi32>
      %add3A_371 = arith.addi %add3A_370, %iota3A : vector<16xi32>
      %gather3A_372 = tpu.vector_load_idx %arg7[%add3A_371, %select_n3A_367] : memref<128x190xf32, #tpu.memory_space<vmem>>[vector<16xi32>, vector<16xi32>], vector<16xf32>,
      %sub3A_373 = arith.constant 1.000000e+00 : f32
      %sub3A_374 = vector.broadcast %sub3A_373 : f32 to vector<16xf32>
      %sub3A_375 = arith.subf %sub3A_374, %gather3A_372 : vector<16xf32>
      %mul3A_376 = arith.mulf %sub3A_375, %sub3A_375 : vector<16xf32>
      %jit3A_377 = arith.constant 0.000000e+00 : f32
      %broadcast_in_dim3A_378 = vector.broadcast %jit3A_377 : f32 to vector<16xf32>
      %select_n3A_379 = arith.select %ne3A_364, %mul3A_376, %broadcast_in_dim3A_378 : vector<16xi1>, vector<16xf32>
      %add3A_380 = arith.addf %add3A_347, %select_n3A_379 : vector<16xf32>
      %jit3A_381 = arith.constant 1.000000e+00 : f32
      %jit3A_382 = arith.constant 0.000000e+00 : f32
      %broadcast_in_dim3A_383 = vector.broadcast %jit3A_381 : f32 to vector<16xf32>
      %broadcast_in_dim3A_384 = vector.broadcast %jit3A_382 : f32 to vector<16xf32>
      %select_n3A_385 = arith.select %ne3A_364, %broadcast_in_dim3A_383, %broadcast_in_dim3A_384 : vector<16xi1>, vector<16xf32>
      %add3A_386 = arith.addf %add3A_353, %select_n3A_385 : vector<16xf32>
      scf.yield %add3A_380, %add3A_386 : vector<16xf32>, vector<16xf32>
    }
    %scan3A_246 = arith.constant 8 : i32
    %dma_wait3A_247 = arith.constant 0 : i32
    %dma_wait3A_248 = tpu.memref_slice %arg2[%mul3A_2, %dma_wait3A_247] : memref<131072x190xf32, #tpu.memory_space<hbm>> -> memref<128x190xf32, #tpu.memory_space<hbm>>
    %dma_wait3A_249 = arith.constant 0 : i32
    %dma_wait3A_250 = tpu.memref_slice %arg2[%mul3A_2, %dma_wait3A_249] : memref<131072x190xf32, #tpu.memory_space<hbm>> -> memref<128x190xf32, #tpu.memory_space<hbm>>
    tpu.wait_dma2 semaphore(%arg12 : memref<!tpu.dma_semaphore, #tpu.memory_space<semaphore_mem>>) src(%dma_wait3A_250 : memref<128x190xf32, #tpu.memory_space<hbm>>) dst(%arg8 : memref<128x190xf32, #tpu.memory_space<vmem>>)
    %scan3A_251 = arith.constant 0 : i32
    %scan3A_252 = arith.constant 8 : i32
    %scan3A_253 = arith.addi %scan3A_251, %scan3A_252 : i32
    %scan3A_254 = arith.constant 4 : i32
    %scan3A_255:2 = scf.for %scan3A_260 = %scan3A_251 to %scan3A_253 step %scan3A_254 iter_args(%scan3A_261 = %scan3A_245#0, %scan3A_262 = %scan3A_245#1) -> (vector<16xf32>, vector<16xf32>)  : i32 {
      %mul3A_263 = arith.constant 16 : i32
      %mul3A_264 = arith.muli %scan3A_260, %mul3A_263 : i32
      %add3A_265 = arith.constant 1920 : i32
      %add3A_266 = arith.addi %add3A_265, %mul3A_264 : i32
      %get3A = arith.index_cast %add3A_266 : i32 to index
      %get3A_267 = tpu.vector_load %arg6[%get3A] {strides = array<i32>} : memref<2048xi32, #tpu.memory_space<vmem>>, vector<16xi32>,
      %ne3A = arith.constant -1 : i32
      %ne3A_268 = vector.broadcast %ne3A : i32 to vector<16xi32>
      %ne3A_269 = arith.cmpi ne, %get3A_267, %ne3A_268 : vector<16xi32>
      %jit3A = arith.constant 0 : i32
      %broadcast_in_dim3A_270 = vector.broadcast %jit3A : i32 to vector<16xi32>
      %select_n3A = arith.select %ne3A_269, %get3A_267, %broadcast_in_dim3A_270 : vector<16xi1>, vector<16xi32>
      %mul3A_271 = arith.constant 16 : i32
      %mul3A_272 = arith.muli %scan3A_260, %mul3A_271 : i32
      %add3A_273 = vector.broadcast %mul3A_272 : i32 to vector<16xi32>
      %add3A_274 = arith.addi %add3A_273, %iota3A : vector<16xi32>
      %gather3A = tpu.vector_load_idx %arg8[%add3A_274, %select_n3A] : memref<128x190xf32, #tpu.memory_space<vmem>>[vector<16xi32>, vector<16xi32>], vector<16xf32>,
      %sub3A = arith.constant 1.000000e+00 : f32
      %sub3A_275 = vector.broadcast %sub3A : f32 to vector<16xf32>
      %sub3A_276 = arith.subf %sub3A_275, %gather3A : vector<16xf32>
      %mul3A_277 = arith.mulf %sub3A_276, %sub3A_276 : vector<16xf32>
      %jit3A_278 = arith.constant 0.000000e+00 : f32
      %broadcast_in_dim3A_279 = vector.broadcast %jit3A_278 : f32 to vector<16xf32>
      %select_n3A_280 = arith.select %ne3A_269, %mul3A_277, %broadcast_in_dim3A_279 : vector<16xi1>, vector<16xf32>
      %add3A_281 = arith.addf %scan3A_261, %select_n3A_280 : vector<16xf32>
      %jit3A_282 = arith.constant 1.000000e+00 : f32
      %jit3A_283 = arith.constant 0.000000e+00 : f32
      %broadcast_in_dim3A_284 = vector.broadcast %jit3A_282 : f32 to vector<16xf32>
      %broadcast_in_dim3A_285 = vector.broadcast %jit3A_283 : f32 to vector<16xf32>
      %select_n3A_286 = arith.select %ne3A_269, %broadcast_in_dim3A_284, %broadcast_in_dim3A_285 : vector<16xi1>, vector<16xf32>
      %add3A_287 = arith.addf %scan3A_262, %select_n3A_286 : vector<16xf32>
      %scan3A_288 = arith.constant 1 : i32
      %scan3A_289 = arith.addi %scan3A_260, %scan3A_288 : i32
      %mul3A_290 = arith.constant 16 : i32
      %mul3A_291 = arith.muli %scan3A_289, %mul3A_290 : i32
      %add3A_292 = arith.constant 1920 : i32
      %add3A_293 = arith.addi %add3A_292, %mul3A_291 : i32
      %get3A_294 = arith.index_cast %add3A_293 : i32 to index
      %get3A_295 = tpu.vector_load %arg6[%get3A_294] {strides = array<i32>} : memref<2048xi32, #tpu.memory_space<vmem>>, vector<16xi32>,
      %ne3A_296 = arith.constant -1 : i32
      %ne3A_297 = vector.broadcast %ne3A_296 : i32 to vector<16xi32>
      %ne3A_298 = arith.cmpi ne, %get3A_295, %ne3A_297 : vector<16xi32>
      %jit3A_299 = arith.constant 0 : i32
      %broadcast_in_dim3A_300 = vector.broadcast %jit3A_299 : i32 to vector<16xi32>
      %select_n3A_301 = arith.select %ne3A_298, %get3A_295, %broadcast_in_dim3A_300 : vector<16xi1>, vector<16xi32>
      %mul3A_302 = arith.constant 16 : i32
      %mul3A_303 = arith.muli %scan3A_289, %mul3A_302 : i32
      %add3A_304 = vector.broadcast %mul3A_303 : i32 to vector<16xi32>
      %add3A_305 = arith.addi %add3A_304, %iota3A : vector<16xi32>
      %gather3A_306 = tpu.vector_load_idx %arg8[%add3A_305, %select_n3A_301] : memref<128x190xf32, #tpu.memory_space<vmem>>[vector<16xi32>, vector<16xi32>], vector<16xf32>,
      %sub3A_307 = arith.constant 1.000000e+00 : f32
      %sub3A_308 = vector.broadcast %sub3A_307 : f32 to vector<16xf32>
      %sub3A_309 = arith.subf %sub3A_308, %gather3A_306 : vector<16xf32>
      %mul3A_310 = arith.mulf %sub3A_309, %sub3A_309 : vector<16xf32>
      %jit3A_311 = arith.constant 0.000000e+00 : f32
      %broadcast_in_dim3A_312 = vector.broadcast %jit3A_311 : f32 to vector<16xf32>
      %select_n3A_313 = arith.select %ne3A_298, %mul3A_310, %broadcast_in_dim3A_312 : vector<16xi1>, vector<16xf32>
      %add3A_314 = arith.addf %add3A_281, %select_n3A_313 : vector<16xf32>
      %jit3A_315 = arith.constant 1.000000e+00 : f32
      %jit3A_316 = arith.constant 0.000000e+00 : f32
      %broadcast_in_dim3A_317 = vector.broadcast %jit3A_315 : f32 to vector<16xf32>
      %broadcast_in_dim3A_318 = vector.broadcast %jit3A_316 : f32 to vector<16xf32>
      %select_n3A_319 = arith.select %ne3A_298, %broadcast_in_dim3A_317, %broadcast_in_dim3A_318 : vector<16xi1>, vector<16xf32>
      %add3A_320 = arith.addf %add3A_287, %select_n3A_319 : vector<16xf32>
      %scan3A_321 = arith.constant 2 : i32
      %scan3A_322 = arith.addi %scan3A_260, %scan3A_321 : i32
      %mul3A_323 = arith.constant 16 : i32
      %mul3A_324 = arith.muli %scan3A_322, %mul3A_323 : i32
      %add3A_325 = arith.constant 1920 : i32
      %add3A_326 = arith.addi %add3A_325, %mul3A_324 : i32
      %get3A_327 = arith.index_cast %add3A_326 : i32 to index
      %get3A_328 = tpu.vector_load %arg6[%get3A_327] {strides = array<i32>} : memref<2048xi32, #tpu.memory_space<vmem>>, vector<16xi32>,
      %ne3A_329 = arith.constant -1 : i32
      %ne3A_330 = vector.broadcast %ne3A_329 : i32 to vector<16xi32>
      %ne3A_331 = arith.cmpi ne, %get3A_328, %ne3A_330 : vector<16xi32>
      %jit3A_332 = arith.constant 0 : i32
      %broadcast_in_dim3A_333 = vector.broadcast %jit3A_332 : i32 to vector<16xi32>
      %select_n3A_334 = arith.select %ne3A_331, %get3A_328, %broadcast_in_dim3A_333 : vector<16xi1>, vector<16xi32>
      %mul3A_335 = arith.constant 16 : i32
      %mul3A_336 = arith.muli %scan3A_322, %mul3A_335 : i32
      %add3A_337 = vector.broadcast %mul3A_336 : i32 to vector<16xi32>
      %add3A_338 = arith.addi %add3A_337, %iota3A : vector<16xi32>
      %gather3A_339 = tpu.vector_load_idx %arg8[%add3A_338, %select_n3A_334] : memref<128x190xf32, #tpu.memory_space<vmem>>[vector<16xi32>, vector<16xi32>], vector<16xf32>,
      %sub3A_340 = arith.constant 1.000000e+00 : f32
      %sub3A_341 = vector.broadcast %sub3A_340 : f32 to vector<16xf32>
      %sub3A_342 = arith.subf %sub3A_341, %gather3A_339 : vector<16xf32>
      %mul3A_343 = arith.mulf %sub3A_342, %sub3A_342 : vector<16xf32>
      %jit3A_344 = arith.constant 0.000000e+00 : f32
      %broadcast_in_dim3A_345 = vector.broadcast %jit3A_344 : f32 to vector<16xf32>
      %select_n3A_346 = arith.select %ne3A_331, %mul3A_343, %broadcast_in_dim3A_345 : vector<16xi1>, vector<16xf32>
      %add3A_347 = arith.addf %add3A_314, %select_n3A_346 : vector<16xf32>
      %jit3A_348 = arith.constant 1.000000e+00 : f32
      %jit3A_349 = arith.constant 0.000000e+00 : f32
      %broadcast_in_dim3A_350 = vector.broadcast %jit3A_348 : f32 to vector<16xf32>
      %broadcast_in_dim3A_351 = vector.broadcast %jit3A_349 : f32 to vector<16xf32>
      %select_n3A_352 = arith.select %ne3A_331, %broadcast_in_dim3A_350, %broadcast_in_dim3A_351 : vector<16xi1>, vector<16xf32>
      %add3A_353 = arith.addf %add3A_320, %select_n3A_352 : vector<16xf32>
      %scan3A_354 = arith.constant 3 : i32
      %scan3A_355 = arith.addi %scan3A_260, %scan3A_354 : i32
      %mul3A_356 = arith.constant 16 : i32
      %mul3A_357 = arith.muli %scan3A_355, %mul3A_356 : i32
      %add3A_358 = arith.constant 1920 : i32
      %add3A_359 = arith.addi %add3A_358, %mul3A_357 : i32
      %get3A_360 = arith.index_cast %add3A_359 : i32 to index
      %get3A_361 = tpu.vector_load %arg6[%get3A_360] {strides = array<i32>} : memref<2048xi32, #tpu.memory_space<vmem>>, vector<16xi32>,
      %ne3A_362 = arith.constant -1 : i32
      %ne3A_363 = vector.broadcast %ne3A_362 : i32 to vector<16xi32>
      %ne3A_364 = arith.cmpi ne, %get3A_361, %ne3A_363 : vector<16xi32>
      %jit3A_365 = arith.constant 0 : i32
      %broadcast_in_dim3A_366 = vector.broadcast %jit3A_365 : i32 to vector<16xi32>
      %select_n3A_367 = arith.select %ne3A_364, %get3A_361, %broadcast_in_dim3A_366 : vector<16xi1>, vector<16xi32>
      %mul3A_368 = arith.constant 16 : i32
      %mul3A_369 = arith.muli %scan3A_355, %mul3A_368 : i32
      %add3A_370 = vector.broadcast %mul3A_369 : i32 to vector<16xi32>
      %add3A_371 = arith.addi %add3A_370, %iota3A : vector<16xi32>
      %gather3A_372 = tpu.vector_load_idx %arg8[%add3A_371, %select_n3A_367] : memref<128x190xf32, #tpu.memory_space<vmem>>[vector<16xi32>, vector<16xi32>], vector<16xf32>,
      %sub3A_373 = arith.constant 1.000000e+00 : f32
      %sub3A_374 = vector.broadcast %sub3A_373 : f32 to vector<16xf32>
      %sub3A_375 = arith.subf %sub3A_374, %gather3A_372 : vector<16xf32>
      %mul3A_376 = arith.mulf %sub3A_375, %sub3A_375 : vector<16xf32>
      %jit3A_377 = arith.constant 0.000000e+00 : f32
      %broadcast_in_dim3A_378 = vector.broadcast %jit3A_377 : f32 to vector<16xf32>
      %select_n3A_379 = arith.select %ne3A_364, %mul3A_376, %broadcast_in_dim3A_378 : vector<16xi1>, vector<16xf32>
      %add3A_380 = arith.addf %add3A_347, %select_n3A_379 : vector<16xf32>
      %jit3A_381 = arith.constant 1.000000e+00 : f32
      %jit3A_382 = arith.constant 0.000000e+00 : f32
      %broadcast_in_dim3A_383 = vector.broadcast %jit3A_381 : f32 to vector<16xf32>
      %broadcast_in_dim3A_384 = vector.broadcast %jit3A_382 : f32 to vector<16xf32>
      %select_n3A_385 = arith.select %ne3A_364, %broadcast_in_dim3A_383, %broadcast_in_dim3A_384 : vector<16xi1>, vector<16xf32>
      %add3A_386 = arith.addf %add3A_353, %select_n3A_385 : vector<16xf32>
      scf.yield %add3A_380, %add3A_386 : vector<16xf32>, vector<16xf32>
    }
    %scan3A_256 = arith.constant 8 : i32
    %swap3A = arith.constant 0 : index
    %swap3A_257 = tpu.vector_load %arg9[%swap3A] {strides = array<i32>} : memref<16xf32, #tpu.memory_space<vmem>>, vector<16xf32>,
    tpu.vector_store %arg9[%swap3A], %scan3A_255#0 {strides = array<i32>} : memref<16xf32, #tpu.memory_space<vmem>>, vector<16xf32>,
    %swap3A_258 = arith.constant 0 : index
    %swap3A_259 = tpu.vector_load %arg10[%swap3A_258] {strides = array<i32>} : memref<16xf32, #tpu.memory_space<vmem>>, vector<16xf32>,
    tpu.vector_store %arg10[%swap3A_258], %scan3A_255#1 {strides = array<i32>} : memref<16xf32, #tpu.memory_space<vmem>>, vector<16xf32>,
    "tpu.region"() ({
      %run_scoped3A = tpu.sem_alloc : memref<!tpu.dma_semaphore, #tpu.memory_space<semaphore_mem>>
      %dma_start3A_260 = arith.constant 0 : i32
      %dma_start3A_261 = tpu.memref_slice %arg4[%add3A, %dma_start3A_260] : memref<32x16xf32, #tpu.memory_space<hbm>> -> memref<1x16xf32, #tpu.memory_space<hbm>>
      %dma_start3A_262 = tpu.memref_squeeze %dma_start3A_261 : memref<1x16xf32, #tpu.memory_space<hbm>> -> memref<16xf32, #tpu.memory_space<hbm>>
      %dma_start3A_263 = arith.constant 0 : i32
      %dma_start3A_264 = tpu.memref_slice %arg4[%add3A, %dma_start3A_263] : memref<32x16xf32, #tpu.memory_space<hbm>> -> memref<1x16xf32, #tpu.memory_space<hbm>>
      %dma_start3A_265 = tpu.memref_squeeze %dma_start3A_264 : memref<1x16xf32, #tpu.memory_space<hbm>> -> memref<16xf32, #tpu.memory_space<hbm>>
      tpu.enqueue_dma source(%arg9 : memref<16xf32, #tpu.memory_space<vmem>>) target(%dma_start3A_265 : memref<16xf32, #tpu.memory_space<hbm>>) target_semaphore(%run_scoped3A : memref<!tpu.dma_semaphore, #tpu.memory_space<semaphore_mem>>)
      %dma_wait3A_266 = arith.constant 0 : i32
      %dma_wait3A_267 = tpu.memref_slice %arg4[%add3A, %dma_wait3A_266] : memref<32x16xf32, #tpu.memory_space<hbm>> -> memref<1x16xf32, #tpu.memory_space<hbm>>
      %dma_wait3A_268 = tpu.memref_squeeze %dma_wait3A_267 : memref<1x16xf32, #tpu.memory_space<hbm>> -> memref<16xf32, #tpu.memory_space<hbm>>
      %dma_wait3A_269 = arith.constant 0 : i32
      %dma_wait3A_270 = tpu.memref_slice %arg4[%add3A, %dma_wait3A_269] : memref<32x16xf32, #tpu.memory_space<hbm>> -> memref<1x16xf32, #tpu.memory_space<hbm>>
      %dma_wait3A_271 = tpu.memref_squeeze %dma_wait3A_270 : memref<1x16xf32, #tpu.memory_space<hbm>> -> memref<16xf32, #tpu.memory_space<hbm>>
      tpu.wait_dma2 semaphore(%run_scoped3A : memref<!tpu.dma_semaphore, #tpu.memory_space<semaphore_mem>>) src(%arg9 : memref<16xf32, #tpu.memory_space<vmem>>) dst(%dma_wait3A_271 : memref<16xf32, #tpu.memory_space<hbm>>)
      tpu.yield
    }) : () -> ()
    "tpu.region"() ({
      %run_scoped3A = tpu.sem_alloc : memref<!tpu.dma_semaphore, #tpu.memory_space<semaphore_mem>>
      %dma_start3A_260 = arith.constant 0 : i32
      %dma_start3A_261 = tpu.memref_slice %arg5[%add3A, %dma_start3A_260] : memref<32x16xf32, #tpu.memory_space<hbm>> -> memref<1x16xf32, #tpu.memory_space<hbm>>
      %dma_start3A_262 = tpu.memref_squeeze %dma_start3A_261 : memref<1x16xf32, #tpu.memory_space<hbm>> -> memref<16xf32, #tpu.memory_space<hbm>>
      %dma_start3A_263 = arith.constant 0 : i32
      %dma_start3A_264 = tpu.memref_slice %arg5[%add3A, %dma_start3A_263] : memref<32x16xf32, #tpu.memory_space<hbm>> -> memref<1x16xf32, #tpu.memory_space<hbm>>
      %dma_start3A_265 = tpu.memref_squeeze %dma_start3A_264 : memref<1x16xf32, #tpu.memory_space<hbm>> -> memref<16xf32, #tpu.memory_space<hbm>>
      tpu.enqueue_dma source(%arg10 : memref<16xf32, #tpu.memory_space<vmem>>) target(%dma_start3A_265 : memref<16xf32, #tpu.memory_space<hbm>>) target_semaphore(%run_scoped3A : memref<!tpu.dma_semaphore, #tpu.memory_space<semaphore_mem>>)
      %dma_wait3A_266 = arith.constant 0 : i32
      %dma_wait3A_267 = tpu.memref_slice %arg5[%add3A, %dma_wait3A_266] : memref<32x16xf32, #tpu.memory_space<hbm>> -> memref<1x16xf32, #tpu.memory_space<hbm>>
      %dma_wait3A_268 = tpu.memref_squeeze %dma_wait3A_267 : memref<1x16xf32, #tpu.memory_space<hbm>> -> memref<16xf32, #tpu.memory_space<hbm>>
      %dma_wait3A_269 = arith.constant 0 : i32
      %dma_wait3A_270 = tpu.memref_slice %arg5[%add3A, %dma_wait3A_269] : memref<32x16xf32, #tpu.memory_space<hbm>> -> memref<1x16xf32, #tpu.memory_space<hbm>>
      %dma_wait3A_271 = tpu.memref_squeeze %dma_wait3A_270 : memref<1x16xf32, #tpu.memory_space<hbm>> -> memref<16xf32, #tpu.memory_space<hbm>>
      tpu.wait_dma2 semaphore(%run_scoped3A : memref<!tpu.dma_semaphore, #tpu.memory_space<semaphore_mem>>) src(%arg10 : memref<16xf32, #tpu.memory_space<vmem>>) dst(%dma_wait3A_271 : memref<16xf32, #tpu.memory_space<hbm>>)
      tpu.yield
    }) : () -> ()
    return
  }
}

module attributes {stable_mosaic.version = 14 : i64} {
  func.func @_tc_body(%arg0: i32, %arg1: memref<1x1x8192xi32, #tpu.memory_space<vmem>>, %arg2: memref<8192x190xf32, #tpu.memory_space<vmem>>, %arg3: memref<1x1x128xf32, #tpu.memory_space<vmem>>) attributes {dimension_semantics = [#tpu.dimension_semantics<arbitrary>], iteration_bounds = array<i64: 8>, scalar_prefetch = 0 : i64, scratch_operands = 0 : i64, tpu.core_type = #tpu.core_type<tc>, window_params = [{transform_indices = @transform_0, window_bounds = array<i64: 1, 1, 8192>}, {transform_indices = @transform_1, window_bounds = array<i64: 8192, 190>}, {transform_indices = @transform_2, window_bounds = array<i64: 1, 1, 128>}]} {
    %get3A = arith.constant 0 : index
    %get3A_0 = arith.constant 0 : index
    %get3A_1 = vector.load %arg2[%get3A, %get3A_0] : memref<8192x190xf32, #tpu.memory_space<vmem>>, vector<8192x190xf32>
    %get3A_2 = arith.constant 0 : index
    %get3A_3 = arith.constant 0 : index
    %get3A_4 = arith.constant 0 : index
    %get3A_5 = vector.load %arg1[%get3A_2, %get3A_3, %get3A_4] : memref<1x1x8192xi32, #tpu.memory_space<vmem>>, vector<1x1x8192xi32>
    %get3A_6 = vector.shape_cast %get3A_5 : vector<1x1x8192xi32> to vector<8192xi32>
    %reshape3A = vector.shape_cast %get3A_6 : vector<8192xi32> to vector<8192x1xi32>
    %iota3A = tpu.iota {dimensions = array<i32: 1>} : vector<8192x190xi32>
    %eq3A = vector.broadcast %reshape3A : vector<8192x1xi32> to vector<8192x190xi32>
    %eq3A_7 = arith.cmpi eq, %iota3A, %eq3A : vector<8192x190xi32>
    %sub3A = arith.constant 1.000000e+00 : f32
    %sub3A_8 = vector.broadcast %sub3A : f32 to vector<8192x190xf32>
    %sub3A_9 = arith.subf %sub3A_8, %get3A_1 : vector<8192x190xf32>
    %mul3A = arith.mulf %sub3A_9, %sub3A_9 : vector<8192x190xf32>
    %jit3A = arith.constant 0.000000e+00 : f32
    %broadcast_in_dim3A = vector.broadcast %jit3A : f32 to vector<8192x190xf32>
    %select_n3A = arith.select %eq3A_7, %mul3A, %broadcast_in_dim3A : vector<8192x190xi1>, vector<8192x190xf32>
    %reduce_sum3A = vector.shape_cast %select_n3A : vector<8192x190xf32> to vector<1x8192x190xf32>
    %reduce_sum3A_10 = arith.constant dense<0.000000e+00> : vector<1xf32>
    %reduce_sum3A_11 = vector.multi_reduction <add>, %reduce_sum3A, %reduce_sum3A_10 [1, 2] : vector<1x8192x190xf32> to vector<1xf32>
    %reduce_sum3A_12 = vector.shape_cast %reduce_sum3A_11 : vector<1xf32> to vector<1x1x1xf32>
    %reduce_sum3A_13 = vector.extract %reduce_sum3A_12[0, 0, 0] : f32 from vector<1x1x1xf32>
    %get3A_14 = arith.constant 0 : index
    %get3A_15 = arith.constant 0 : index
    %get3A_16 = arith.constant 0 : index
    %get3A_17 = vector.load %arg1[%get3A_14, %get3A_15, %get3A_16] : memref<1x1x8192xi32, #tpu.memory_space<vmem>>, vector<1x1x8192xi32>
    %ne3A = arith.constant -1 : i32
    %ne3A_18 = vector.broadcast %ne3A : i32 to vector<1x1x8192xi32>
    %ne3A_19 = arith.cmpi ne, %get3A_17, %ne3A_18 : vector<1x1x8192xi32>
    %convert_element_type3A = arith.extui %ne3A_19 : vector<1x1x8192xi1> to vector<1x1x8192xi32>
    %convert_element_type3A_20 = arith.sitofp %convert_element_type3A : vector<1x1x8192xi32> to vector<1x1x8192xf32>
    %reduce_sum3A_21 = vector.shape_cast %convert_element_type3A_20 : vector<1x1x8192xf32> to vector<1x1x1x8192xf32>
    %reduce_sum3A_22 = arith.constant dense<0.000000e+00> : vector<1xf32>
    %reduce_sum3A_23 = vector.multi_reduction <add>, %reduce_sum3A_21, %reduce_sum3A_22 [1, 2, 3] : vector<1x1x1x8192xf32> to vector<1xf32>
    %reduce_sum3A_24 = vector.shape_cast %reduce_sum3A_23 : vector<1xf32> to vector<1x1x1x1xf32>
    %reduce_sum3A_25 = vector.extract %reduce_sum3A_24[0, 0, 0, 0] : f32 from vector<1x1x1x1xf32>
    %iota3A_26 = tpu.iota {dimensions = array<i32: 2>} : vector<1x1x128xi32>
    %eq3A_27 = arith.constant 0 : i32
    %eq3A_28 = vector.broadcast %eq3A_27 : i32 to vector<1x1x128xi32>
    %eq3A_29 = arith.cmpi eq, %iota3A_26, %eq3A_28 : vector<1x1x128xi32>
    %eq3A_30 = arith.constant 1 : i32
    %eq3A_31 = vector.broadcast %eq3A_30 : i32 to vector<1x1x128xi32>
    %eq3A_32 = arith.cmpi eq, %iota3A_26, %eq3A_31 : vector<1x1x128xi32>
    %jit3A_33 = arith.constant 0.000000e+00 : f32
    %broadcast_in_dim3A_34 = vector.broadcast %reduce_sum3A_25 : f32 to vector<1x1x128xf32>
    %broadcast_in_dim3A_35 = vector.broadcast %jit3A_33 : f32 to vector<1x1x128xf32>
    %select_n3A_36 = arith.select %eq3A_32, %broadcast_in_dim3A_34, %broadcast_in_dim3A_35 : vector<1x1x128xi1>, vector<1x1x128xf32>
    %broadcast_in_dim3A_37 = vector.broadcast %reduce_sum3A_13 : f32 to vector<1x1x128xf32>
    %select_n3A_38 = arith.select %eq3A_29, %broadcast_in_dim3A_37, %select_n3A_36 : vector<1x1x128xi1>, vector<1x1x128xf32>
    %swap3A = arith.constant 0 : index
    %swap3A_39 = arith.constant 0 : index
    %swap3A_40 = arith.constant 0 : index
    %swap3A_41 = vector.load %arg3[%swap3A, %swap3A_39, %swap3A_40] : memref<1x1x128xf32, #tpu.memory_space<vmem>>, vector<1x1x128xf32>
    tpu.vector_store %arg3[%swap3A, %swap3A_39, %swap3A_40], %select_n3A_38 {strides = array<i32>} : memref<1x1x128xf32, #tpu.memory_space<vmem>>, vector<1x1x128xf32>,
    return
  }
  func.func @transform_0(%arg0: i32) -> (i32, i32, i32) {
    %add3A = arith.constant 8 : i32
    %add3A_0 = arith.addi %arg0, %add3A : i32
    %c0_i32 = arith.constant 0 : i32
    %c0_i32_1 = arith.constant 0 : i32
    %c0_i32_2 = arith.constant 0 : i32
    return %add3A_0, %c0_i32, %c0_i32_1 : i32, i32, i32
  }
  func.func @transform_1(%arg0: i32) -> (i32, i32) {
    %add3A = arith.constant 8 : i32
    %add3A_0 = arith.addi %arg0, %add3A : i32
    %c0_i32 = arith.constant 0 : i32
    %c0_i32_1 = arith.constant 0 : i32
    return %add3A_0, %c0_i32 : i32, i32
  }
  func.func @transform_2(%arg0: i32) -> (i32, i32, i32) {
    %c0_i32 = arith.constant 0 : i32
    %c0_i32_0 = arith.constant 0 : i32
    %c0_i32_1 = arith.constant 0 : i32
    return %arg0, %c0_i32, %c0_i32_0 : i32, i32, i32
  }
}

</mosaic_0001>

<sc_bundles>
// kernel: _ppd_loss.4.cloned.1.call-start
scs
__scs_entry_jumppad:
0x0: {  	(pc) =	sbr.rel $0x88, $3  }
0x1: {  	(tag) =	ssettag $0x0;
	lr =	simm.s32 $0x1  }
0x2: {  	[smem:$0x3F9F] =	sst lr;
	_ =	strace $0xD0000000  }
0x3: {  	_ = 	snop  }
0x4: {  	_ = 	snop  }
0x5: {  	_ = 	snop  }
0x6: {  	_ = 	snop  }
0x7: {  	_ = 	snop  }
__scs_overlays_trampoline_lowered:
0x8: {  	[smem:$0x3FAE] =	sst s0  }
0x9: {  	[smem:$0x3FAF] =	sst s1  }
0xa: {  	[smem:$0x3FB0] =	sst s2  }
0xb: {  	[smem:$0x3FB1] =	sst s3  }
0xc: {  	[smem:$0x3FB2] =	sst s4  }
0xd: {  	[smem:$0x3FB3] =	sst s5  }
0xe: {  	[smem:$0x3FB4] =	sst s6  }
0xf: {  	[smem:$0x3FB5] =	sst s7  }
0x10: {  	[smem:$0x3FB6] =	sst s8  }
0x11: {  	[smem:$0x3FB7] =	sst s9;
	s0 =	simm.s32 @!p0 $0x0  }
0x12: {  	s1 =	sld [smem:$0x3F9D];
	s0 =	simm.s32 @p0 $0x1  }
0x13: {  	[smem:$0x3FB8] =	sst s0;
	s0 =	simm.s32 @!p1 $0x0  }
0x14: {  	s2 =	sld [smem:$0x3F9C];
	s0 =	simm.s32 @p1 $0x1  }
0x15: {  	[smem:$0x3FB9] =	sst s0;
	s0 =	simm.s32 @!p2 $0x0  }
0x16: {  	s3 =	sld [smem:$0x3FDB];
	s0 =	simm.s32 @p2 $0x1  }
0x17: {  	s4 =	simm.s32 $0x1BF5;
	[smem:$0x3FBB] =	sst s0  }
0x18: {  	s0 =	sld [smem:$0x3F9E];
	_ =	swait.ge [sflag:s4], $0x0  }
0x19: {  	s7 =	sld [smem:$0x3F9F]  }
0x1a: {  	s8 =	sadd.s32 $0xFFFFE003, lr  }
0x1b: {  	s9 =	sadd.s32 $0xFFFFFEF7, lr;
	s5 =	simm.s32 $0xFFFFFFFF;
	p2 =	slt.u32 s8, $0xFFFFF086  }
0x1c: {  	p1 =	slt.u32 s9, $0xF7A;
	s5 =	simm.s32 @!p2 $0x0  }
0x1d: {  	s5 =	simm.s32 @p1 $0x1;
	p0 =	seq.s32 s7, s2  }
0x1e: {  	s7 =	smul.u32 @!p0 $0xF7A, s2;
	p2 =	seq.s32 @!p0 s5, $0x0  }
0x1f: {  	s9 =	smul.u32 $0xF7A, s1;
	s8 =	simm.s32 @!p0 $0x1BF5;
	p2 =	por !p2, p0  }
0x20: {  	[sflag:s8] =	ssyncset.s32 @!p0 $0xFFFFF086;
	s6 =	sadd.s32 @!p0 s3, s7;
	s7 =	simm.s32 @!p0 $0x108  }
0x21: {  	s3 =	sadd.s32 s3, s9;
	s6 =	sadd.s32 @!p0 $0x88, s6;
	s7 =	simm.s32 @p2 $0x1082  }
0x22: {  	[simem:s7], [sflag:s8] =	dma.local @!p0 [hbm:s6], $0xF7A  }
0x23: {  	s9 =	sor.u32 $0xD0000000, s2;
	s6 =	simm.s32 $0x108;
	_ =	swait.ge @!p0 [sflag:s8], $0x0  }
0x24: {  	s3 =	sadd.s32 $0x88, s3;
	s6 =	simm.s32 @!p1 $0x1082;
	[sflag:s4] =	ssyncset.s32 $0xFFFFF086  }
0x25: {  	[simem:s6], [sflag:s4] =	dma.local [hbm:s3], $0xF7A  }
0x26: {  	[smem:$0x3F9F] =	sst s1;
	(tag) =	ssettag s2;
	_ =	strace s9  }
0x27: {  	s1 =	sld [smem:$0x3FAF]  }
0x28: {  	s2 =	sld [smem:$0x3FB0]  }
0x29: {  	s4 =	sld [smem:$0x3FB2]  }
0x2a: {  	p0 =	seq.s32 s5, $0x0;
	s5 =	sld [smem:$0x3FB3]  }
0x2b: {  	s6 =	sld [smem:$0x3FB4]  }
0x2c: {  	s7 =	sld [smem:$0x3FB5]  }
0x2d: {  	s3 =	simm.s32 $0x108;
	s8 =	sld [smem:$0x3FB6]  }
0x2e: {  	s3 =	simm.s32 @!p0 $0x1082;
	s9 =	sld [smem:$0x3FB7]  }
0x2f: {  	lr =	sadd.s32 s0, s3;
	s0 =	sld [smem:$0x3FAE]  }
0x30: {  	s3 =	sld [smem:$0x3FB1]  }
0x31: {  	[smem:$0x3FBA] =	sst s10  }
0x32: {  	s10 =	sld [smem:$0x3FB8];
	_ =	sdelay $0x3  }
0x33: {  	p0 =	seq.s32 s10, $0x1;
	s10 =	sld [smem:$0x3FBA];
	_ =	sdelay $0x3  }
0x34: {  	[smem:$0x3FBA] =	sst s10  }
0x35: {  	s10 =	sld [smem:$0x3FB9];
	_ =	sdelay $0x3  }
0x36: {  	p1 =	seq.s32 s10, $0x1;
	s10 =	sld [smem:$0x3FBA];
	_ =	sdelay $0x3  }
0x37: {  	[smem:$0x3FBA] =	sst s10  }
0x38: {  	s10 =	sld [smem:$0x3FBB]  }
0x39: {  	_ = 	snop;
	(pc) =	sbr.ind lr, $3  }
0x3a: {  	_ = 	snop  }
0x3b: {  	_ = 	snop  }
0x3c: {  	p2 =	seq.s32 s10, $0x1;
	s10 =	sld [smem:$0x3FBA]  }
0x3d: {  	_ =	shalt  }
0x3e: {  	_ =	shalt  }
0x3f: {  	_ =	shalt  }
0x40: {  	_ =	shalt  }
0x41: {  	_ =	shalt  }
0x42: {  	_ =	shalt  }
0x43: {  	_ =	shalt  }
0x44: {  	_ =	shalt  }
0x45: {  	_ =	shalt  }
0x46: {  	_ =	shalt  }
0x47: {  	_ =	shalt  }
0x48: {  	_ =	shalt  }
0x49: {  	_ =	shalt  }
0x4a: {  	_ =	shalt  }
0x4b: {  	_ =	shalt  }
0x4c: {  	_ =	shalt  }
0x4d: {  	_ =	shalt  }
0x4e: {  	_ =	shalt  }
0x4f: {  	_ =	shalt  }
0x50: {  	_ =	shalt  }
0x51: {  	_ =	shalt  }
0x52: {  	_ =	shalt  }
0x53: {  	_ =	shalt  }
0x54: {  	_ =	shalt  }
0x55: {  	_ =	shalt  }
0x56: {  	_ =	shalt  }
0x57: {  	_ =	shalt  }
0x58: {  	_ =	shalt  }
0x59: {  	_ =	shalt  }
0x5a: {  	_ =	shalt  }
0x5b: {  	_ =	shalt  }
0x5c: {  	_ =	shalt  }
0x5d: {  	_ =	shalt  }
0x5e: {  	_ =	shalt  }
0x5f: {  	_ =	shalt  }
0x60: {  	_ =	shalt  }
0x61: {  	_ =	shalt  }
0x62: {  	_ =	shalt  }
0x63: {  	_ =	shalt  }
0x64: {  	_ =	shalt  }
0x65: {  	_ =	shalt  }
0x66: {  	_ =	shalt  }
0x67: {  	_ =	shalt  }
0x68: {  	_ =	shalt  }
0x69: {  	_ =	shalt  }
0x6a: {  	_ =	shalt  }
0x6b: {  	_ =	shalt  }
0x6c: {  	_ =	shalt  }
0x6d: {  	_ =	shalt  }
0x6e: {  	_ =	shalt  }
0x6f: {  	_ =	shalt  }
0x70: {  	_ =	shalt  }
0x71: {  	_ =	shalt  }
0x72: {  	_ =	shalt  }
0x73: {  	_ =	shalt  }
0x74: {  	_ =	shalt  }
0x75: {  	_ =	shalt  }
0x76: {  	_ =	shalt  }
0x77: {  	_ =	shalt  }
0x78: {  	_ =	shalt  }
0x79: {  	_ =	shalt  }
0x7a: {  	_ =	shalt  }
0x7b: {  	_ =	shalt  }
0x7c: {  	_ =	shalt  }
0x7d: {  	_ =	shalt  }
0x7e: {  	_ =	shalt  }
0x7f: {  	_ =	shalt  }
0x80: {  	_ =	shalt  }
0x81: {  	_ =	shalt  }
0x82: {  	_ =	shalt  }
0x83: {  	_ =	shalt  }
0x84: {  	_ =	shalt  }
0x85: {  	_ =	shalt  }
0x86: {  	_ =	shalt  }
0x87: {  	_ =	shalt  }
.Lfunc_end0:
.L_simem_size_0:
called_computation_lowered:
.L_overlay_start_0:
0x88: {  	s2 =	sld [smem:$0x3FD9]  }
0x89: {  	s3 =	sld [smem:$0x3FFE];
	_ =	sdelay $0x1  }
0x8a: {  	s1 =	srdreg.scid  }
0x8b: {  	s0 =	sand.u32 $0x1, s1  }
0x8c: {  	s17 =	sshll.u32 s0, $0xA;
	s2 =	sadd.s32 s3, s2  }
0x8d: {  	s2 =	sadd.s32 s2, s17  }
0x8e: {  	[smem:$0x3FC6] =	sst s2  }
0x8f: {  	_ = 	snop  }
0x90: {  	s2 =	sld [smem:$0x3FC8];
	(tm) =	ssettm $0x1  }
0x91: {  	s18 =	sld [smem:$0x3FFB];
	_ =	sdelay $0x3  }
0x92: {  	_ =	strace s18  }
0x93: {  	s3 =	sld [smem:$0x3FFC];
	_ =	sdelay $0x3  }
0x94: {  	_ =	strace s3  }
0x95: {  	s3 =	sld [smem:$0x3FFD];
	_ =	sdelay $0x3  }
0x96: {  	_ =	strace s3  }
0x97: {  	_ =	strace $0x8FFFFFFF  }
0x98: {  	s19 =	sld [smem:$0x3FDB];
	_ =	sdelay $0x1  }
0x99: {  	s4 =	simm.s32 $_scs_section_size  }
0x9a: {  	s5 =	simm.s32 $_size__tile_overlayer_lowered;
	s6 =	simm.s32 $_tile_overlayer_lowered  }
0x9b: {  	s22 =	simm.s32 $0x1BFF;
	s21 =	sshll.u32 s6, $0x1;
	s3 =	sadd.s32 s4, s19  }
0x9c: {  	s7 =	simm.s32 $0x0;
	s20 =	sshll.u32 s5, $0x1;
	s5 =	sadd.s32 s21, s3  }
0x9d: {  	[timem:s7], [sflag:s22] =	dma.local [hbm:s5], s20  }
0x9e: {  	_ =	swait.ge [sflag:s22], s20  }
0x9f: {  	s4 =	ssub.s32 $0x0, s20;
	[sflag:s22] =	ssyncset.done $0x0  }
0xa0: {  	[sflag:s22] =	ssyncadd.s32 s4;
	_ =	sdelay $0x1  }
0xa1: {  	s23 =	simm.s32 $0x1B8B  }
0xa2: {  	_ =	swait.ge [sflag:s23], $0x1  }
0xa3: {  	[sflag:s23] =	ssyncset.done $0x0  }
0xa4: {  	s25 =	simm.s32 $0x1B8E;
	s24 =	sld [smem:$0x3FFE];
	[sflag:s23] =	ssyncadd.s32 $0xFFFFFFFF  }
0xa5: {  	s26 =	simm.s32 $execute0_lowered;
	[smem:$0x3FD2] =	sst s25  }
0xa6: {  	s5 =	sshll.u32 s26, $0x1;
	_ =	strace $0x80000046;
	[dreg:$0x1] =	wrdreg $0xFFFFFFFF  }
0xa7: {  	s28 =	simm.s32 $_size_execute0_lowered;
	s3 =	sadd.s32 s3, s5;
	[dreg:$0x0] =	wrdreg $0x0  }
0xa8: {  	s5 =	sshll.u32 s28, $0x1;
	[dreg:$0x2] =	wrdreg s3  }
0xa9: {  	[dreg:$0x3] =	wrdreg s5  }
0xaa: {  	[dreg:$0x4] =	wrdreg $0xC0  }
0xab: {  	_ =	task [dreg:s7], $0x5FFFF  }
0xac: {  	[dreg:$0x1] =	wrdreg $0xFFFFFFFF  }
0xad: {  	[dreg:$0x0] =	wrdreg $0x60  }
0xae: {  	[dreg:$0x2] =	wrdreg s24  }
0xaf: {  	[dreg:$0x3] =	wrdreg s2  }
0xb0: {  	[dreg:$0x4] =	wrdreg $0x9  }
0xb1: {  	_ =	task.clear_ibuf [dreg:s7], $0x5FFFF;
	_ =	strace $0x90000046  }
0xb2: {  	s29 =	simm.s32 $0x9;
	_ =	strace $0x80000048  }
0xb3: {  	_ =	swait.ge [sflag:s29], $0x1  }
0xb4: {  	[sflag:s29] =	ssyncadd.s32 $0xFFFFFFFF  }
0xb5: {  	_ =	strace $0x90000048  }
0xb6: {  	_ =	sfence  }
0xb7: {  	s30 =	sld [smem:$0x0];
	_ =	sdelay $0x2  }
0xb8: {  	s31 =	sshll.u32 s1, $0xD;
	s1 =	sshrl.u32 s1, $0x2  }
0xb9: {  	s3 =	sand.u32 $0x4000, s31;
	s1 =	sadd.s32 s1, s30  }
0xba: {  	s0 =	sor.u32 s3, s0;
	s1 =	sshll.u32 s1, $0x11  }
0xbb: {  	s0 =	sor.u32 s1, s0  }
0xbc: {  	s0 =	sadd.s32 $0x8F2B, s0  }
0xbd: {  	[sflag:s0] =	ssyncadd.remote.s32 $0x1  }
0xbe: {  	_ =	sfence.sel $0xFFFF  }
0xbf: {  	[dreg:$0x0] =	wrdreg $0xFFFFFFFF;
	(pc) =	sbr.abs _section_cstart, $3  }
0xc0: {  	[dreg:$0x1] =	wrdreg $0xFFFFFFFF  }
0xc1: {  	_ =	task.clear_ibuf [dreg:s7], $0x2FFFF;
	_ =	strace $0x9FFFFFFF  }
0xc2: {  	(tm) =	ssettm $0x7FFFFFFF  }
0xc3: {  	_ =	shalt  }
tec
execute0_lowered:
.L_overlay_start_1:
0x0: {  	(tag) =	ssettag $0x1  }
0x1: {  	s0 =	rddreg [dreg:$0x0]  }
0x2: {  	s4 =	rddreg [dreg:$0x1]  }
0x3: {  	s3 =	srdreg.scid;
	s1 =	stileid.u32;
	s2 =	simm.s32 $0x0  }
0x4: {  	s23 =	simm.s32 $0x3;
	s24 =	simm.s32 $0x800;
	s25 =	simm.s32 $0x8800  }
0x5: {  	s26 =	simm.s32 $0x1;
	s28 =	simm.s32 $0x2;
	s30 =	simm.s32 $0x10880  }
0x6: {  	s31 =	simm.s32 $0x0;
	s3 =	sand.u32 $0x1, s3;
	s5 =	sshll.u32 s1, $0x1  }
0x7: {  	[smem:$0x7FF] =	sst s2;
	s5 =	sor.u32 s3, s5;
	s3 =	ssub.s32 $0x2, s3  }
0x8: {  	_ =	strace $0x80000047;
	s6 =	sshll.u32 s5, $0x4;
	s29 =	sshrl.u32 s3, $0x1  }
0x9: {  	s7 =	sshll.u32 s5, $0x10;
	s5 =	sshll.u32 s5, $0x8;
	s21 =	sadd.s32 s6, s0  }
0xa: {  	s22 =	ssub.s32 s3, s29;
	s3 =	sadd.s32 s0, s7;
	s4 =	sadd.s32 s4, s5  }
0xb: {  	s5 =	sadd.s32 $0x1000, s3;
	s6 =	sadd.s32 $0x2000, s3;
	s7 =	sadd.s32 $0x3000, s3  }
0xc: {  	s8 =	sadd.s32 $0x4000, s3;
	s9 =	sadd.s32 $0x5000, s3;
	s10 =	sadd.s32 $0x6000, s3  }
0xd: {  	s11 =	sadd.s32 $0x7000, s3;
	s12 =	sadd.s32 $0x8000, s3;
	s13 =	sadd.s32 $0x9000, s3  }
0xe: {  	v0 =	vlaneseq.u32;
	s14 =	sadd.s32 $0xA000, s3;
	s15 =	sadd.s32 $0xB000, s3;
	s16 =	sadd.s32 $0xC000, s3  }
0xf: {  	v1 =	vand.u32 $0x7, v0;
	s17 =	sadd.s32 $0xD000, s3;
	s18 =	sadd.s32 $0xE000, s3;
	s19 =	sadd.s32 $0xF000, s3  }
0x10: {  	v2 =	vimm.f32 $1.000000000e+00;
	v0 =	vmul.u32 $0x100, v0;
	v1 =	vmul.u32 $0x80, v1;
	s20 =	sadd.s32 $0x400000, s21;
	s21 =	sadd.s32 $0x400200, s21;
	s22 =	smax.u32 s22, $0x1  }
.LBB2_1:
0x11: {  	[tilespmem:s2], [sflag:$0x3] =	stream.linear.gather [hbm4b:s4+s2], $0x800, $0x38;
	[tilespmem:$0x10900] =	vst v63  }
0x12: {  	_ =	swait.ge [sflag:s23], $0x800  }
0x13: {  	[sflag:s23] =	ssyncset.done $0x0  }
0x14: {  	[sflag:s23] =	ssyncadd.s32 $0xFFFFF800  }
0x15: {  	[tilespmem:s24], [sflag:$0x1] =	stream.linear.gather [hbm4b:s3+s2], $0x8000, $0x38;
	[tilespmem:$0x10900] =	vst v63  }
0x16: {  	_ = 	snop  }
0x17: {  	[tilespmem:s25], [sflag:$0x2] =	stream.linear.gather [hbm4b:s5+s2], $0x8000, $0x38;
	[tilespmem:$0x10900] =	vst v63  }
0x18: {  	_ =	swait.ge [sflag:s26], $0x8000  }
0x19: {  	[sflag:s26] =	ssyncset.done $0x0  }
0x1a: {  	p0 =	por $0x1, $0x1;
	v3 =	vimm.f32 $0.0e+00;
	v4 =	vimm.f32 $0.0e+00;
	s0 =	simm.s32 $0x0;
	[sflag:s26] =	ssyncadd.s32 $0xFFFF8000  }
.LBB2_2:
0x1b: {  	v5 =	vld [tilespmem:s0+$0x0]  }
0x1c: {  	s1 =	sor.u32 $0x10, s0  }
0x1d: {  	s29 =	sor.u32 $0x20, s0;
	v7 =	vld [tilespmem:s1+$0x0]  }
0x1e: {  	v55 =	vld [tilespmem:s29+$0x0];
	v9 =	vmov s1;
	s1 =	sor.u32 $0x30, s0  }
0x1f: {  	v6 =	vmov s0;
	v10 =	vld [tilespmem:s1+$0x0]  }
0x20: {  	v6 =	vshll.u32 v6, $0x8;
	vm0 =	veq.s32 v5, $0xFFFFFFFF  }
0x21: {  	v11 =	vmov s29;
	v6 =	vor.u32 v0, v6;
	v5 =	vsel vm0, $0x0, v5  }
0x22: {  	v58 =	vmov s1;
	v6 =	vand.u32 $0x4800, v6;
	v8 =	vshll.u32 v5, $0x3  }
0x23: {  	vm1 =	veq.s32 v7, $0xFFFFFFFF;
	vm2 =	veq.s32 v55, $0xFFFFFFFF;
	v8 =	vand.u32 $0xFFFFFC00, v8  }
0x24: {  	v5 =	vand.u32 $0x7F, v5;
	vm3 =	veq.s32 v10, $0xFFFFFFFF;
	v6 =	vadd.s32 v6, v8  }
0x25: {  	v10 =	vsel vm3, $0x0, v10;
	v8 =	vsel vm2, $0x0, v55;
	v5 =	vor.u32 v5, v6  }
0x26: {  	v6 =	vsel vm1, $0x0, v7;
	v7 =	vshll.u32 v9, $0x8;
	v57 =	vand.u32 $0x7F, v8  }
0x27: {  	v56 =	vand.u32 $0x7F, v6;
	v7 =	vor.u32 v0, v7;
	v6 =	vshll.u32 v6, $0x3  }
0x28: {  	v8 =	vshll.u32 v8, $0x3;
	v7 =	vand.u32 $0x7FFFF800, v7;
	v6 =	vand.u32 $0xFFFFFC00, v6  }
0x29: {  	v5 =	vor.u32 v1, v5;
	v6 =	vadd.s32 v7, v6;
	v7 =	vshll.u32 v11, $0x8  }
0x2a: {  	v8 =	vand.u32 $0xFFFFFC00, v8;
	v6 =	vor.u32 v56, v6;
	v7 =	vor.u32 v0, v7  }
0x2b: {  	v11 =	vshll.u32 v58, $0x8;
	v6 =	vor.u32 v1, v6;
	v7 =	vand.u32 $0x7FFFF800, v7  }
0x2c: {  	v60 =	vshll.u32 v10, $0x3;
	v59 =	vor.u32 v0, v11;
	v7 =	vadd.s32 v7, v8  }
0x2d: {  	v61 =	vand.u32 $0xFFFFFC00, v60;
	v8 =	vand.u32 $0x7FFFF800, v59;
	v7 =	vor.u32 v57, v7  }
0x2e: {  	v62 =	vand.u32 $0x7F, v10;
	v8 =	vadd.s32 v8, v61;
	v7 =	vor.u32 v1, v7  }
0x2f: {  	v5 =	vld.idx.msk [tilespmem:v5+s24+$0x0], $0xffff;
	v8 =	vor.u32 v62, v8  }
0x30: {  	v8 =	vor.u32 v1, v8;
	v6 =	vld.idx.msk [tilespmem:v6+s24+$0x0], $0xffff;
	_ =	sdelay $0x2  }
0x31: {  	v7 =	vld.idx.msk [tilespmem:v7+s24+$0x0], $0xffff  }
0x32: {  	v5 =	vsub.f32 $1.000000000e+00, v5  }
0x33: {  	v8 =	vld.idx.msk [tilespmem:v8+s24+$0x0], $0xffff;
	v6 =	vsub.f32 $1.000000000e+00, v6  }
0x34: {  	v5 =	vmul.f32 v5, v5  }
0x35: {  	v6 =	vmul.f32 v6, v6  }
0x36: {  	v63 =	vsel vm0, $0x0, v2;
	v5 =	vsel vm0, $0x0, v5;
	v7 =	vsub.f32 $1.000000000e+00, v7  }
0x37: {  	v3 =	vadd.f32 v63, v3;
	v4 =	vadd.f32 v5, v4;
	v5 =	vsel vm1, $0x0, v6  }
0x38: {  	p1 =	por p0, p0;
	v6 =	vsel vm1, $0x0, v2;
	v8 =	vsub.f32 $1.000000000e+00, v8;
	v7 =	vmul.f32 v7, v7  }
.Ltmp0:
0x39: {  	v4 =	vadd.f32 v5, v4;
	v3 =	vadd.f32 v6, v3;
	(pc) =	sbr.rel @p1 .LBB2_2-.Ltmp0, $4  }
0x3a: {  	v6 =	vsel vm2, $0x0, v2;
	v5 =	vsel vm2, $0x0, v7;
	v7 =	vmul.f32 v8, v8  }
0x3b: {  	v3 =	vadd.f32 v6, v3;
	v4 =	vadd.f32 v5, v4  }
0x3c: {  	v6 =	vsel vm3, $0x0, v2;
	v5 =	vsel vm3, $0x0, v7  }
0x3d: {  	p0 =	por $0x0, $0x0;
	s0 =	simm.s32 $0x40;
	v3 =	vadd.f32 v6, v3;
	v4 =	vadd.f32 v5, v4  }
0x3e: {  	s0 =	simm.s32 $0x0  }
0x3f: {  	[tilespmem:s24], [sflag:$0x1] =	stream.linear.gather [hbm4b:s6+s0], $0x8000, $0x38;
	[tilespmem:$0x10900] =	vst v63  }
0x40: {  	_ =	swait.ge [sflag:s28], $0x8000  }
0x41: {  	[sflag:s28] =	ssyncset.done $0x0  }
0x42: {  	p0 =	por $0x1, $0x1;
	[sflag:s28] =	ssyncadd.s32 $0xFFFF8000  }
.LBB2_4:
0x43: {  	v5 =	vld [tilespmem:s0+$0x80]  }
0x44: {  	v7 =	vld [tilespmem:s0+$0x90]  }
0x45: {  	v56 =	vld [tilespmem:s0+$0xA0]  }
0x46: {  	v10 =	vld [tilespmem:s0+$0xB0]  }
0x47: {  	v6 =	vmov s0;
	s29 =	sor.u32 $0x20, s0  }
0x48: {  	v6 =	vshll.u32 v6, $0x8;
	v11 =	vmov s29;
	s29 =	sor.u32 $0x30, s0;
	vm0 =	veq.s32 v5, $0xFFFFFFFF  }
0x49: {  	v6 =	vor.u32 v0, v6;
	v58 =	vmov s29;
	v5 =	vsel vm0, $0x0, v5  }
0x4a: {  	v6 =	vand.u32 $0x4800, v6;
	vm1 =	veq.s32 v7, $0xFFFFFFFF;
	v8 =	vshll.u32 v5, $0x3  }
0x4b: {  	vm2 =	veq.s32 v56, $0xFFFFFFFF;
	vm3 =	veq.s32 v10, $0xFFFFFFFF;
	v8 =	vand.u32 $0xFFFFFC00, v8  }
0x4c: {  	s1 =	sor.u32 $0x10, s0;
	v7 =	vsel vm1, $0x0, v7;
	v5 =	vand.u32 $0x7F, v5;
	v6 =	vadd.s32 v6, v8  }
0x4d: {  	v10 =	vsel vm3, $0x0, v10;
	v5 =	vor.u32 v5, v6;
	v6 =	vmov s1  }
0x4e: {  	v9 =	vand.u32 $0x7F, v7;
	v7 =	vshll.u32 v7, $0x3;
	v6 =	vshll.u32 v6, $0x8  }
0x4f: {  	v7 =	vand.u32 $0xFFFFFC00, v7;
	v8 =	vsel vm2, $0x0, v56;
	v6 =	vor.u32 v0, v6  }
0x50: {  	v57 =	vand.u32 $0x7F, v8;
	v8 =	vshll.u32 v8, $0x3;
	v6 =	vand.u32 $0x7FFFF800, v6  }
0x51: {  	v5 =	vor.u32 v1, v5;
	v6 =	vadd.s32 v6, v7;
	v7 =	vshll.u32 v11, $0x8  }
0x52: {  	v8 =	vand.u32 $0xFFFFFC00, v8;
	v6 =	vor.u32 v9, v6;
	v7 =	vor.u32 v0, v7  }
0x53: {  	v11 =	vshll.u32 v58, $0x8;
	v6 =	vor.u32 v1, v6;
	v7 =	vand.u32 $0x7FFFF800, v7  }
0x54: {  	v60 =	vshll.u32 v10, $0x3;
	v59 =	vor.u32 v0, v11;
	v7 =	vadd.s32 v7, v8  }
0x55: {  	v61 =	vand.u32 $0xFFFFFC00, v60;
	v8 =	vand.u32 $0x7FFFF800, v59;
	v7 =	vor.u32 v57, v7  }
0x56: {  	v62 =	vand.u32 $0x7F, v10;
	v8 =	vadd.s32 v8, v61;
	v7 =	vor.u32 v1, v7  }
0x57: {  	v5 =	vld.idx.msk [tilespmem:v5+s25+$0x0], $0xffff;
	v8 =	vor.u32 v62, v8  }
0x58: {  	v8 =	vor.u32 v1, v8;
	v6 =	vld.idx.msk [tilespmem:v6+s25+$0x0], $0xffff;
	_ =	sdelay $0x2  }
0x59: {  	v7 =	vld.idx.msk [tilespmem:v7+s25+$0x0], $0xffff  }
0x5a: {  	v5 =	vsub.f32 $1.000000000e+00, v5  }
0x5b: {  	v8 =	vld.idx.msk [tilespmem:v8+s25+$0x0], $0xffff;
	v6 =	vsub.f32 $1.000000000e+00, v6  }
0x5c: {  	v5 =	vmul.f32 v5, v5  }
0x5d: {  	v6 =	vmul.f32 v6, v6  }
0x5e: {  	v63 =	vsel vm0, $0x0, v2;
	v5 =	vsel vm0, $0x0, v5;
	v7 =	vsub.f32 $1.000000000e+00, v7  }
0x5f: {  	v3 =	vadd.f32 v63, v3;
	v4 =	vadd.f32 v5, v4;
	v5 =	vsel vm1, $0x0, v6  }
0x60: {  	p1 =	por p0, p0;
	v6 =	vsel vm1, $0x0, v2;
	v8 =	vsub.f32 $1.000000000e+00, v8;
	v7 =	vmul.f32 v7, v7  }
.Ltmp1:
0x61: {  	v4 =	vadd.f32 v5, v4;
	v3 =	vadd.f32 v6, v3;
	(pc) =	sbr.rel @p1 .LBB2_4-.Ltmp1, $4  }
0x62: {  	v6 =	vsel vm2, $0x0, v2;
	v5 =	vsel vm2, $0x0, v7;
	v7 =	vmul.f32 v8, v8  }
0x63: {  	v3 =	vadd.f32 v6, v3;
	v4 =	vadd.f32 v5, v4  }
0x64: {  	v6 =	vsel vm3, $0x0, v2;
	v5 =	vsel vm3, $0x0, v7  }
0x65: {  	p0 =	por $0x0, $0x0;
	s0 =	simm.s32 $0x40;
	v3 =	vadd.f32 v6, v3;
	v4 =	vadd.f32 v5, v4  }
0x66: {  	s0 =	simm.s32 $0x0  }
0x67: {  	[tilespmem:s25], [sflag:$0x2] =	stream.linear.gather [hbm4b:s7+s0], $0x8000, $0x38;
	[tilespmem:$0x10900] =	vst v63  }
0x68: {  	_ =	swait.ge [sflag:s26], $0x8000  }
0x69: {  	[sflag:s26] =	ssyncset.done $0x0  }
0x6a: {  	p0 =	por $0x1, $0x1;
	[sflag:s26] =	ssyncadd.s32 $0xFFFF8000  }
.LBB2_6:
0x6b: {  	v5 =	vld [tilespmem:s0+$0x100]  }
0x6c: {  	v7 =	vld [tilespmem:s0+$0x110]  }
0x6d: {  	v56 =	vld [tilespmem:s0+$0x120]  }
0x6e: {  	v10 =	vld [tilespmem:s0+$0x130]  }
0x6f: {  	v6 =	vmov s0;
	s29 =	sor.u32 $0x20, s0  }
0x70: {  	v6 =	vshll.u32 v6, $0x8;
	v11 =	vmov s29;
	s29 =	sor.u32 $0x30, s0;
	vm0 =	veq.s32 v5, $0xFFFFFFFF  }
0x71: {  	v6 =	vor.u32 v0, v6;
	v58 =	vmov s29;
	v5 =	vsel vm0, $0x0, v5  }
0x72: {  	v6 =	vand.u32 $0x4800, v6;
	vm1 =	veq.s32 v7, $0xFFFFFFFF;
	v8 =	vshll.u32 v5, $0x3  }
0x73: {  	vm2 =	veq.s32 v56, $0xFFFFFFFF;
	vm3 =	veq.s32 v10, $0xFFFFFFFF;
	v8 =	vand.u32 $0xFFFFFC00, v8  }
0x74: {  	s1 =	sor.u32 $0x10, s0;
	v7 =	vsel vm1, $0x0, v7;
	v5 =	vand.u32 $0x7F, v5;
	v6 =	vadd.s32 v6, v8  }
0x75: {  	v10 =	vsel vm3, $0x0, v10;
	v5 =	vor.u32 v5, v6;
	v6 =	vmov s1  }
0x76: {  	v9 =	vand.u32 $0x7F, v7;
	v7 =	vshll.u32 v7, $0x3;
	v6 =	vshll.u32 v6, $0x8  }
0x77: {  	v7 =	vand.u32 $0xFFFFFC00, v7;
	v8 =	vsel vm2, $0x0, v56;
	v6 =	vor.u32 v0, v6  }
0x78: {  	v57 =	vand.u32 $0x7F, v8;
	v8 =	vshll.u32 v8, $0x3;
	v6 =	vand.u32 $0x7FFFF800, v6  }
0x79: {  	v5 =	vor.u32 v1, v5;
	v6 =	vadd.s32 v6, v7;
	v7 =	vshll.u32 v11, $0x8  }
0x7a: {  	v8 =	vand.u32 $0xFFFFFC00, v8;
	v6 =	vor.u32 v9, v6;
	v7 =	vor.u32 v0, v7  }
0x7b: {  	v11 =	vshll.u32 v58, $0x8;
	v6 =	vor.u32 v1, v6;
	v7 =	vand.u32 $0x7FFFF800, v7  }
0x7c: {  	v60 =	vshll.u32 v10, $0x3;
	v59 =	vor.u32 v0, v11;
	v7 =	vadd.s32 v7, v8  }
0x7d: {  	v61 =	vand.u32 $0xFFFFFC00, v60;
	v8 =	vand.u32 $0x7FFFF800, v59;
	v7 =	vor.u32 v57, v7  }
0x7e: {  	v62 =	vand.u32 $0x7F, v10;
	v8 =	vadd.s32 v8, v61;
	v7 =	vor.u32 v1, v7  }
0x7f: {  	v5 =	vld.idx.msk [tilespmem:v5+s24+$0x0], $0xffff;
	v8 =	vor.u32 v62, v8  }
0x80: {  	v8 =	vor.u32 v1, v8;
	v6 =	vld.idx.msk [tilespmem:v6+s24+$0x0], $0xffff;
	_ =	sdelay $0x2  }
0x81: {  	v7 =	vld.idx.msk [tilespmem:v7+s24+$0x0], $0xffff  }
0x82: {  	v5 =	vsub.f32 $1.000000000e+00, v5  }
0x83: {  	v8 =	vld.idx.msk [tilespmem:v8+s24+$0x0], $0xffff;
	v6 =	vsub.f32 $1.000000000e+00, v6  }
0x84: {  	v5 =	vmul.f32 v5, v5  }
0x85: {  	v6 =	vmul.f32 v6, v6  }
0x86: {  	v63 =	vsel vm0, $0x0, v2;
	v5 =	vsel vm0, $0x0, v5;
	v7 =	vsub.f32 $1.000000000e+00, v7  }
0x87: {  	v3 =	vadd.f32 v63, v3;
	v4 =	vadd.f32 v5, v4;
	v5 =	vsel vm1, $0x0, v6  }
0x88: {  	p1 =	por p0, p0;
	v6 =	vsel vm1, $0x0, v2;
	v8 =	vsub.f32 $1.000000000e+00, v8;
	v7 =	vmul.f32 v7, v7  }
.Ltmp2:
0x89: {  	v4 =	vadd.f32 v5, v4;
	v3 =	vadd.f32 v6, v3;
	(pc) =	sbr.rel @p1 .LBB2_6-.Ltmp2, $4  }
0x8a: {  	v6 =	vsel vm2, $0x0, v2;
	v5 =	vsel vm2, $0x0, v7;
	v7 =	vmul.f32 v8, v8  }
0x8b: {  	v3 =	vadd.f32 v6, v3;
	v4 =	vadd.f32 v5, v4  }
0x8c: {  	v6 =	vsel vm3, $0x0, v2;
	v5 =	vsel vm3, $0x0, v7  }
0x8d: {  	p0 =	por $0x0, $0x0;
	s0 =	simm.s32 $0x40;
	v3 =	vadd.f32 v6, v3;
	v4 =	vadd.f32 v5, v4  }
0x8e: {  	s0 =	simm.s32 $0x0  }
0x8f: {  	[tilespmem:s24], [sflag:$0x1] =	stream.linear.gather [hbm4b:s8+s0], $0x8000, $0x38;
	[tilespmem:$0x10900] =	vst v63  }
0x90: {  	_ =	swait.ge [sflag:s28], $0x8000  }
0x91: {  	[sflag:s28] =	ssyncset.done $0x0  }
0x92: {  	p0 =	por $0x1, $0x1;
	[sflag:s28] =	ssyncadd.s32 $0xFFFF8000  }
.LBB2_8:
0x93: {  	v5 =	vld [tilespmem:s0+$0x180]  }
0x94: {  	v7 =	vld [tilespmem:s0+$0x190]  }
0x95: {  	v56 =	vld [tilespmem:s0+$0x1A0]  }
0x96: {  	v10 =	vld [tilespmem:s0+$0x1B0]  }
0x97: {  	v6 =	vmov s0;
	s29 =	sor.u32 $0x20, s0  }
0x98: {  	v6 =	vshll.u32 v6, $0x8;
	v11 =	vmov s29;
	s29 =	sor.u32 $0x30, s0;
	vm0 =	veq.s32 v5, $0xFFFFFFFF  }
0x99: {  	v6 =	vor.u32 v0, v6;
	v58 =	vmov s29;
	v5 =	vsel vm0, $0x0, v5  }
0x9a: {  	v6 =	vand.u32 $0x4800, v6;
	vm1 =	veq.s32 v7, $0xFFFFFFFF;
	v8 =	vshll.u32 v5, $0x3  }
0x9b: {  	vm2 =	veq.s32 v56, $0xFFFFFFFF;
	vm3 =	veq.s32 v10, $0xFFFFFFFF;
	v8 =	vand.u32 $0xFFFFFC00, v8  }
0x9c: {  	s1 =	sor.u32 $0x10, s0;
	v7 =	vsel vm1, $0x0, v7;
	v5 =	vand.u32 $0x7F, v5;
	v6 =	vadd.s32 v6, v8  }
0x9d: {  	v10 =	vsel vm3, $0x0, v10;
	v5 =	vor.u32 v5, v6;
	v6 =	vmov s1  }
0x9e: {  	v9 =	vand.u32 $0x7F, v7;
	v7 =	vshll.u32 v7, $0x3;
	v6 =	vshll.u32 v6, $0x8  }
0x9f: {  	v7 =	vand.u32 $0xFFFFFC00, v7;
	v8 =	vsel vm2, $0x0, v56;
	v6 =	vor.u32 v0, v6  }
0xa0: {  	v57 =	vand.u32 $0x7F, v8;
	v8 =	vshll.u32 v8, $0x3;
	v6 =	vand.u32 $0x7FFFF800, v6  }
0xa1: {  	v5 =	vor.u32 v1, v5;
	v6 =	vadd.s32 v6, v7;
	v7 =	vshll.u32 v11, $0x8  }
0xa2: {  	v8 =	vand.u32 $0xFFFFFC00, v8;
	v6 =	vor.u32 v9, v6;
	v7 =	vor.u32 v0, v7  }
0xa3: {  	v11 =	vshll.u32 v58, $0x8;
	v6 =	vor.u32 v1, v6;
	v7 =	vand.u32 $0x7FFFF800, v7  }
0xa4: {  	v60 =	vshll.u32 v10, $0x3;
	v59 =	vor.u32 v0, v11;
	v7 =	vadd.s32 v7, v8  }
0xa5: {  	v61 =	vand.u32 $0xFFFFFC00, v60;
	v8 =	vand.u32 $0x7FFFF800, v59;
	v7 =	vor.u32 v57, v7  }
0xa6: {  	v62 =	vand.u32 $0x7F, v10;
	v8 =	vadd.s32 v8, v61;
	v7 =	vor.u32 v1, v7  }
0xa7: {  	v5 =	vld.idx.msk [tilespmem:v5+s25+$0x0], $0xffff;
	v8 =	vor.u32 v62, v8  }
0xa8: {  	v8 =	vor.u32 v1, v8;
	v6 =	vld.idx.msk [tilespmem:v6+s25+$0x0], $0xffff;
	_ =	sdelay $0x2  }
0xa9: {  	v7 =	vld.idx.msk [tilespmem:v7+s25+$0x0], $0xffff  }
0xaa: {  	v5 =	vsub.f32 $1.000000000e+00, v5  }
0xab: {  	v8 =	vld.idx.msk [tilespmem:v8+s25+$0x0], $0xffff;
	v6 =	vsub.f32 $1.000000000e+00, v6  }
0xac: {  	v5 =	vmul.f32 v5, v5  }
0xad: {  	v6 =	vmul.f32 v6, v6  }
0xae: {  	v63 =	vsel vm0, $0x0, v2;
	v5 =	vsel vm0, $0x0, v5;
	v7 =	vsub.f32 $1.000000000e+00, v7  }
0xaf: {  	v3 =	vadd.f32 v63, v3;
	v4 =	vadd.f32 v5, v4;
	v5 =	vsel vm1, $0x0, v6  }
0xb0: {  	p1 =	por p0, p0;
	v6 =	vsel vm1, $0x0, v2;
	v8 =	vsub.f32 $1.000000000e+00, v8;
	v7 =	vmul.f32 v7, v7  }
.Ltmp3:
0xb1: {  	v4 =	vadd.f32 v5, v4;
	v3 =	vadd.f32 v6, v3;
	(pc) =	sbr.rel @p1 .LBB2_8-.Ltmp3, $4  }
0xb2: {  	v6 =	vsel vm2, $0x0, v2;
	v5 =	vsel vm2, $0x0, v7;
	v7 =	vmul.f32 v8, v8  }
0xb3: {  	v3 =	vadd.f32 v6, v3;
	v4 =	vadd.f32 v5, v4  }
0xb4: {  	v6 =	vsel vm3, $0x0, v2;
	v5 =	vsel vm3, $0x0, v7  }
0xb5: {  	p0 =	por $0x0, $0x0;
	s0 =	simm.s32 $0x40;
	v3 =	vadd.f32 v6, v3;
	v4 =	vadd.f32 v5, v4  }
0xb6: {  	s0 =	simm.s32 $0x0  }
0xb7: {  	[tilespmem:s25], [sflag:$0x2] =	stream.linear.gather [hbm4b:s9+s0], $0x8000, $0x38;
	[tilespmem:$0x10900] =	vst v63  }
0xb8: {  	_ =	swait.ge [sflag:s26], $0x8000  }
0xb9: {  	[sflag:s26] =	ssyncset.done $0x0  }
0xba: {  	p0 =	por $0x1, $0x1;
	[sflag:s26] =	ssyncadd.s32 $0xFFFF8000  }
.LBB2_10:
0xbb: {  	v5 =	vld [tilespmem:s0+$0x200]  }
0xbc: {  	v7 =	vld [tilespmem:s0+$0x210]  }
0xbd: {  	v56 =	vld [tilespmem:s0+$0x220]  }
0xbe: {  	v10 =	vld [tilespmem:s0+$0x230]  }
0xbf: {  	v6 =	vmov s0;
	s29 =	sor.u32 $0x20, s0  }
0xc0: {  	v6 =	vshll.u32 v6, $0x8;
	v11 =	vmov s29;
	s29 =	sor.u32 $0x30, s0;
	vm0 =	veq.s32 v5, $0xFFFFFFFF  }
0xc1: {  	v6 =	vor.u32 v0, v6;
	v58 =	vmov s29;
	v5 =	vsel vm0, $0x0, v5  }
0xc2: {  	v6 =	vand.u32 $0x4800, v6;
	vm1 =	veq.s32 v7, $0xFFFFFFFF;
	v8 =	vshll.u32 v5, $0x3  }
0xc3: {  	vm2 =	veq.s32 v56, $0xFFFFFFFF;
	vm3 =	veq.s32 v10, $0xFFFFFFFF;
	v8 =	vand.u32 $0xFFFFFC00, v8  }
0xc4: {  	s1 =	sor.u32 $0x10, s0;
	v7 =	vsel vm1, $0x0, v7;
	v5 =	vand.u32 $0x7F, v5;
	v6 =	vadd.s32 v6, v8  }
0xc5: {  	v10 =	vsel vm3, $0x0, v10;
	v5 =	vor.u32 v5, v6;
	v6 =	vmov s1  }
0xc6: {  	v9 =	vand.u32 $0x7F, v7;
	v7 =	vshll.u32 v7, $0x3;
	v6 =	vshll.u32 v6, $0x8  }
0xc7: {  	v7 =	vand.u32 $0xFFFFFC00, v7;
	v8 =	vsel vm2, $0x0, v56;
	v6 =	vor.u32 v0, v6  }
0xc8: {  	v57 =	vand.u32 $0x7F, v8;
	v8 =	vshll.u32 v8, $0x3;
	v6 =	vand.u32 $0x7FFFF800, v6  }
0xc9: {  	v5 =	vor.u32 v1, v5;
	v6 =	vadd.s32 v6, v7;
	v7 =	vshll.u32 v11, $0x8  }
0xca: {  	v8 =	vand.u32 $0xFFFFFC00, v8;
	v6 =	vor.u32 v9, v6;
	v7 =	vor.u32 v0, v7  }
0xcb: {  	v11 =	vshll.u32 v58, $0x8;
	v6 =	vor.u32 v1, v6;
	v7 =	vand.u32 $0x7FFFF800, v7  }
0xcc: {  	v60 =	vshll.u32 v10, $0x3;
	v59 =	vor.u32 v0, v11;
	v7 =	vadd.s32 v7, v8  }
0xcd: {  	v61 =	vand.u32 $0xFFFFFC00, v60;
	v8 =	vand.u32 $0x7FFFF800, v59;
	v7 =	vor.u32 v57, v7  }
0xce: {  	v62 =	vand.u32 $0x7F, v10;
	v8 =	vadd.s32 v8, v61;
	v7 =	vor.u32 v1, v7  }
0xcf: {  	v5 =	vld.idx.msk [tilespmem:v5+s24+$0x0], $0xffff;
	v8 =	vor.u32 v62, v8  }
0xd0: {  	v8 =	vor.u32 v1, v8;
	v6 =	vld.idx.msk [tilespmem:v6+s24+$0x0], $0xffff;
	_ =	sdelay $0x2  }
0xd1: {  	v7 =	vld.idx.msk [tilespmem:v7+s24+$0x0], $0xffff  }
0xd2: {  	v5 =	vsub.f32 $1.000000000e+00, v5  }
0xd3: {  	v8 =	vld.idx.msk [tilespmem:v8+s24+$0x0], $0xffff;
	v6 =	vsub.f32 $1.000000000e+00, v6  }
0xd4: {  	v5 =	vmul.f32 v5, v5  }
0xd5: {  	v6 =	vmul.f32 v6, v6  }
0xd6: {  	v63 =	vsel vm0, $0x0, v2;
	v5 =	vsel vm0, $0x0, v5;
	v7 =	vsub.f32 $1.000000000e+00, v7  }
0xd7: {  	v3 =	vadd.f32 v63, v3;
	v4 =	vadd.f32 v5, v4;
	v5 =	vsel vm1, $0x0, v6  }
0xd8: {  	p1 =	por p0, p0;
	v6 =	vsel vm1, $0x0, v2;
	v8 =	vsub.f32 $1.000000000e+00, v8;
	v7 =	vmul.f32 v7, v7  }
.Ltmp4:
0xd9: {  	v4 =	vadd.f32 v5, v4;
	v3 =	vadd.f32 v6, v3;
	(pc) =	sbr.rel @p1 .LBB2_10-.Ltmp4, $4  }
0xda: {  	v6 =	vsel vm2, $0x0, v2;
	v5 =	vsel vm2, $0x0, v7;
	v7 =	vmul.f32 v8, v8  }
0xdb: {  	v3 =	vadd.f32 v6, v3;
	v4 =	vadd.f32 v5, v4  }
0xdc: {  	v6 =	vsel vm3, $0x0, v2;
	v5 =	vsel vm3, $0x0, v7  }
0xdd: {  	p0 =	por $0x0, $0x0;
	s0 =	simm.s32 $0x40;
	v3 =	vadd.f32 v6, v3;
	v4 =	vadd.f32 v5, v4  }
0xde: {  	s0 =	simm.s32 $0x0  }
0xdf: {  	[tilespmem:s24], [sflag:$0x1] =	stream.linear.gather [hbm4b:s10+s0], $0x8000, $0x38;
	[tilespmem:$0x10900] =	vst v63  }
0xe0: {  	_ =	swait.ge [sflag:s28], $0x8000  }
0xe1: {  	[sflag:s28] =	ssyncset.done $0x0  }
0xe2: {  	p0 =	por $0x1, $0x1;
	[sflag:s28] =	ssyncadd.s32 $0xFFFF8000  }
.LBB2_12:
0xe3: {  	v5 =	vld [tilespmem:s0+$0x280]  }
0xe4: {  	v7 =	vld [tilespmem:s0+$0x290]  }
0xe5: {  	v56 =	vld [tilespmem:s0+$0x2A0]  }
0xe6: {  	v10 =	vld [tilespmem:s0+$0x2B0]  }
0xe7: {  	v6 =	vmov s0;
	s29 =	sor.u32 $0x20, s0  }
0xe8: {  	v6 =	vshll.u32 v6, $0x8;
	v11 =	vmov s29;
	s29 =	sor.u32 $0x30, s0;
	vm0 =	veq.s32 v5, $0xFFFFFFFF  }
0xe9: {  	v6 =	vor.u32 v0, v6;
	v58 =	vmov s29;
	v5 =	vsel vm0, $0x0, v5  }
0xea: {  	v6 =	vand.u32 $0x4800, v6;
	vm1 =	veq.s32 v7, $0xFFFFFFFF;
	v8 =	vshll.u32 v5, $0x3  }
0xeb: {  	vm2 =	veq.s32 v56, $0xFFFFFFFF;
	vm3 =	veq.s32 v10, $0xFFFFFFFF;
	v8 =	vand.u32 $0xFFFFFC00, v8  }
0xec: {  	s1 =	sor.u32 $0x10, s0;
	v7 =	vsel vm1, $0x0, v7;
	v5 =	vand.u32 $0x7F, v5;
	v6 =	vadd.s32 v6, v8  }
0xed: {  	v10 =	vsel vm3, $0x0, v10;
	v5 =	vor.u32 v5, v6;
	v6 =	vmov s1  }
0xee: {  	v9 =	vand.u32 $0x7F, v7;
	v7 =	vshll.u32 v7, $0x3;
	v6 =	vshll.u32 v6, $0x8  }
0xef: {  	v7 =	vand.u32 $0xFFFFFC00, v7;
	v8 =	vsel vm2, $0x0, v56;
	v6 =	vor.u32 v0, v6  }
0xf0: {  	v57 =	vand.u32 $0x7F, v8;
	v8 =	vshll.u32 v8, $0x3;
	v6 =	vand.u32 $0x7FFFF800, v6  }
0xf1: {  	v5 =	vor.u32 v1, v5;
	v6 =	vadd.s32 v6, v7;
	v7 =	vshll.u32 v11, $0x8  }
0xf2: {  	v8 =	vand.u32 $0xFFFFFC00, v8;
	v6 =	vor.u32 v9, v6;
	v7 =	vor.u32 v0, v7  }
0xf3: {  	v11 =	vshll.u32 v58, $0x8;
	v6 =	vor.u32 v1, v6;
	v7 =	vand.u32 $0x7FFFF800, v7  }
0xf4: {  	v60 =	vshll.u32 v10, $0x3;
	v59 =	vor.u32 v0, v11;
	v7 =	vadd.s32 v7, v8  }
0xf5: {  	v61 =	vand.u32 $0xFFFFFC00, v60;
	v8 =	vand.u32 $0x7FFFF800, v59;
	v7 =	vor.u32 v57, v7  }
0xf6: {  	v62 =	vand.u32 $0x7F, v10;
	v8 =	vadd.s32 v8, v61;
	v7 =	vor.u32 v1, v7  }
0xf7: {  	v5 =	vld.idx.msk [tilespmem:v5+s25+$0x0], $0xffff;
	v8 =	vor.u32 v62, v8  }
0xf8: {  	v8 =	vor.u32 v1, v8;
	v6 =	vld.idx.msk [tilespmem:v6+s25+$0x0], $0xffff;
	_ =	sdelay $0x2  }
0xf9: {  	v7 =	vld.idx.msk [tilespmem:v7+s25+$0x0], $0xffff  }
0xfa: {  	v5 =	vsub.f32 $1.000000000e+00, v5  }
0xfb: {  	v8 =	vld.idx.msk [tilespmem:v8+s25+$0x0], $0xffff;
	v6 =	vsub.f32 $1.000000000e+00, v6  }
0xfc: {  	v5 =	vmul.f32 v5, v5  }
0xfd: {  	v6 =	vmul.f32 v6, v6  }
0xfe: {  	v63 =	vsel vm0, $0x0, v2;
	v5 =	vsel vm0, $0x0, v5;
	v7 =	vsub.f32 $1.000000000e+00, v7  }
0xff: {  	v3 =	vadd.f32 v63, v3;
	v4 =	vadd.f32 v5, v4;
	v5 =	vsel vm1, $0x0, v6  }
0x100: {  	p1 =	por p0, p0;
	v6 =	vsel vm1, $0x0, v2;
	v8 =	vsub.f32 $1.000000000e+00, v8;
	v7 =	vmul.f32 v7, v7  }
.Ltmp5:
0x101: {  	v4 =	vadd.f32 v5, v4;
	v3 =	vadd.f32 v6, v3;
	(pc) =	sbr.rel @p1 .LBB2_12-.Ltmp5, $4  }
0x102: {  	v6 =	vsel vm2, $0x0, v2;
	v5 =	vsel vm2, $0x0, v7;
	v7 =	vmul.f32 v8, v8  }
0x103: {  	v3 =	vadd.f32 v6, v3;
	v4 =	vadd.f32 v5, v4  }
0x104: {  	v6 =	vsel vm3, $0x0, v2;
	v5 =	vsel vm3, $0x0, v7  }
0x105: {  	p0 =	por $0x0, $0x0;
	s0 =	simm.s32 $0x40;
	v3 =	vadd.f32 v6, v3;
	v4 =	vadd.f32 v5, v4  }
0x106: {  	s0 =	simm.s32 $0x0  }
0x107: {  	[tilespmem:s25], [sflag:$0x2] =	stream.linear.gather [hbm4b:s11+s0], $0x8000, $0x38;
	[tilespmem:$0x10900] =	vst v63  }
0x108: {  	_ =	swait.ge [sflag:s26], $0x8000  }
0x109: {  	[sflag:s26] =	ssyncset.done $0x0  }
0x10a: {  	p0 =	por $0x1, $0x1;
	[sflag:s26] =	ssyncadd.s32 $0xFFFF8000  }
.LBB2_14:
0x10b: {  	v5 =	vld [tilespmem:s0+$0x300]  }
0x10c: {  	v7 =	vld [tilespmem:s0+$0x310]  }
0x10d: {  	v56 =	vld [tilespmem:s0+$0x320]  }
0x10e: {  	v10 =	vld [tilespmem:s0+$0x330]  }
0x10f: {  	v6 =	vmov s0;
	s29 =	sor.u32 $0x20, s0  }
0x110: {  	v6 =	vshll.u32 v6, $0x8;
	v11 =	vmov s29;
	s29 =	sor.u32 $0x30, s0;
	vm0 =	veq.s32 v5, $0xFFFFFFFF  }
0x111: {  	v6 =	vor.u32 v0, v6;
	v58 =	vmov s29;
	v5 =	vsel vm0, $0x0, v5  }
0x112: {  	v6 =	vand.u32 $0x4800, v6;
	vm1 =	veq.s32 v7, $0xFFFFFFFF;
	v8 =	vshll.u32 v5, $0x3  }
0x113: {  	vm2 =	veq.s32 v56, $0xFFFFFFFF;
	vm3 =	veq.s32 v10, $0xFFFFFFFF;
	v8 =	vand.u32 $0xFFFFFC00, v8  }
0x114: {  	s1 =	sor.u32 $0x10, s0;
	v7 =	vsel vm1, $0x0, v7;
	v5 =	vand.u32 $0x7F, v5;
	v6 =	vadd.s32 v6, v8  }
0x115: {  	v10 =	vsel vm3, $0x0, v10;
	v5 =	vor.u32 v5, v6;
	v6 =	vmov s1  }
0x116: {  	v9 =	vand.u32 $0x7F, v7;
	v7 =	vshll.u32 v7, $0x3;
	v6 =	vshll.u32 v6, $0x8  }
0x117: {  	v7 =	vand.u32 $0xFFFFFC00, v7;
	v8 =	vsel vm2, $0x0, v56;
	v6 =	vor.u32 v0, v6  }
0x118: {  	v57 =	vand.u32 $0x7F, v8;
	v8 =	vshll.u32 v8, $0x3;
	v6 =	vand.u32 $0x7FFFF800, v6  }
0x119: {  	v5 =	vor.u32 v1, v5;
	v6 =	vadd.s32 v6, v7;
	v7 =	vshll.u32 v11, $0x8  }
0x11a: {  	v8 =	vand.u32 $0xFFFFFC00, v8;
	v6 =	vor.u32 v9, v6;
	v7 =	vor.u32 v0, v7  }
0x11b: {  	v11 =	vshll.u32 v58, $0x8;
	v6 =	vor.u32 v1, v6;
	v7 =	vand.u32 $0x7FFFF800, v7  }
0x11c: {  	v60 =	vshll.u32 v10, $0x3;
	v59 =	vor.u32 v0, v11;
	v7 =	vadd.s32 v7, v8  }
0x11d: {  	v61 =	vand.u32 $0xFFFFFC00, v60;
	v8 =	vand.u32 $0x7FFFF800, v59;
	v7 =	vor.u32 v57, v7  }
0x11e: {  	v62 =	vand.u32 $0x7F, v10;
	v8 =	vadd.s32 v8, v61;
	v7 =	vor.u32 v1, v7  }
0x11f: {  	v5 =	vld.idx.msk [tilespmem:v5+s24+$0x0], $0xffff;
	v8 =	vor.u32 v62, v8  }
0x120: {  	v8 =	vor.u32 v1, v8;
	v6 =	vld.idx.msk [tilespmem:v6+s24+$0x0], $0xffff;
	_ =	sdelay $0x2  }
0x121: {  	v7 =	vld.idx.msk [tilespmem:v7+s24+$0x0], $0xffff  }
0x122: {  	v5 =	vsub.f32 $1.000000000e+00, v5  }
0x123: {  	v8 =	vld.idx.msk [tilespmem:v8+s24+$0x0], $0xffff;
	v6 =	vsub.f32 $1.000000000e+00, v6  }
0x124: {  	v5 =	vmul.f32 v5, v5  }
0x125: {  	v6 =	vmul.f32 v6, v6  }
0x126: {  	v63 =	vsel vm0, $0x0, v2;
	v5 =	vsel vm0, $0x0, v5;
	v7 =	vsub.f32 $1.000000000e+00, v7  }
0x127: {  	v3 =	vadd.f32 v63, v3;
	v4 =	vadd.f32 v5, v4;
	v5 =	vsel vm1, $0x0, v6  }
0x128: {  	p1 =	por p0, p0;
	v6 =	vsel vm1, $0x0, v2;
	v8 =	vsub.f32 $1.000000000e+00, v8;
	v7 =	vmul.f32 v7, v7  }
.Ltmp6:
0x129: {  	v4 =	vadd.f32 v5, v4;
	v3 =	vadd.f32 v6, v3;
	(pc) =	sbr.rel @p1 .LBB2_14-.Ltmp6, $4  }
0x12a: {  	v6 =	vsel vm2, $0x0, v2;
	v5 =	vsel vm2, $0x0, v7;
	v7 =	vmul.f32 v8, v8  }
0x12b: {  	v3 =	vadd.f32 v6, v3;
	v4 =	vadd.f32 v5, v4  }
0x12c: {  	v6 =	vsel vm3, $0x0, v2;
	v5 =	vsel vm3, $0x0, v7  }
0x12d: {  	p0 =	por $0x0, $0x0;
	s0 =	simm.s32 $0x40;
	v3 =	vadd.f32 v6, v3;
	v4 =	vadd.f32 v5, v4  }
0x12e: {  	s0 =	simm.s32 $0x0  }
0x12f: {  	[tilespmem:s24], [sflag:$0x1] =	stream.linear.gather [hbm4b:s12+s0], $0x8000, $0x38;
	[tilespmem:$0x10900] =	vst v63  }
0x130: {  	_ =	swait.ge [sflag:s28], $0x8000  }
0x131: {  	[sflag:s28] =	ssyncset.done $0x0  }
0x132: {  	p0 =	por $0x1, $0x1;
	[sflag:s28] =	ssyncadd.s32 $0xFFFF8000  }
.LBB2_16:
0x133: {  	v5 =	vld [tilespmem:s0+$0x380]  }
0x134: {  	v7 =	vld [tilespmem:s0+$0x390]  }
0x135: {  	v56 =	vld [tilespmem:s0+$0x3A0]  }
0x136: {  	v10 =	vld [tilespmem:s0+$0x3B0]  }
0x137: {  	v6 =	vmov s0;
	s29 =	sor.u32 $0x20, s0  }
0x138: {  	v6 =	vshll.u32 v6, $0x8;
	v11 =	vmov s29;
	s29 =	sor.u32 $0x30, s0;
	vm0 =	veq.s32 v5, $0xFFFFFFFF  }
0x139: {  	v6 =	vor.u32 v0, v6;
	v58 =	vmov s29;
	v5 =	vsel vm0, $0x0, v5  }
0x13a: {  	v6 =	vand.u32 $0x4800, v6;
	vm1 =	veq.s32 v7, $0xFFFFFFFF;
	v8 =	vshll.u32 v5, $0x3  }
0x13b: {  	vm2 =	veq.s32 v56, $0xFFFFFFFF;
	vm3 =	veq.s32 v10, $0xFFFFFFFF;
	v8 =	vand.u32 $0xFFFFFC00, v8  }
0x13c: {  	s1 =	sor.u32 $0x10, s0;
	v7 =	vsel vm1, $0x0, v7;
	v5 =	vand.u32 $0x7F, v5;
	v6 =	vadd.s32 v6, v8  }
0x13d: {  	v10 =	vsel vm3, $0x0, v10;
	v5 =	vor.u32 v5, v6;
	v6 =	vmov s1  }
0x13e: {  	v9 =	vand.u32 $0x7F, v7;
	v7 =	vshll.u32 v7, $0x3;
	v6 =	vshll.u32 v6, $0x8  }
0x13f: {  	v7 =	vand.u32 $0xFFFFFC00, v7;
	v8 =	vsel vm2, $0x0, v56;
	v6 =	vor.u32 v0, v6  }
0x140: {  	v57 =	vand.u32 $0x7F, v8;
	v8 =	vshll.u32 v8, $0x3;
	v6 =	vand.u32 $0x7FFFF800, v6  }
0x141: {  	v5 =	vor.u32 v1, v5;
	v6 =	vadd.s32 v6, v7;
	v7 =	vshll.u32 v11, $0x8  }
0x142: {  	v8 =	vand.u32 $0xFFFFFC00, v8;
	v6 =	vor.u32 v9, v6;
	v7 =	vor.u32 v0, v7  }
0x143: {  	v11 =	vshll.u32 v58, $0x8;
	v6 =	vor.u32 v1, v6;
	v7 =	vand.u32 $0x7FFFF800, v7  }
0x144: {  	v60 =	vshll.u32 v10, $0x3;
	v59 =	vor.u32 v0, v11;
	v7 =	vadd.s32 v7, v8  }
0x145: {  	v61 =	vand.u32 $0xFFFFFC00, v60;
	v8 =	vand.u32 $0x7FFFF800, v59;
	v7 =	vor.u32 v57, v7  }
0x146: {  	v62 =	vand.u32 $0x7F, v10;
	v8 =	vadd.s32 v8, v61;
	v7 =	vor.u32 v1, v7  }
0x147: {  	v5 =	vld.idx.msk [tilespmem:v5+s25+$0x0], $0xffff;
	v8 =	vor.u32 v62, v8  }
0x148: {  	v8 =	vor.u32 v1, v8;
	v6 =	vld.idx.msk [tilespmem:v6+s25+$0x0], $0xffff;
	_ =	sdelay $0x2  }
0x149: {  	v7 =	vld.idx.msk [tilespmem:v7+s25+$0x0], $0xffff  }
0x14a: {  	v5 =	vsub.f32 $1.000000000e+00, v5  }
0x14b: {  	v8 =	vld.idx.msk [tilespmem:v8+s25+$0x0], $0xffff;
	v6 =	vsub.f32 $1.000000000e+00, v6  }
0x14c: {  	v5 =	vmul.f32 v5, v5  }
0x14d: {  	v6 =	vmul.f32 v6, v6  }
0x14e: {  	v63 =	vsel vm0, $0x0, v2;
	v5 =	vsel vm0, $0x0, v5;
	v7 =	vsub.f32 $1.000000000e+00, v7  }
0x14f: {  	v3 =	vadd.f32 v63, v3;
	v4 =	vadd.f32 v5, v4;
	v5 =	vsel vm1, $0x0, v6  }
0x150: {  	p1 =	por p0, p0;
	v6 =	vsel vm1, $0x0, v2;
	v8 =	vsub.f32 $1.000000000e+00, v8;
	v7 =	vmul.f32 v7, v7  }
.Ltmp7:
0x151: {  	v4 =	vadd.f32 v5, v4;
	v3 =	vadd.f32 v6, v3;
	(pc) =	sbr.rel @p1 .LBB2_16-.Ltmp7, $4  }
0x152: {  	v6 =	vsel vm2, $0x0, v2;
	v5 =	vsel vm2, $0x0, v7;
	v7 =	vmul.f32 v8, v8  }
0x153: {  	v3 =	vadd.f32 v6, v3;
	v4 =	vadd.f32 v5, v4  }
0x154: {  	v6 =	vsel vm3, $0x0, v2;
	v5 =	vsel vm3, $0x0, v7  }
0x155: {  	p0 =	por $0x0, $0x0;
	s0 =	simm.s32 $0x40;
	v3 =	vadd.f32 v6, v3;
	v4 =	vadd.f32 v5, v4  }
0x156: {  	s0 =	simm.s32 $0x0  }
0x157: {  	[tilespmem:s25], [sflag:$0x2] =	stream.linear.gather [hbm4b:s13+s0], $0x8000, $0x38;
	[tilespmem:$0x10900] =	vst v63  }
0x158: {  	_ =	swait.ge [sflag:s26], $0x8000  }
0x159: {  	[sflag:s26] =	ssyncset.done $0x0  }
0x15a: {  	p0 =	por $0x1, $0x1;
	[sflag:s26] =	ssyncadd.s32 $0xFFFF8000  }
.LBB2_18:
0x15b: {  	v5 =	vld [tilespmem:s0+$0x400]  }
0x15c: {  	v7 =	vld [tilespmem:s0+$0x410]  }
0x15d: {  	v56 =	vld [tilespmem:s0+$0x420]  }
0x15e: {  	v10 =	vld [tilespmem:s0+$0x430]  }
0x15f: {  	v6 =	vmov s0;
	s29 =	sor.u32 $0x20, s0  }
0x160: {  	v6 =	vshll.u32 v6, $0x8;
	v11 =	vmov s29;
	s29 =	sor.u32 $0x30, s0;
	vm0 =	veq.s32 v5, $0xFFFFFFFF  }
0x161: {  	v6 =	vor.u32 v0, v6;
	v58 =	vmov s29;
	v5 =	vsel vm0, $0x0, v5  }
0x162: {  	v6 =	vand.u32 $0x4800, v6;
	vm1 =	veq.s32 v7, $0xFFFFFFFF;
	v8 =	vshll.u32 v5, $0x3  }
0x163: {  	vm2 =	veq.s32 v56, $0xFFFFFFFF;
	vm3 =	veq.s32 v10, $0xFFFFFFFF;
	v8 =	vand.u32 $0xFFFFFC00, v8  }
0x164: {  	s1 =	sor.u32 $0x10, s0;
	v7 =	vsel vm1, $0x0, v7;
	v5 =	vand.u32 $0x7F, v5;
	v6 =	vadd.s32 v6, v8  }
0x165: {  	v10 =	vsel vm3, $0x0, v10;
	v5 =	vor.u32 v5, v6;
	v6 =	vmov s1  }
0x166: {  	v9 =	vand.u32 $0x7F, v7;
	v7 =	vshll.u32 v7, $0x3;
	v6 =	vshll.u32 v6, $0x8  }
0x167: {  	v7 =	vand.u32 $0xFFFFFC00, v7;
	v8 =	vsel vm2, $0x0, v56;
	v6 =	vor.u32 v0, v6  }
0x168: {  	v57 =	vand.u32 $0x7F, v8;
	v8 =	vshll.u32 v8, $0x3;
	v6 =	vand.u32 $0x7FFFF800, v6  }
0x169: {  	v5 =	vor.u32 v1, v5;
	v6 =	vadd.s32 v6, v7;
	v7 =	vshll.u32 v11, $0x8  }
0x16a: {  	v8 =	vand.u32 $0xFFFFFC00, v8;
	v6 =	vor.u32 v9, v6;
	v7 =	vor.u32 v0, v7  }
0x16b: {  	v11 =	vshll.u32 v58, $0x8;
	v6 =	vor.u32 v1, v6;
	v7 =	vand.u32 $0x7FFFF800, v7  }
0x16c: {  	v60 =	vshll.u32 v10, $0x3;
	v59 =	vor.u32 v0, v11;
	v7 =	vadd.s32 v7, v8  }
0x16d: {  	v61 =	vand.u32 $0xFFFFFC00, v60;
	v8 =	vand.u32 $0x7FFFF800, v59;
	v7 =	vor.u32 v57, v7  }
0x16e: {  	v62 =	vand.u32 $0x7F, v10;
	v8 =	vadd.s32 v8, v61;
	v7 =	vor.u32 v1, v7  }
0x16f: {  	v5 =	vld.idx.msk [tilespmem:v5+s24+$0x0], $0xffff;
	v8 =	vor.u32 v62, v8  }
0x170: {  	v8 =	vor.u32 v1, v8;
	v6 =	vld.idx.msk [tilespmem:v6+s24+$0x0], $0xffff;
	_ =	sdelay $0x2  }
0x171: {  	v7 =	vld.idx.msk [tilespmem:v7+s24+$0x0], $0xffff  }
0x172: {  	v5 =	vsub.f32 $1.000000000e+00, v5  }
0x173: {  	v8 =	vld.idx.msk [tilespmem:v8+s24+$0x0], $0xffff;
	v6 =	vsub.f32 $1.000000000e+00, v6  }
0x174: {  	v5 =	vmul.f32 v5, v5  }
0x175: {  	v6 =	vmul.f32 v6, v6  }
0x176: {  	v63 =	vsel vm0, $0x0, v2;
	v5 =	vsel vm0, $0x0, v5;
	v7 =	vsub.f32 $1.000000000e+00, v7  }
0x177: {  	v3 =	vadd.f32 v63, v3;
	v4 =	vadd.f32 v5, v4;
	v5 =	vsel vm1, $0x0, v6  }
0x178: {  	p1 =	por p0, p0;
	v6 =	vsel vm1, $0x0, v2;
	v8 =	vsub.f32 $1.000000000e+00, v8;
	v7 =	vmul.f32 v7, v7  }
.Ltmp8:
0x179: {  	v4 =	vadd.f32 v5, v4;
	v3 =	vadd.f32 v6, v3;
	(pc) =	sbr.rel @p1 .LBB2_18-.Ltmp8, $4  }
0x17a: {  	v6 =	vsel vm2, $0x0, v2;
	v5 =	vsel vm2, $0x0, v7;
	v7 =	vmul.f32 v8, v8  }
0x17b: {  	v3 =	vadd.f32 v6, v3;
	v4 =	vadd.f32 v5, v4  }
0x17c: {  	v6 =	vsel vm3, $0x0, v2;
	v5 =	vsel vm3, $0x0, v7  }
0x17d: {  	p0 =	por $0x0, $0x0;
	s0 =	simm.s32 $0x40;
	v3 =	vadd.f32 v6, v3;
	v4 =	vadd.f32 v5, v4  }
0x17e: {  	s0 =	simm.s32 $0x0  }
0x17f: {  	[tilespmem:s24], [sflag:$0x1] =	stream.linear.gather [hbm4b:s14+s0], $0x8000, $0x38;
	[tilespmem:$0x10900] =	vst v63  }
0x180: {  	_ =	swait.ge [sflag:s28], $0x8000  }
0x181: {  	[sflag:s28] =	ssyncset.done $0x0  }
0x182: {  	p0 =	por $0x1, $0x1;
	[sflag:s28] =	ssyncadd.s32 $0xFFFF8000  }
.LBB2_20:
0x183: {  	v5 =	vld [tilespmem:s0+$0x480]  }
0x184: {  	v7 =	vld [tilespmem:s0+$0x490]  }
0x185: {  	v56 =	vld [tilespmem:s0+$0x4A0]  }
0x186: {  	v10 =	vld [tilespmem:s0+$0x4B0]  }
0x187: {  	v6 =	vmov s0;
	s29 =	sor.u32 $0x20, s0  }
0x188: {  	v6 =	vshll.u32 v6, $0x8;
	v11 =	vmov s29;
	s29 =	sor.u32 $0x30, s0;
	vm0 =	veq.s32 v5, $0xFFFFFFFF  }
0x189: {  	v6 =	vor.u32 v0, v6;
	v58 =	vmov s29;
	v5 =	vsel vm0, $0x0, v5  }
0x18a: {  	v6 =	vand.u32 $0x4800, v6;
	vm1 =	veq.s32 v7, $0xFFFFFFFF;
	v8 =	vshll.u32 v5, $0x3  }
0x18b: {  	vm2 =	veq.s32 v56, $0xFFFFFFFF;
	vm3 =	veq.s32 v10, $0xFFFFFFFF;
	v8 =	vand.u32 $0xFFFFFC00, v8  }
0x18c: {  	s1 =	sor.u32 $0x10, s0;
	v7 =	vsel vm1, $0x0, v7;
	v5 =	vand.u32 $0x7F, v5;
	v6 =	vadd.s32 v6, v8  }
0x18d: {  	v10 =	vsel vm3, $0x0, v10;
	v5 =	vor.u32 v5, v6;
	v6 =	vmov s1  }
0x18e: {  	v9 =	vand.u32 $0x7F, v7;
	v7 =	vshll.u32 v7, $0x3;
	v6 =	vshll.u32 v6, $0x8  }
0x18f: {  	v7 =	vand.u32 $0xFFFFFC00, v7;
	v8 =	vsel vm2, $0x0, v56;
	v6 =	vor.u32 v0, v6  }
0x190: {  	v57 =	vand.u32 $0x7F, v8;
	v8 =	vshll.u32 v8, $0x3;
	v6 =	vand.u32 $0x7FFFF800, v6  }
0x191: {  	v5 =	vor.u32 v1, v5;
	v6 =	vadd.s32 v6, v7;
	v7 =	vshll.u32 v11, $0x8  }
0x192: {  	v8 =	vand.u32 $0xFFFFFC00, v8;
	v6 =	vor.u32 v9, v6;
	v7 =	vor.u32 v0, v7  }
0x193: {  	v11 =	vshll.u32 v58, $0x8;
	v6 =	vor.u32 v1, v6;
	v7 =	vand.u32 $0x7FFFF800, v7  }
0x194: {  	v60 =	vshll.u32 v10, $0x3;
	v59 =	vor.u32 v0, v11;
	v7 =	vadd.s32 v7, v8  }
0x195: {  	v61 =	vand.u32 $0xFFFFFC00, v60;
	v8 =	vand.u32 $0x7FFFF800, v59;
	v7 =	vor.u32 v57, v7  }
0x196: {  	v62 =	vand.u32 $0x7F, v10;
	v8 =	vadd.s32 v8, v61;
	v7 =	vor.u32 v1, v7  }
0x197: {  	v5 =	vld.idx.msk [tilespmem:v5+s25+$0x0], $0xffff;
	v8 =	vor.u32 v62, v8  }
0x198: {  	v8 =	vor.u32 v1, v8;
	v6 =	vld.idx.msk [tilespmem:v6+s25+$0x0], $0xffff;
	_ =	sdelay $0x2  }
0x199: {  	v7 =	vld.idx.msk [tilespmem:v7+s25+$0x0], $0xffff  }
0x19a: {  	v5 =	vsub.f32 $1.000000000e+00, v5  }
0x19b: {  	v8 =	vld.idx.msk [tilespmem:v8+s25+$0x0], $0xffff;
	v6 =	vsub.f32 $1.000000000e+00, v6  }
0x19c: {  	v5 =	vmul.f32 v5, v5  }
0x19d: {  	v6 =	vmul.f32 v6, v6  }
0x19e: {  	v63 =	vsel vm0, $0x0, v2;
	v5 =	vsel vm0, $0x0, v5;
	v7 =	vsub.f32 $1.000000000e+00, v7  }
0x19f: {  	v3 =	vadd.f32 v63, v3;
	v4 =	vadd.f32 v5, v4;
	v5 =	vsel vm1, $0x0, v6  }
0x1a0: {  	p1 =	por p0, p0;
	v6 =	vsel vm1, $0x0, v2;
	v8 =	vsub.f32 $1.000000000e+00, v8;
	v7 =	vmul.f32 v7, v7  }
.Ltmp9:
0x1a1: {  	v4 =	vadd.f32 v5, v4;
	v3 =	vadd.f32 v6, v3;
	(pc) =	sbr.rel @p1 .LBB2_20-.Ltmp9, $4  }
0x1a2: {  	v6 =	vsel vm2, $0x0, v2;
	v5 =	vsel vm2, $0x0, v7;
	v7 =	vmul.f32 v8, v8  }
0x1a3: {  	v3 =	vadd.f32 v6, v3;
	v4 =	vadd.f32 v5, v4  }
0x1a4: {  	v6 =	vsel vm3, $0x0, v2;
	v5 =	vsel vm3, $0x0, v7  }
0x1a5: {  	p0 =	por $0x0, $0x0;
	s0 =	simm.s32 $0x40;
	v3 =	vadd.f32 v6, v3;
	v4 =	vadd.f32 v5, v4  }
0x1a6: {  	s0 =	simm.s32 $0x0  }
0x1a7: {  	[tilespmem:s25], [sflag:$0x2] =	stream.linear.gather [hbm4b:s15+s0], $0x8000, $0x38;
	[tilespmem:$0x10900] =	vst v63  }
0x1a8: {  	_ =	swait.ge [sflag:s26], $0x8000  }
0x1a9: {  	[sflag:s26] =	ssyncset.done $0x0  }
0x1aa: {  	p0 =	por $0x1, $0x1;
	[sflag:s26] =	ssyncadd.s32 $0xFFFF8000  }
.LBB2_22:
0x1ab: {  	v5 =	vld [tilespmem:s0+$0x500]  }
0x1ac: {  	v7 =	vld [tilespmem:s0+$0x510]  }
0x1ad: {  	v56 =	vld [tilespmem:s0+$0x520]  }
0x1ae: {  	v10 =	vld [tilespmem:s0+$0x530]  }
0x1af: {  	v6 =	vmov s0;
	s29 =	sor.u32 $0x20, s0  }
0x1b0: {  	v6 =	vshll.u32 v6, $0x8;
	v11 =	vmov s29;
	s29 =	sor.u32 $0x30, s0;
	vm0 =	veq.s32 v5, $0xFFFFFFFF  }
0x1b1: {  	v6 =	vor.u32 v0, v6;
	v58 =	vmov s29;
	v5 =	vsel vm0, $0x0, v5  }
0x1b2: {  	v6 =	vand.u32 $0x4800, v6;
	vm1 =	veq.s32 v7, $0xFFFFFFFF;
	v8 =	vshll.u32 v5, $0x3  }
0x1b3: {  	vm2 =	veq.s32 v56, $0xFFFFFFFF;
	vm3 =	veq.s32 v10, $0xFFFFFFFF;
	v8 =	vand.u32 $0xFFFFFC00, v8  }
0x1b4: {  	s1 =	sor.u32 $0x10, s0;
	v7 =	vsel vm1, $0x0, v7;
	v5 =	vand.u32 $0x7F, v5;
	v6 =	vadd.s32 v6, v8  }
0x1b5: {  	v10 =	vsel vm3, $0x0, v10;
	v5 =	vor.u32 v5, v6;
	v6 =	vmov s1  }
0x1b6: {  	v9 =	vand.u32 $0x7F, v7;
	v7 =	vshll.u32 v7, $0x3;
	v6 =	vshll.u32 v6, $0x8  }
0x1b7: {  	v7 =	vand.u32 $0xFFFFFC00, v7;
	v8 =	vsel vm2, $0x0, v56;
	v6 =	vor.u32 v0, v6  }
0x1b8: {  	v57 =	vand.u32 $0x7F, v8;
	v8 =	vshll.u32 v8, $0x3;
	v6 =	vand.u32 $0x7FFFF800, v6  }
0x1b9: {  	v5 =	vor.u32 v1, v5;
	v6 =	vadd.s32 v6, v7;
	v7 =	vshll.u32 v11, $0x8  }
0x1ba: {  	v8 =	vand.u32 $0xFFFFFC00, v8;
	v6 =	vor.u32 v9, v6;
	v7 =	vor.u32 v0, v7  }
0x1bb: {  	v11 =	vshll.u32 v58, $0x8;
	v6 =	vor.u32 v1, v6;
	v7 =	vand.u32 $0x7FFFF800, v7  }
0x1bc: {  	v60 =	vshll.u32 v10, $0x3;
	v59 =	vor.u32 v0, v11;
	v7 =	vadd.s32 v7, v8  }
0x1bd: {  	v61 =	vand.u32 $0xFFFFFC00, v60;
	v8 =	vand.u32 $0x7FFFF800, v59;
	v7 =	vor.u32 v57, v7  }
0x1be: {  	v62 =	vand.u32 $0x7F, v10;
	v8 =	vadd.s32 v8, v61;
	v7 =	vor.u32 v1, v7  }
0x1bf: {  	v5 =	vld.idx.msk [tilespmem:v5+s24+$0x0], $0xffff;
	v8 =	vor.u32 v62, v8  }
0x1c0: {  	v8 =	vor.u32 v1, v8;
	v6 =	vld.idx.msk [tilespmem:v6+s24+$0x0], $0xffff;
	_ =	sdelay $0x2  }
0x1c1: {  	v7 =	vld.idx.msk [tilespmem:v7+s24+$0x0], $0xffff  }
0x1c2: {  	v5 =	vsub.f32 $1.000000000e+00, v5  }
0x1c3: {  	v8 =	vld.idx.msk [tilespmem:v8+s24+$0x0], $0xffff;
	v6 =	vsub.f32 $1.000000000e+00, v6  }
0x1c4: {  	v5 =	vmul.f32 v5, v5  }
0x1c5: {  	v6 =	vmul.f32 v6, v6  }
0x1c6: {  	v63 =	vsel vm0, $0x0, v2;
	v5 =	vsel vm0, $0x0, v5;
	v7 =	vsub.f32 $1.000000000e+00, v7  }
0x1c7: {  	v3 =	vadd.f32 v63, v3;
	v4 =	vadd.f32 v5, v4;
	v5 =	vsel vm1, $0x0, v6  }
0x1c8: {  	p1 =	por p0, p0;
	v6 =	vsel vm1, $0x0, v2;
	v8 =	vsub.f32 $1.000000000e+00, v8;
	v7 =	vmul.f32 v7, v7  }
.Ltmp10:
0x1c9: {  	v4 =	vadd.f32 v5, v4;
	v3 =	vadd.f32 v6, v3;
	(pc) =	sbr.rel @p1 .LBB2_22-.Ltmp10, $4  }
0x1ca: {  	v6 =	vsel vm2, $0x0, v2;
	v5 =	vsel vm2, $0x0, v7;
	v7 =	vmul.f32 v8, v8  }
0x1cb: {  	v3 =	vadd.f32 v6, v3;
	v4 =	vadd.f32 v5, v4  }
0x1cc: {  	v6 =	vsel vm3, $0x0, v2;
	v5 =	vsel vm3, $0x0, v7  }
0x1cd: {  	p0 =	por $0x0, $0x0;
	s0 =	simm.s32 $0x40;
	v3 =	vadd.f32 v6, v3;
	v4 =	vadd.f32 v5, v4  }
0x1ce: {  	s0 =	simm.s32 $0x0  }
0x1cf: {  	[tilespmem:s24], [sflag:$0x1] =	stream.linear.gather [hbm4b:s16+s0], $0x8000, $0x38;
	[tilespmem:$0x10900] =	vst v63  }
0x1d0: {  	_ =	swait.ge [sflag:s28], $0x8000  }
0x1d1: {  	[sflag:s28] =	ssyncset.done $0x0  }
0x1d2: {  	p0 =	por $0x1, $0x1;
	[sflag:s28] =	ssyncadd.s32 $0xFFFF8000  }
.LBB2_24:
0x1d3: {  	v5 =	vld [tilespmem:s0+$0x580]  }
0x1d4: {  	v7 =	vld [tilespmem:s0+$0x590]  }
0x1d5: {  	v56 =	vld [tilespmem:s0+$0x5A0]  }
0x1d6: {  	v10 =	vld [tilespmem:s0+$0x5B0]  }
0x1d7: {  	v6 =	vmov s0;
	s29 =	sor.u32 $0x20, s0  }
0x1d8: {  	v6 =	vshll.u32 v6, $0x8;
	v11 =	vmov s29;
	s29 =	sor.u32 $0x30, s0;
	vm0 =	veq.s32 v5, $0xFFFFFFFF  }
0x1d9: {  	v6 =	vor.u32 v0, v6;
	v58 =	vmov s29;
	v5 =	vsel vm0, $0x0, v5  }
0x1da: {  	v6 =	vand.u32 $0x4800, v6;
	vm1 =	veq.s32 v7, $0xFFFFFFFF;
	v8 =	vshll.u32 v5, $0x3  }
0x1db: {  	vm2 =	veq.s32 v56, $0xFFFFFFFF;
	vm3 =	veq.s32 v10, $0xFFFFFFFF;
	v8 =	vand.u32 $0xFFFFFC00, v8  }
0x1dc: {  	s1 =	sor.u32 $0x10, s0;
	v7 =	vsel vm1, $0x0, v7;
	v5 =	vand.u32 $0x7F, v5;
	v6 =	vadd.s32 v6, v8  }
0x1dd: {  	v10 =	vsel vm3, $0x0, v10;
	v5 =	vor.u32 v5, v6;
	v6 =	vmov s1  }
0x1de: {  	v9 =	vand.u32 $0x7F, v7;
	v7 =	vshll.u32 v7, $0x3;
	v6 =	vshll.u32 v6, $0x8  }
0x1df: {  	v7 =	vand.u32 $0xFFFFFC00, v7;
	v8 =	vsel vm2, $0x0, v56;
	v6 =	vor.u32 v0, v6  }
0x1e0: {  	v57 =	vand.u32 $0x7F, v8;
	v8 =	vshll.u32 v8, $0x3;
	v6 =	vand.u32 $0x7FFFF800, v6  }
0x1e1: {  	v5 =	vor.u32 v1, v5;
	v6 =	vadd.s32 v6, v7;
	v7 =	vshll.u32 v11, $0x8  }
0x1e2: {  	v8 =	vand.u32 $0xFFFFFC00, v8;
	v6 =	vor.u32 v9, v6;
	v7 =	vor.u32 v0, v7  }
0x1e3: {  	v11 =	vshll.u32 v58, $0x8;
	v6 =	vor.u32 v1, v6;
	v7 =	vand.u32 $0x7FFFF800, v7  }
0x1e4: {  	v60 =	vshll.u32 v10, $0x3;
	v59 =	vor.u32 v0, v11;
	v7 =	vadd.s32 v7, v8  }
0x1e5: {  	v61 =	vand.u32 $0xFFFFFC00, v60;
	v8 =	vand.u32 $0x7FFFF800, v59;
	v7 =	vor.u32 v57, v7  }
0x1e6: {  	v62 =	vand.u32 $0x7F, v10;
	v8 =	vadd.s32 v8, v61;
	v7 =	vor.u32 v1, v7  }
0x1e7: {  	v5 =	vld.idx.msk [tilespmem:v5+s25+$0x0], $0xffff;
	v8 =	vor.u32 v62, v8  }
0x1e8: {  	v8 =	vor.u32 v1, v8;
	v6 =	vld.idx.msk [tilespmem:v6+s25+$0x0], $0xffff;
	_ =	sdelay $0x2  }
0x1e9: {  	v7 =	vld.idx.msk [tilespmem:v7+s25+$0x0], $0xffff  }
0x1ea: {  	v5 =	vsub.f32 $1.000000000e+00, v5  }
0x1eb: {  	v8 =	vld.idx.msk [tilespmem:v8+s25+$0x0], $0xffff;
	v6 =	vsub.f32 $1.000000000e+00, v6  }
0x1ec: {  	v5 =	vmul.f32 v5, v5  }
0x1ed: {  	v6 =	vmul.f32 v6, v6  }
0x1ee: {  	v63 =	vsel vm0, $0x0, v2;
	v5 =	vsel vm0, $0x0, v5;
	v7 =	vsub.f32 $1.000000000e+00, v7  }
0x1ef: {  	v3 =	vadd.f32 v63, v3;
	v4 =	vadd.f32 v5, v4;
	v5 =	vsel vm1, $0x0, v6  }
0x1f0: {  	p1 =	por p0, p0;
	v6 =	vsel vm1, $0x0, v2;
	v8 =	vsub.f32 $1.000000000e+00, v8;
	v7 =	vmul.f32 v7, v7  }
.Ltmp11:
0x1f1: {  	v4 =	vadd.f32 v5, v4;
	v3 =	vadd.f32 v6, v3;
	(pc) =	sbr.rel @p1 .LBB2_24-.Ltmp11, $4  }
0x1f2: {  	v6 =	vsel vm2, $0x0, v2;
	v5 =	vsel vm2, $0x0, v7;
	v7 =	vmul.f32 v8, v8  }
0x1f3: {  	v3 =	vadd.f32 v6, v3;
	v4 =	vadd.f32 v5, v4  }
0x1f4: {  	v6 =	vsel vm3, $0x0, v2;
	v5 =	vsel vm3, $0x0, v7  }
0x1f5: {  	p0 =	por $0x0, $0x0;
	s0 =	simm.s32 $0x40;
	v3 =	vadd.f32 v6, v3;
	v4 =	vadd.f32 v5, v4  }
0x1f6: {  	s0 =	simm.s32 $0x0  }
0x1f7: {  	[tilespmem:s25], [sflag:$0x2] =	stream.linear.gather [hbm4b:s17+s0], $0x8000, $0x38;
	[tilespmem:$0x10900] =	vst v63  }
0x1f8: {  	_ =	swait.ge [sflag:s26], $0x8000  }
0x1f9: {  	[sflag:s26] =	ssyncset.done $0x0  }
0x1fa: {  	p0 =	por $0x1, $0x1;
	[sflag:s26] =	ssyncadd.s32 $0xFFFF8000  }
.LBB2_26:
0x1fb: {  	v5 =	vld [tilespmem:s0+$0x600]  }
0x1fc: {  	v7 =	vld [tilespmem:s0+$0x610]  }
0x1fd: {  	v56 =	vld [tilespmem:s0+$0x620]  }
0x1fe: {  	v10 =	vld [tilespmem:s0+$0x630]  }
0x1ff: {  	v6 =	vmov s0;
	s29 =	sor.u32 $0x20, s0  }
0x200: {  	v6 =	vshll.u32 v6, $0x8;
	v11 =	vmov s29;
	s29 =	sor.u32 $0x30, s0;
	vm0 =	veq.s32 v5, $0xFFFFFFFF  }
0x201: {  	v6 =	vor.u32 v0, v6;
	v58 =	vmov s29;
	v5 =	vsel vm0, $0x0, v5  }
0x202: {  	v6 =	vand.u32 $0x4800, v6;
	vm1 =	veq.s32 v7, $0xFFFFFFFF;
	v8 =	vshll.u32 v5, $0x3  }
0x203: {  	vm2 =	veq.s32 v56, $0xFFFFFFFF;
	vm3 =	veq.s32 v10, $0xFFFFFFFF;
	v8 =	vand.u32 $0xFFFFFC00, v8  }
0x204: {  	s1 =	sor.u32 $0x10, s0;
	v7 =	vsel vm1, $0x0, v7;
	v5 =	vand.u32 $0x7F, v5;
	v6 =	vadd.s32 v6, v8  }
0x205: {  	v10 =	vsel vm3, $0x0, v10;
	v5 =	vor.u32 v5, v6;
	v6 =	vmov s1  }
0x206: {  	v9 =	vand.u32 $0x7F, v7;
	v7 =	vshll.u32 v7, $0x3;
	v6 =	vshll.u32 v6, $0x8  }
0x207: {  	v7 =	vand.u32 $0xFFFFFC00, v7;
	v8 =	vsel vm2, $0x0, v56;
	v6 =	vor.u32 v0, v6  }
0x208: {  	v57 =	vand.u32 $0x7F, v8;
	v8 =	vshll.u32 v8, $0x3;
	v6 =	vand.u32 $0x7FFFF800, v6  }
0x209: {  	v5 =	vor.u32 v1, v5;
	v6 =	vadd.s32 v6, v7;
	v7 =	vshll.u32 v11, $0x8  }
0x20a: {  	v8 =	vand.u32 $0xFFFFFC00, v8;
	v6 =	vor.u32 v9, v6;
	v7 =	vor.u32 v0, v7  }
0x20b: {  	v11 =	vshll.u32 v58, $0x8;
	v6 =	vor.u32 v1, v6;
	v7 =	vand.u32 $0x7FFFF800, v7  }
0x20c: {  	v60 =	vshll.u32 v10, $0x3;
	v59 =	vor.u32 v0, v11;
	v7 =	vadd.s32 v7, v8  }
0x20d: {  	v61 =	vand.u32 $0xFFFFFC00, v60;
	v8 =	vand.u32 $0x7FFFF800, v59;
	v7 =	vor.u32 v57, v7  }
0x20e: {  	v62 =	vand.u32 $0x7F, v10;
	v8 =	vadd.s32 v8, v61;
	v7 =	vor.u32 v1, v7  }
0x20f: {  	v5 =	vld.idx.msk [tilespmem:v5+s24+$0x0], $0xffff;
	v8 =	vor.u32 v62, v8  }
0x210: {  	v8 =	vor.u32 v1, v8;
	v6 =	vld.idx.msk [tilespmem:v6+s24+$0x0], $0xffff;
	_ =	sdelay $0x2  }
0x211: {  	v7 =	vld.idx.msk [tilespmem:v7+s24+$0x0], $0xffff  }
0x212: {  	v5 =	vsub.f32 $1.000000000e+00, v5  }
0x213: {  	v8 =	vld.idx.msk [tilespmem:v8+s24+$0x0], $0xffff;
	v6 =	vsub.f32 $1.000000000e+00, v6  }
0x214: {  	v5 =	vmul.f32 v5, v5  }
0x215: {  	v6 =	vmul.f32 v6, v6  }
0x216: {  	v63 =	vsel vm0, $0x0, v2;
	v5 =	vsel vm0, $0x0, v5;
	v7 =	vsub.f32 $1.000000000e+00, v7  }
0x217: {  	v3 =	vadd.f32 v63, v3;
	v4 =	vadd.f32 v5, v4;
	v5 =	vsel vm1, $0x0, v6  }
0x218: {  	p1 =	por p0, p0;
	v6 =	vsel vm1, $0x0, v2;
	v8 =	vsub.f32 $1.000000000e+00, v8;
	v7 =	vmul.f32 v7, v7  }
.Ltmp12:
0x219: {  	v4 =	vadd.f32 v5, v4;
	v3 =	vadd.f32 v6, v3;
	(pc) =	sbr.rel @p1 .LBB2_26-.Ltmp12, $4  }
0x21a: {  	v6 =	vsel vm2, $0x0, v2;
	v5 =	vsel vm2, $0x0, v7;
	v7 =	vmul.f32 v8, v8  }
0x21b: {  	v3 =	vadd.f32 v6, v3;
	v4 =	vadd.f32 v5, v4  }
0x21c: {  	v6 =	vsel vm3, $0x0, v2;
	v5 =	vsel vm3, $0x0, v7  }
0x21d: {  	p0 =	por $0x0, $0x0;
	s0 =	simm.s32 $0x40;
	v3 =	vadd.f32 v6, v3;
	v4 =	vadd.f32 v5, v4  }
0x21e: {  	s0 =	simm.s32 $0x0  }
0x21f: {  	[tilespmem:s24], [sflag:$0x1] =	stream.linear.gather [hbm4b:s18+s0], $0x8000, $0x38;
	[tilespmem:$0x10900] =	vst v63  }
0x220: {  	_ =	swait.ge [sflag:s28], $0x8000  }
0x221: {  	[sflag:s28] =	ssyncset.done $0x0  }
0x222: {  	p0 =	por $0x1, $0x1;
	[sflag:s28] =	ssyncadd.s32 $0xFFFF8000  }
.LBB2_28:
0x223: {  	v5 =	vld [tilespmem:s0+$0x680]  }
0x224: {  	v7 =	vld [tilespmem:s0+$0x690]  }
0x225: {  	v56 =	vld [tilespmem:s0+$0x6A0]  }
0x226: {  	v10 =	vld [tilespmem:s0+$0x6B0]  }
0x227: {  	v6 =	vmov s0;
	s29 =	sor.u32 $0x20, s0  }
0x228: {  	v6 =	vshll.u32 v6, $0x8;
	v11 =	vmov s29;
	s29 =	sor.u32 $0x30, s0;
	vm0 =	veq.s32 v5, $0xFFFFFFFF  }
0x229: {  	v6 =	vor.u32 v0, v6;
	v58 =	vmov s29;
	v5 =	vsel vm0, $0x0, v5  }
0x22a: {  	v6 =	vand.u32 $0x4800, v6;
	vm1 =	veq.s32 v7, $0xFFFFFFFF;
	v8 =	vshll.u32 v5, $0x3  }
0x22b: {  	vm2 =	veq.s32 v56, $0xFFFFFFFF;
	vm3 =	veq.s32 v10, $0xFFFFFFFF;
	v8 =	vand.u32 $0xFFFFFC00, v8  }
0x22c: {  	s1 =	sor.u32 $0x10, s0;
	v7 =	vsel vm1, $0x0, v7;
	v5 =	vand.u32 $0x7F, v5;
	v6 =	vadd.s32 v6, v8  }
0x22d: {  	v10 =	vsel vm3, $0x0, v10;
	v5 =	vor.u32 v5, v6;
	v6 =	vmov s1  }
0x22e: {  	v9 =	vand.u32 $0x7F, v7;
	v7 =	vshll.u32 v7, $0x3;
	v6 =	vshll.u32 v6, $0x8  }
0x22f: {  	v7 =	vand.u32 $0xFFFFFC00, v7;
	v8 =	vsel vm2, $0x0, v56;
	v6 =	vor.u32 v0, v6  }
0x230: {  	v57 =	vand.u32 $0x7F, v8;
	v8 =	vshll.u32 v8, $0x3;
	v6 =	vand.u32 $0x7FFFF800, v6  }
0x231: {  	v5 =	vor.u32 v1, v5;
	v6 =	vadd.s32 v6, v7;
	v7 =	vshll.u32 v11, $0x8  }
0x232: {  	v8 =	vand.u32 $0xFFFFFC00, v8;
	v6 =	vor.u32 v9, v6;
	v7 =	vor.u32 v0, v7  }
0x233: {  	v11 =	vshll.u32 v58, $0x8;
	v6 =	vor.u32 v1, v6;
	v7 =	vand.u32 $0x7FFFF800, v7  }
0x234: {  	v60 =	vshll.u32 v10, $0x3;
	v59 =	vor.u32 v0, v11;
	v7 =	vadd.s32 v7, v8  }
0x235: {  	v61 =	vand.u32 $0xFFFFFC00, v60;
	v8 =	vand.u32 $0x7FFFF800, v59;
	v7 =	vor.u32 v57, v7  }
0x236: {  	v62 =	vand.u32 $0x7F, v10;
	v8 =	vadd.s32 v8, v61;
	v7 =	vor.u32 v1, v7  }
0x237: {  	v5 =	vld.idx.msk [tilespmem:v5+s25+$0x0], $0xffff;
	v8 =	vor.u32 v62, v8  }
0x238: {  	v8 =	vor.u32 v1, v8;
	v6 =	vld.idx.msk [tilespmem:v6+s25+$0x0], $0xffff;
	_ =	sdelay $0x2  }
0x239: {  	v7 =	vld.idx.msk [tilespmem:v7+s25+$0x0], $0xffff  }
0x23a: {  	v5 =	vsub.f32 $1.000000000e+00, v5  }
0x23b: {  	v8 =	vld.idx.msk [tilespmem:v8+s25+$0x0], $0xffff;
	v6 =	vsub.f32 $1.000000000e+00, v6  }
0x23c: {  	v5 =	vmul.f32 v5, v5  }
0x23d: {  	v6 =	vmul.f32 v6, v6  }
0x23e: {  	v63 =	vsel vm0, $0x0, v2;
	v5 =	vsel vm0, $0x0, v5;
	v7 =	vsub.f32 $1.000000000e+00, v7  }
0x23f: {  	v3 =	vadd.f32 v63, v3;
	v4 =	vadd.f32 v5, v4;
	v5 =	vsel vm1, $0x0, v6  }
0x240: {  	p1 =	por p0, p0;
	v6 =	vsel vm1, $0x0, v2;
	v8 =	vsub.f32 $1.000000000e+00, v8;
	v7 =	vmul.f32 v7, v7  }
.Ltmp13:
0x241: {  	v4 =	vadd.f32 v5, v4;
	v3 =	vadd.f32 v6, v3;
	(pc) =	sbr.rel @p1 .LBB2_28-.Ltmp13, $4  }
0x242: {  	v6 =	vsel vm2, $0x0, v2;
	v5 =	vsel vm2, $0x0, v7;
	v7 =	vmul.f32 v8, v8  }
0x243: {  	v3 =	vadd.f32 v6, v3;
	v4 =	vadd.f32 v5, v4  }
0x244: {  	v6 =	vsel vm3, $0x0, v2;
	v5 =	vsel vm3, $0x0, v7  }
0x245: {  	p0 =	por $0x0, $0x0;
	s0 =	simm.s32 $0x40;
	v3 =	vadd.f32 v6, v3;
	v4 =	vadd.f32 v5, v4  }
0x246: {  	s0 =	simm.s32 $0x0  }
0x247: {  	[tilespmem:s25], [sflag:$0x2] =	stream.linear.gather [hbm4b:s19+s0], $0x8000, $0x38;
	[tilespmem:$0x10900] =	vst v63  }
0x248: {  	_ =	swait.ge [sflag:s26], $0x8000  }
0x249: {  	[sflag:s26] =	ssyncset.done $0x0  }
0x24a: {  	p0 =	por $0x1, $0x1;
	[sflag:s26] =	ssyncadd.s32 $0xFFFF8000  }
.LBB2_30:
0x24b: {  	v5 =	vld [tilespmem:s0+$0x700]  }
0x24c: {  	v7 =	vld [tilespmem:s0+$0x710]  }
0x24d: {  	v56 =	vld [tilespmem:s0+$0x720]  }
0x24e: {  	v10 =	vld [tilespmem:s0+$0x730]  }
0x24f: {  	v6 =	vmov s0;
	s29 =	sor.u32 $0x20, s0  }
0x250: {  	v6 =	vshll.u32 v6, $0x8;
	v11 =	vmov s29;
	s29 =	sor.u32 $0x30, s0;
	vm0 =	veq.s32 v5, $0xFFFFFFFF  }
0x251: {  	v6 =	vor.u32 v0, v6;
	v58 =	vmov s29;
	v5 =	vsel vm0, $0x0, v5  }
0x252: {  	v6 =	vand.u32 $0x4800, v6;
	vm1 =	veq.s32 v7, $0xFFFFFFFF;
	v8 =	vshll.u32 v5, $0x3  }
0x253: {  	vm2 =	veq.s32 v56, $0xFFFFFFFF;
	vm3 =	veq.s32 v10, $0xFFFFFFFF;
	v8 =	vand.u32 $0xFFFFFC00, v8  }
0x254: {  	s1 =	sor.u32 $0x10, s0;
	v7 =	vsel vm1, $0x0, v7;
	v5 =	vand.u32 $0x7F, v5;
	v6 =	vadd.s32 v6, v8  }
0x255: {  	v10 =	vsel vm3, $0x0, v10;
	v5 =	vor.u32 v5, v6;
	v6 =	vmov s1  }
0x256: {  	v9 =	vand.u32 $0x7F, v7;
	v7 =	vshll.u32 v7, $0x3;
	v6 =	vshll.u32 v6, $0x8  }
0x257: {  	v7 =	vand.u32 $0xFFFFFC00, v7;
	v8 =	vsel vm2, $0x0, v56;
	v6 =	vor.u32 v0, v6  }
0x258: {  	v57 =	vand.u32 $0x7F, v8;
	v8 =	vshll.u32 v8, $0x3;
	v6 =	vand.u32 $0x7FFFF800, v6  }
0x259: {  	v5 =	vor.u32 v1, v5;
	v6 =	vadd.s32 v6, v7;
	v7 =	vshll.u32 v11, $0x8  }
0x25a: {  	v8 =	vand.u32 $0xFFFFFC00, v8;
	v6 =	vor.u32 v9, v6;
	v7 =	vor.u32 v0, v7  }
0x25b: {  	v11 =	vshll.u32 v58, $0x8;
	v6 =	vor.u32 v1, v6;
	v7 =	vand.u32 $0x7FFFF800, v7  }
0x25c: {  	v60 =	vshll.u32 v10, $0x3;
	v59 =	vor.u32 v0, v11;
	v7 =	vadd.s32 v7, v8  }
0x25d: {  	v61 =	vand.u32 $0xFFFFFC00, v60;
	v8 =	vand.u32 $0x7FFFF800, v59;
	v7 =	vor.u32 v57, v7  }
0x25e: {  	v62 =	vand.u32 $0x7F, v10;
	v8 =	vadd.s32 v8, v61;
	v7 =	vor.u32 v1, v7  }
0x25f: {  	v5 =	vld.idx.msk [tilespmem:v5+s24+$0x0], $0xffff;
	v8 =	vor.u32 v62, v8  }
0x260: {  	v8 =	vor.u32 v1, v8;
	v6 =	vld.idx.msk [tilespmem:v6+s24+$0x0], $0xffff;
	_ =	sdelay $0x2  }
0x261: {  	v7 =	vld.idx.msk [tilespmem:v7+s24+$0x0], $0xffff  }
0x262: {  	v5 =	vsub.f32 $1.000000000e+00, v5  }
0x263: {  	v8 =	vld.idx.msk [tilespmem:v8+s24+$0x0], $0xffff;
	v6 =	vsub.f32 $1.000000000e+00, v6  }
0x264: {  	v5 =	vmul.f32 v5, v5  }
0x265: {  	v6 =	vmul.f32 v6, v6  }
0x266: {  	v63 =	vsel vm0, $0x0, v2;
	v5 =	vsel vm0, $0x0, v5;
	v7 =	vsub.f32 $1.000000000e+00, v7  }
0x267: {  	v3 =	vadd.f32 v63, v3;
	v4 =	vadd.f32 v5, v4;
	v5 =	vsel vm1, $0x0, v6  }
0x268: {  	p1 =	por p0, p0;
	v6 =	vsel vm1, $0x0, v2;
	v8 =	vsub.f32 $1.000000000e+00, v8;
	v7 =	vmul.f32 v7, v7  }
.Ltmp14:
0x269: {  	v4 =	vadd.f32 v5, v4;
	v3 =	vadd.f32 v6, v3;
	(pc) =	sbr.rel @p1 .LBB2_30-.Ltmp14, $4  }
0x26a: {  	v6 =	vsel vm2, $0x0, v2;
	v5 =	vsel vm2, $0x0, v7;
	v7 =	vmul.f32 v8, v8  }
0x26b: {  	v3 =	vadd.f32 v6, v3;
	v4 =	vadd.f32 v5, v4  }
0x26c: {  	v6 =	vsel vm3, $0x0, v2;
	v5 =	vsel vm3, $0x0, v7  }
0x26d: {  	p0 =	por $0x0, $0x0;
	s0 =	simm.s32 $0x40;
	v3 =	vadd.f32 v6, v3;
	v4 =	vadd.f32 v5, v4  }
0x26e: {  	_ =	swait.ge [sflag:s28], $0x8000  }
0x26f: {  	[sflag:s28] =	ssyncset.done $0x0  }
0x270: {  	s0 =	simm.s32 $0x0;
	p0 =	por $0x1, $0x1;
	[sflag:s28] =	ssyncadd.s32 $0xFFFF8000  }
.LBB2_32:
0x271: {  	v5 =	vld [tilespmem:s0+$0x780]  }
0x272: {  	v7 =	vld [tilespmem:s0+$0x790]  }
0x273: {  	v56 =	vld [tilespmem:s0+$0x7A0]  }
0x274: {  	v10 =	vld [tilespmem:s0+$0x7B0]  }
0x275: {  	v6 =	vmov s0;
	s29 =	sor.u32 $0x20, s0  }
0x276: {  	v6 =	vshll.u32 v6, $0x8;
	v11 =	vmov s29;
	s29 =	sor.u32 $0x30, s0;
	vm0 =	veq.s32 v5, $0xFFFFFFFF  }
0x277: {  	v6 =	vor.u32 v0, v6;
	v58 =	vmov s29;
	v5 =	vsel vm0, $0x0, v5  }
0x278: {  	v6 =	vand.u32 $0x4800, v6;
	vm1 =	veq.s32 v7, $0xFFFFFFFF;
	v8 =	vshll.u32 v5, $0x3  }
0x279: {  	vm2 =	veq.s32 v56, $0xFFFFFFFF;
	vm3 =	veq.s32 v10, $0xFFFFFFFF;
	v8 =	vand.u32 $0xFFFFFC00, v8  }
0x27a: {  	s1 =	sor.u32 $0x10, s0;
	v7 =	vsel vm1, $0x0, v7;
	v5 =	vand.u32 $0x7F, v5;
	v6 =	vadd.s32 v6, v8  }
0x27b: {  	v10 =	vsel vm3, $0x0, v10;
	v5 =	vor.u32 v5, v6;
	v6 =	vmov s1  }
0x27c: {  	v9 =	vand.u32 $0x7F, v7;
	v7 =	vshll.u32 v7, $0x3;
	v6 =	vshll.u32 v6, $0x8  }
0x27d: {  	v7 =	vand.u32 $0xFFFFFC00, v7;
	v8 =	vsel vm2, $0x0, v56;
	v6 =	vor.u32 v0, v6  }
0x27e: {  	v57 =	vand.u32 $0x7F, v8;
	v8 =	vshll.u32 v8, $0x3;
	v6 =	vand.u32 $0x7FFFF800, v6  }
0x27f: {  	v5 =	vor.u32 v1, v5;
	v6 =	vadd.s32 v6, v7;
	v7 =	vshll.u32 v11, $0x8  }
0x280: {  	v8 =	vand.u32 $0xFFFFFC00, v8;
	v6 =	vor.u32 v9, v6;
	v7 =	vor.u32 v0, v7  }
0x281: {  	v11 =	vshll.u32 v58, $0x8;
	v6 =	vor.u32 v1, v6;
	v7 =	vand.u32 $0x7FFFF800, v7  }
0x282: {  	v60 =	vshll.u32 v10, $0x3;
	v59 =	vor.u32 v0, v11;
	v7 =	vadd.s32 v7, v8  }
0x283: {  	v61 =	vand.u32 $0xFFFFFC00, v60;
	v8 =	vand.u32 $0x7FFFF800, v59;
	v7 =	vor.u32 v57, v7  }
0x284: {  	v62 =	vand.u32 $0x7F, v10;
	v8 =	vadd.s32 v8, v61;
	v7 =	vor.u32 v1, v7  }
0x285: {  	v5 =	vld.idx.msk [tilespmem:v5+s25+$0x0], $0xffff;
	v8 =	vor.u32 v62, v8  }
0x286: {  	v8 =	vor.u32 v1, v8;
	v6 =	vld.idx.msk [tilespmem:v6+s25+$0x0], $0xffff;
	_ =	sdelay $0x2  }
0x287: {  	v7 =	vld.idx.msk [tilespmem:v7+s25+$0x0], $0xffff  }
0x288: {  	v5 =	vsub.f32 $1.000000000e+00, v5  }
0x289: {  	v8 =	vld.idx.msk [tilespmem:v8+s25+$0x0], $0xffff;
	v6 =	vsub.f32 $1.000000000e+00, v6  }
0x28a: {  	v5 =	vmul.f32 v5, v5  }
0x28b: {  	v6 =	vmul.f32 v6, v6  }
0x28c: {  	v63 =	vsel vm0, $0x0, v2;
	v5 =	vsel vm0, $0x0, v5;
	v7 =	vsub.f32 $1.000000000e+00, v7  }
0x28d: {  	v3 =	vadd.f32 v63, v3;
	v4 =	vadd.f32 v5, v4;
	v5 =	vsel vm1, $0x0, v6  }
0x28e: {  	p1 =	por p0, p0;
	v6 =	vsel vm1, $0x0, v2;
	v8 =	vsub.f32 $1.000000000e+00, v8;
	v7 =	vmul.f32 v7, v7  }
.Ltmp15:
0x28f: {  	v4 =	vadd.f32 v5, v4;
	v3 =	vadd.f32 v6, v3;
	(pc) =	sbr.rel @p1 .LBB2_32-.Ltmp15, $4  }
0x290: {  	v6 =	vsel vm2, $0x0, v2;
	v5 =	vsel vm2, $0x0, v7;
	v7 =	vmul.f32 v8, v8  }
0x291: {  	v3 =	vadd.f32 v6, v3;
	v4 =	vadd.f32 v5, v4  }
0x292: {  	v6 =	vsel vm3, $0x0, v2;
	v5 =	vsel vm3, $0x0, v7  }
0x293: {  	p0 =	por $0x0, $0x0;
	s0 =	simm.s32 $0x40;
	v3 =	vadd.f32 v6, v3;
	v4 =	vadd.f32 v5, v4  }
0x294: {  	_ = 	snop  }
0x295: {  	[tilespmem:$0x10800] =	vst v4  }
0x296: {  	s0 =	simm.s32 $0x10800;
	[tilespmem:$0x10880] =	vst v3  }
0x297: {  	[hbm4b:s20+s2] =	stream.linear.scatter [tilespmem:s0], [sflag:$0x3], $0x80, $0x38;
	[tilespmem:$0x10900] =	vst v63  }
0x298: {  	s31 =	sadd.s32 $0x1, s31;
	_ =	swait.ge [sflag:s23], $0x80  }
0x299: {  	p0 =	sne.s32 s31, s22;
	[sflag:s23] =	ssyncset.done $0x0  }
.Ltmp16:
0x29a: {  	[sflag:s23] =	ssyncadd.s32 $0xFFFFFF80;
	(pc) =	sbr.rel @p0 .LBB2_1-.Ltmp16, $4  }
0x29b: {  	[hbm4b:s21+s2] =	stream.linear.scatter [tilespmem:s30], [sflag:$0x3], $0x80, $0x38;
	[tilespmem:$0x10900] =	vst v63  }
0x29c: {  	_ =	swait.ge [sflag:s23], $0x80  }
0x29d: {  	[sflag:s23] =	ssyncset.done $0x0  }
0x29e: {  	[sflag:s23] =	ssyncadd.s32 $0xFFFFFF80  }
0x29f: {  	_ =	sfence.sel $0x180000  }
0x2a0: {  	[bflag:$0x0] =	sbarrier.arrive $0xFFFF  }
0x2a1: {  	_ =	strace $0x90000047  }
0x2a2: {  	s0 =	stileid.u32;
	[bflag:$0x2] =	sbarrier.arrive $0xFFFF  }
0x2a3: {  	p0 =	sne.s32 s0, $0x0;
	s0 =	rddreg [dreg:$0x2]  }
0x2a4: {  	s0 =	sadd.s32 @!p0 $0x100000, s0  }
0x2a5: {  	[sflag:s0] =	ssyncadd.tile.s32 @!p0 $0x1;
	_ =	shalt  }
.Lfunc_end2:
_tile_overlayer_lowered:
.L_overlay_start_2:
0x2a6: {  	(tag) =	ssettag $0x2  }
0x2a7: {  	s0 =	rddreg [dreg:$0x0];
	s2 =	stileid.u32  }
0x2a8: {  	s1 =	rddreg [dreg:$0x1];
	p0 =	sne.s32 s2, $0x0  }
0x2a9: {  	s3 =	rddreg [dreg:$0x2];
	[bflag:$0x3] =	sbarrier.arrive $0xFFFF;
	s2 =	simm.s32 @!p0 $0x1C03  }
0x2aa: {  	[timem:s3], [sflag:s2] =	dma.local @!p0 [hbm:s0], s1  }
0x2ab: {  	s0 =	simm.s32 @!p0 $0x3  }
0x2ac: {  	_ =	swait.ge @!p0 [sflag:s0], s1  }
0x2ad: {  	s1 =	ssub.s32 @!p0 $0x0, s1;
	[sflag:s0] =	ssyncset.done @!p0 $0x0  }
0x2ae: {  	[sflag:s0] =	ssyncadd.s32 @!p0 s1  }
0x2af: {  	[bflag:$0x3] =	sbarrier.arrive $0xFFFF  }
0x2b0: {  	_ =	shalt  }

</sc_bundles>
